<compile_context>
chip_gen: v7x
topology: tpu7x:2x2x1
jax: 0.10.2.dev20260603
libtpu: 0.0.44.dev20260713+nightly
codegen_flags: <defaults>
</compile_context>

<pallas_src>
import functools

import jax
import jax.numpy as jnp
from jax import lax
from jax.experimental import pallas as pl
from jax.experimental.pallas import tpu as pltpu
from jax.experimental.pallas import tpu_sc as plsc

DIM = 16
ALPHA = 0.001
LANES = 16
WIN = 128
HALF = 8


def _dot_kernel(n_batch, n_rows, n_workers, ij_hbm, pt_hbm, mt_hbm, out_hbm,
                ij_v, iv_v, jv_v, out_v, pw, mw,
                sem_pa, sem_ma, sem_pb, sem_mb):
    bpw = n_batch // n_workers
    n_blocks = bpw // LANES
    wid = lax.axis_index("s") * 2 + lax.axis_index("c")
    base = wid * bpw

    pltpu.sync_copy(ij_hbm.at[pl.ds(2 * base, 2 * bpw)], ij_v)

    def unzip_block(blk, _):
        b0 = blk * LANES
        flat = 2 * (b0 + lax.iota(jnp.int32, LANES))
        iv_v[pl.ds(b0, LANES)] = plsc.load_gather(ij_v, [flat])
        jv_v[pl.ds(b0, LANES)] = plsc.load_gather(ij_v, [flat + 1])
        return 0

    lax.fori_loop(0, n_blocks, unzip_block, 0, unroll=4)

    def win_off(idx_scalar):
        return pl.multiple_of((idx_scalar >> 7) << 7, WIN)

    rows = lax.iota(jnp.int32, LANES)

    def fire_half(b0, off, slot, sp, sm):
        iv = iv_v[pl.ds(b0, LANES)]
        jv = jv_v[pl.ds(b0, LANES)]
        copies = []
        for u in range(HALF):
            l = off + u
            ci = win_off(iv[l])
            cj = win_off(jv[l])
            copies.append(pltpu.async_copy(
                pt_hbm.at[:, pl.ds(ci, WIN)], pw.at[slot * HALF + u], sp))
            copies.append(pltpu.async_copy(
                mt_hbm.at[:, pl.ds(cj, WIN)], mw.at[slot * HALF + u], sm))
        return copies

    def drain_half(slot, sp, sm):
        for u in range(HALF):
            pltpu.make_async_copy(
                pt_hbm.at[:, pl.ds(0, WIN)], pw.at[slot * HALF + u], sp).wait()
            pltpu.make_async_copy(
                mt_hbm.at[:, pl.ds(0, WIN)], mw.at[slot * HALF + u], sm).wait()

    def compute_half(b0, off, slot, res):
        iv = iv_v[pl.ds(b0, LANES)]
        jv = jv_v[pl.ds(b0, LANES)]
        for u in range(HALF):
            l = off + u
            oi = iv[l] - win_off(iv[l])
            oj = jv[l] - win_off(jv[l])
            pvec = plsc.load_gather(
                pw.at[slot * HALF + u], [rows, jnp.broadcast_to(oi, (LANES,))])
            mvec = plsc.load_gather(
                mw.at[slot * HALF + u], [rows, jnp.broadcast_to(oj, (LANES,))])
            s = jnp.sum(pvec * mvec)
            res = jnp.where(rows == l, s, res)
        return res

    def block_body(blk, _):
        b0 = blk * LANES
        copies_b = fire_half(b0, HALF, 1, sem_pb, sem_mb)
        drain_half(0, sem_pa, sem_ma)
        res = compute_half(b0, 0, 0, jnp.zeros((LANES,), jnp.float32))

        @pl.when(blk + 1 < n_blocks)
        def _():
            fire_half(b0 + LANES, 0, 0, sem_pa, sem_ma)

        for cp in copies_b:
            cp.wait()
        res = compute_half(b0, HALF, 1, res)
        out_v[pl.ds(b0, LANES)] = res * jnp.float32(ALPHA)
        return 0

    fire_half(0, 0, 0, sem_pa, sem_ma)
    lax.fori_loop(0, n_blocks, block_body, 0)

    pltpu.sync_copy(out_v, out_hbm.at[pl.ds(base, bpw)])


def kernel(ij, P, M):
    ij_flat = ij.astype(jnp.int32).reshape(-1)
    pt = P.T
    mt = M.T
    n_batch = ij.shape[0]
    n_rows = P.shape[0]
    info = plsc.get_sparse_core_info()
    n_workers = info.num_cores * info.num_subcores
    bpw = n_batch // n_workers

    mesh = plsc.VectorSubcoreMesh(core_axis_name="c", subcore_axis_name="s")
    run = pl.kernel(
        functools.partial(_dot_kernel, n_batch, n_rows, n_workers),
        out_type=jax.ShapeDtypeStruct((n_batch,), jnp.float32),
        mesh=mesh,
        scratch_types=[
            pltpu.VMEM((2 * bpw,), jnp.int32),
            pltpu.VMEM((bpw,), jnp.int32),
            pltpu.VMEM((bpw,), jnp.int32),
            pltpu.VMEM((bpw,), jnp.float32),
            pltpu.VMEM((2 * HALF, DIM, WIN), jnp.float32),
            pltpu.VMEM((2 * HALF, DIM, WIN), jnp.float32),
            pltpu.SemaphoreType.DMA,
            pltpu.SemaphoreType.DMA,
            pltpu.SemaphoreType.DMA,
            pltpu.SemaphoreType.DMA,
        ],
        compiler_params=pltpu.CompilerParams(needs_layout_passes=False),
    )
    return run(ij_flat, pt, mt)

# --- scband reference (transcript-rebuilt; emitter-appended) ---
"""Pipeline reference for scband-matrix-factorization-46875273069382 (READ-ONLY COPY).

The authoritative reference and input builder live on the scoring server;
editing this copy changes nothing except your own understanding.
"""

import jax, jax.numpy as jnp
import numpy as np

BATCH = 16384
N_P = 1000000
N_M = 1000000
DIM = 16
ALPHA = 0.001

def setup_inputs(seed: int = 0) -> dict:
    key = jax.random.key(seed)
    k1, k2, k3 = jax.random.split(key, 3)
    ij = jax.random.randint(k1, (BATCH, 2), 0, N_P, dtype=jnp.int64) if jax.config.jax_enable_x64 else jax.random.randint(k1, (BATCH, 2), 0, N_P, dtype=jnp.int32)
    P = jax.random.normal(k2, (N_P, DIM), dtype=jnp.float32) * 0.02
    M = jax.random.normal(k3, (N_M, DIM), dtype=jnp.float32) * 0.02
    return {"ij": ij, "P": P, "M": M}

def reference(ij, P, M):
    # MatrixFactorization.__call__ with baseline=None, full=False:
    #   vmap over rows of ij: C_hat_ij = alpha * dot(P[i], M[j])
    i = ij[:, 0]
    j = ij[:, 1]
    p_rows = jnp.take(P, i, axis=0)   # gather: embedding lookup
    m_rows = jnp.take(M, j, axis=0)   # gather: embedding lookup
    out = ALPHA * jnp.sum(p_rows * m_rows, axis=-1)
    return out

if __name__ == "__main__":
    import jax
    _d = setup_inputs()
    print(jax.jit(kernel)(*tuple(_d.values())))

</pallas_src>

<mosaic_0001>
#map = affine_map<(d0, d1) -> (0)>
#map1 = affine_map<(d0, d1) -> (0, 0)>
module attributes {stable_mosaic.version = 14 : i64} {
  func.func @_dot_kernel(%arg0: i32, %arg1: i32, %arg2: memref<32768xi32, #tpu.memory_space<hbm>>, %arg3: memref<16x1000000xf32, #tpu.memory_space<hbm>>, %arg4: memref<16x1000000xf32, #tpu.memory_space<hbm>>, %arg5: memref<16384xf32, #tpu.memory_space<hbm>>, %arg6: memref<1024xi32, #tpu.memory_space<vmem>>, %arg7: memref<512xi32, #tpu.memory_space<vmem>>, %arg8: memref<512xi32, #tpu.memory_space<vmem>>, %arg9: memref<512xf32, #tpu.memory_space<vmem>>, %arg10: memref<16x16x128xf32, #tpu.memory_space<vmem>>, %arg11: memref<16x16x128xf32, #tpu.memory_space<vmem>>, %arg12: memref<!tpu.dma_semaphore, #tpu.memory_space<semaphore_mem>>, %arg13: memref<!tpu.dma_semaphore, #tpu.memory_space<semaphore_mem>>, %arg14: memref<!tpu.dma_semaphore, #tpu.memory_space<semaphore_mem>>, %arg15: memref<!tpu.dma_semaphore, #tpu.memory_space<semaphore_mem>>) attributes {dimension_semantics = [#tpu.dimension_semantics<core_parallel>, #tpu.dimension_semantics<subcore_parallel>], iteration_bounds = array<i64: 2, 16>, scalar_prefetch = 0 : i64, scratch_operands = 10 : i64, tpu.core_type = #tpu.core_type<sc_vector_subcore>, window_params = [{transform_indices = #map}, {transform_indices = #map1}, {transform_indices = #map1}, {transform_indices = #map}]} {
    %mul3A = arith.constant 2 : i32
    %mul3A_0 = arith.muli %arg1, %mul3A : i32
    %add3A = arith.addi %mul3A_0, %arg0 : i32
    %mul3A_1 = arith.constant 512 : i32
    %mul3A_2 = arith.muli %add3A, %mul3A_1 : i32
    %mul3A_3 = arith.constant 2 : i32
    %mul3A_4 = arith.muli %mul3A_3, %mul3A_2 : i32
    "tpu.region"() ({
      %run_scoped3A = tpu.sem_alloc : memref<!tpu.dma_semaphore, #tpu.memory_space<semaphore_mem>>
      %dma_start3A_335 = tpu.memref_slice %arg2[%mul3A_4] : memref<32768xi32, #tpu.memory_space<hbm>> -> memref<1024xi32, #tpu.memory_space<hbm>>
      %dma_start3A_336 = tpu.memref_slice %arg2[%mul3A_4] : memref<32768xi32, #tpu.memory_space<hbm>> -> memref<1024xi32, #tpu.memory_space<hbm>>
      tpu.enqueue_dma source(%dma_start3A_336 : memref<1024xi32, #tpu.memory_space<hbm>>) target(%arg6 : memref<1024xi32, #tpu.memory_space<vmem>>) target_semaphore(%run_scoped3A : memref<!tpu.dma_semaphore, #tpu.memory_space<semaphore_mem>>)
      %dma_wait3A = tpu.memref_slice %arg2[%mul3A_4] : memref<32768xi32, #tpu.memory_space<hbm>> -> memref<1024xi32, #tpu.memory_space<hbm>>
      %dma_wait3A_337 = tpu.memref_slice %arg2[%mul3A_4] : memref<32768xi32, #tpu.memory_space<hbm>> -> memref<1024xi32, #tpu.memory_space<hbm>>
      tpu.wait_dma2 semaphore(%run_scoped3A : memref<!tpu.dma_semaphore, #tpu.memory_space<semaphore_mem>>) src(%dma_wait3A_337 : memref<1024xi32, #tpu.memory_space<hbm>>) dst(%arg6 : memref<1024xi32, #tpu.memory_space<vmem>>)
      tpu.yield
    }) : () -> ()
    %scan3A = arith.constant 0 : i32
    %scan3A_5 = arith.constant 0 : i32
    %scan3A_6 = arith.constant 32 : i32
    %scan3A_7 = arith.addi %scan3A_5, %scan3A_6 : i32
    %scan3A_8 = arith.constant 4 : i32
    %scan3A_9 = scf.for %scan3A_335 = %scan3A_5 to %scan3A_7 step %scan3A_8 iter_args(%scan3A_336 = %scan3A) -> (i32)  : i32 {
      %mul3A_337 = arith.constant 16 : i32
      %mul3A_338 = arith.muli %scan3A_335, %mul3A_337 : i32
      %iota3A_339 = tpu.iota {dimensions = array<i32: 0>} : vector<16xi32>
      %add3A_340 = vector.broadcast %mul3A_338 : i32 to vector<16xi32>
      %add3A_341 = arith.addi %add3A_340, %iota3A_339 : vector<16xi32>
      %mul3A_342 = arith.constant 2 : i32
      %mul3A_343 = vector.broadcast %mul3A_342 : i32 to vector<16xi32>
      %mul3A_344 = arith.muli %mul3A_343, %add3A_341 : vector<16xi32>
      %gather3A = tpu.vector_load_idx %arg6[%mul3A_344] : memref<1024xi32, #tpu.memory_space<vmem>>[vector<16xi32>], vector<16xi32>,
      %swap3A = arith.index_cast %mul3A_338 : i32 to index
      %swap3A_345 = tpu.vector_load %arg7[%swap3A] {strides = array<i32>} : memref<512xi32, #tpu.memory_space<vmem>>, vector<16xi32>,
      tpu.vector_store %arg7[%swap3A], %gather3A {strides = array<i32>} : memref<512xi32, #tpu.memory_space<vmem>>, vector<16xi32>,
      %add3A_346 = arith.constant 1 : i32
      %add3A_347 = vector.broadcast %add3A_346 : i32 to vector<16xi32>
      %add3A_348 = arith.addi %mul3A_344, %add3A_347 : vector<16xi32>
      %gather3A_349 = tpu.vector_load_idx %arg6[%add3A_348] : memref<1024xi32, #tpu.memory_space<vmem>>[vector<16xi32>], vector<16xi32>,
      %swap3A_350 = arith.index_cast %mul3A_338 : i32 to index
      %swap3A_351 = tpu.vector_load %arg8[%swap3A_350] {strides = array<i32>} : memref<512xi32, #tpu.memory_space<vmem>>, vector<16xi32>,
      tpu.vector_store %arg8[%swap3A_350], %gather3A_349 {strides = array<i32>} : memref<512xi32, #tpu.memory_space<vmem>>, vector<16xi32>,
      %scan3A_352 = arith.constant 0 : i32
      %scan3A_353 = arith.constant 1 : i32
      %scan3A_354 = arith.addi %scan3A_335, %scan3A_353 : i32
      %mul3A_355 = arith.constant 16 : i32
      %mul3A_356 = arith.muli %scan3A_354, %mul3A_355 : i32
      %iota3A_357 = tpu.iota {dimensions = array<i32: 0>} : vector<16xi32>
      %add3A_358 = vector.broadcast %mul3A_356 : i32 to vector<16xi32>
      %add3A_359 = arith.addi %add3A_358, %iota3A_357 : vector<16xi32>
      %mul3A_360 = arith.constant 2 : i32
      %mul3A_361 = vector.broadcast %mul3A_360 : i32 to vector<16xi32>
      %mul3A_362 = arith.muli %mul3A_361, %add3A_359 : vector<16xi32>
      %gather3A_363 = tpu.vector_load_idx %arg6[%mul3A_362] : memref<1024xi32, #tpu.memory_space<vmem>>[vector<16xi32>], vector<16xi32>,
      %swap3A_364 = arith.index_cast %mul3A_356 : i32 to index
      %swap3A_365 = tpu.vector_load %arg7[%swap3A_364] {strides = array<i32>} : memref<512xi32, #tpu.memory_space<vmem>>, vector<16xi32>,
      tpu.vector_store %arg7[%swap3A_364], %gather3A_363 {strides = array<i32>} : memref<512xi32, #tpu.memory_space<vmem>>, vector<16xi32>,
      %add3A_366 = arith.constant 1 : i32
      %add3A_367 = vector.broadcast %add3A_366 : i32 to vector<16xi32>
      %add3A_368 = arith.addi %mul3A_362, %add3A_367 : vector<16xi32>
      %gather3A_369 = tpu.vector_load_idx %arg6[%add3A_368] : memref<1024xi32, #tpu.memory_space<vmem>>[vector<16xi32>], vector<16xi32>,
      %swap3A_370 = arith.index_cast %mul3A_356 : i32 to index
      %swap3A_371 = tpu.vector_load %arg8[%swap3A_370] {strides = array<i32>} : memref<512xi32, #tpu.memory_space<vmem>>, vector<16xi32>,
      tpu.vector_store %arg8[%swap3A_370], %gather3A_369 {strides = array<i32>} : memref<512xi32, #tpu.memory_space<vmem>>, vector<16xi32>,
      %scan3A_372 = arith.constant 0 : i32
      %scan3A_373 = arith.constant 2 : i32
      %scan3A_374 = arith.addi %scan3A_335, %scan3A_373 : i32
      %mul3A_375 = arith.constant 16 : i32
      %mul3A_376 = arith.muli %scan3A_374, %mul3A_375 : i32
      %iota3A_377 = tpu.iota {dimensions = array<i32: 0>} : vector<16xi32>
      %add3A_378 = vector.broadcast %mul3A_376 : i32 to vector<16xi32>
      %add3A_379 = arith.addi %add3A_378, %iota3A_377 : vector<16xi32>
      %mul3A_380 = arith.constant 2 : i32
      %mul3A_381 = vector.broadcast %mul3A_380 : i32 to vector<16xi32>
      %mul3A_382 = arith.muli %mul3A_381, %add3A_379 : vector<16xi32>
      %gather3A_383 = tpu.vector_load_idx %arg6[%mul3A_382] : memref<1024xi32, #tpu.memory_space<vmem>>[vector<16xi32>], vector<16xi32>,
      %swap3A_384 = arith.index_cast %mul3A_376 : i32 to index
      %swap3A_385 = tpu.vector_load %arg7[%swap3A_384] {strides = array<i32>} : memref<512xi32, #tpu.memory_space<vmem>>, vector<16xi32>,
      tpu.vector_store %arg7[%swap3A_384], %gather3A_383 {strides = array<i32>} : memref<512xi32, #tpu.memory_space<vmem>>, vector<16xi32>,
      %add3A_386 = arith.constant 1 : i32
      %add3A_387 = vector.broadcast %add3A_386 : i32 to vector<16xi32>
      %add3A_388 = arith.addi %mul3A_382, %add3A_387 : vector<16xi32>
      %gather3A_389 = tpu.vector_load_idx %arg6[%add3A_388] : memref<1024xi32, #tpu.memory_space<vmem>>[vector<16xi32>], vector<16xi32>,
      %swap3A_390 = arith.index_cast %mul3A_376 : i32 to index
      %swap3A_391 = tpu.vector_load %arg8[%swap3A_390] {strides = array<i32>} : memref<512xi32, #tpu.memory_space<vmem>>, vector<16xi32>,
      tpu.vector_store %arg8[%swap3A_390], %gather3A_389 {strides = array<i32>} : memref<512xi32, #tpu.memory_space<vmem>>, vector<16xi32>,
      %scan3A_392 = arith.constant 0 : i32
      %scan3A_393 = arith.constant 3 : i32
      %scan3A_394 = arith.addi %scan3A_335, %scan3A_393 : i32
      %mul3A_395 = arith.constant 16 : i32
      %mul3A_396 = arith.muli %scan3A_394, %mul3A_395 : i32
      %iota3A_397 = tpu.iota {dimensions = array<i32: 0>} : vector<16xi32>
      %add3A_398 = vector.broadcast %mul3A_396 : i32 to vector<16xi32>
      %add3A_399 = arith.addi %add3A_398, %iota3A_397 : vector<16xi32>
      %mul3A_400 = arith.constant 2 : i32
      %mul3A_401 = vector.broadcast %mul3A_400 : i32 to vector<16xi32>
      %mul3A_402 = arith.muli %mul3A_401, %add3A_399 : vector<16xi32>
      %gather3A_403 = tpu.vector_load_idx %arg6[%mul3A_402] : memref<1024xi32, #tpu.memory_space<vmem>>[vector<16xi32>], vector<16xi32>,
      %swap3A_404 = arith.index_cast %mul3A_396 : i32 to index
      %swap3A_405 = tpu.vector_load %arg7[%swap3A_404] {strides = array<i32>} : memref<512xi32, #tpu.memory_space<vmem>>, vector<16xi32>,
      tpu.vector_store %arg7[%swap3A_404], %gather3A_403 {strides = array<i32>} : memref<512xi32, #tpu.memory_space<vmem>>, vector<16xi32>,
      %add3A_406 = arith.constant 1 : i32
      %add3A_407 = vector.broadcast %add3A_406 : i32 to vector<16xi32>
      %add3A_408 = arith.addi %mul3A_402, %add3A_407 : vector<16xi32>
      %gather3A_409 = tpu.vector_load_idx %arg6[%add3A_408] : memref<1024xi32, #tpu.memory_space<vmem>>[vector<16xi32>], vector<16xi32>,
      %swap3A_410 = arith.index_cast %mul3A_396 : i32 to index
      %swap3A_411 = tpu.vector_load %arg8[%swap3A_410] {strides = array<i32>} : memref<512xi32, #tpu.memory_space<vmem>>, vector<16xi32>,
      tpu.vector_store %arg8[%swap3A_410], %gather3A_409 {strides = array<i32>} : memref<512xi32, #tpu.memory_space<vmem>>, vector<16xi32>,
      %scan3A_412 = arith.constant 0 : i32
      scf.yield %scan3A_412 : i32
    }
    %scan3A_10 = arith.constant 32 : i32
    %iota3A = tpu.iota {dimensions = array<i32: 0>} : vector<16xi32>
    %get3A = arith.constant 0 : index
    %get3A_11 = tpu.vector_load %arg7[%get3A] {strides = array<i32>} : memref<512xi32, #tpu.memory_space<vmem>>, vector<16xi32>,
    %get3A_12 = arith.constant 0 : index
    %get3A_13 = tpu.vector_load %arg8[%get3A_12] {strides = array<i32>} : memref<512xi32, #tpu.memory_space<vmem>>, vector<16xi32>,
    %slice3A = vector.extract_strided_slice %get3A_11 {offsets = [0], sizes = [1], strides = [1]} : vector<16xi32> to vector<1xi32>
    %squeeze3A = vector.extract %slice3A[0] : i32 from vector<1xi32>
    %shift_right_arithmetic3A = arith.constant 7 : i32
    %shift_right_arithmetic3A_14 = arith.shrsi %squeeze3A, %shift_right_arithmetic3A : i32
    %shift_left3A = arith.constant 7 : i32
    %shift_left3A_15 = arith.shli %shift_right_arithmetic3A_14, %shift_left3A : i32
    %multiple_of3A = tpu.assume_multiple %shift_left3A_15, 128 : i32
    %slice3A_16 = vector.extract_strided_slice %get3A_13 {offsets = [0], sizes = [1], strides = [1]} : vector<16xi32> to vector<1xi32>
    %squeeze3A_17 = vector.extract %slice3A_16[0] : i32 from vector<1xi32>
    %shift_right_arithmetic3A_18 = arith.constant 7 : i32
    %shift_right_arithmetic3A_19 = arith.shrsi %squeeze3A_17, %shift_right_arithmetic3A_18 : i32
    %shift_left3A_20 = arith.constant 7 : i32
    %shift_left3A_21 = arith.shli %shift_right_arithmetic3A_19, %shift_left3A_20 : i32
    %multiple_of3A_22 = tpu.assume_multiple %shift_left3A_21, 128 : i32
    %dma_start3A = arith.constant 0 : i32
    %dma_start3A_23 = arith.constant 0 : i32
    %dma_start3A_24 = arith.constant 0 : i32
    %dma_start3A_25 = tpu.memref_slice %arg10[%dma_start3A, %dma_start3A_23, %dma_start3A_24] : memref<16x16x128xf32, #tpu.memory_space<vmem>> -> memref<1x16x128xf32, #tpu.memory_space<vmem>>
    %dma_start3A_26 = tpu.memref_squeeze %dma_start3A_25 : memref<1x16x128xf32, #tpu.memory_space<vmem>> -> memref<16x128xf32, #tpu.memory_space<vmem>>
    %dma_start3A_27 = arith.constant 0 : i32
    %dma_start3A_28 = tpu.memref_slice %arg3[%dma_start3A_27, %multiple_of3A] : memref<16x1000000xf32, #tpu.memory_space<hbm>> -> memref<16x128xf32, #tpu.memory_space<hbm>>
    %dma_start3A_29 = arith.constant 0 : i32
    %dma_start3A_30 = arith.constant 0 : i32
    %dma_start3A_31 = tpu.memref_slice %arg10[%dma_start3A, %dma_start3A_29, %dma_start3A_30] : memref<16x16x128xf32, #tpu.memory_space<vmem>> -> memref<1x16x128xf32, #tpu.memory_space<vmem>>
    %dma_start3A_32 = tpu.memref_squeeze %dma_start3A_31 : memref<1x16x128xf32, #tpu.memory_space<vmem>> -> memref<16x128xf32, #tpu.memory_space<vmem>>
    %dma_start3A_33 = arith.constant 0 : i32
    %dma_start3A_34 = tpu.memref_slice %arg3[%dma_start3A_33, %multiple_of3A] : memref<16x1000000xf32, #tpu.memory_space<hbm>> -> memref<16x128xf32, #tpu.memory_space<hbm>>
    tpu.enqueue_dma source(%dma_start3A_34 : memref<16x128xf32, #tpu.memory_space<hbm>>) target(%dma_start3A_32 : memref<16x128xf32, #tpu.memory_space<vmem>>) target_semaphore(%arg12 : memref<!tpu.dma_semaphore, #tpu.memory_space<semaphore_mem>>)
    %dma_start3A_35 = arith.constant 0 : i32
    %dma_start3A_36 = arith.constant 0 : i32
    %dma_start3A_37 = arith.constant 0 : i32
    %dma_start3A_38 = tpu.memref_slice %arg11[%dma_start3A_35, %dma_start3A_36, %dma_start3A_37] : memref<16x16x128xf32, #tpu.memory_space<vmem>> -> memref<1x16x128xf32, #tpu.memory_space<vmem>>
    %dma_start3A_39 = tpu.memref_squeeze %dma_start3A_38 : memref<1x16x128xf32, #tpu.memory_space<vmem>> -> memref<16x128xf32, #tpu.memory_space<vmem>>
    %dma_start3A_40 = arith.constant 0 : i32
    %dma_start3A_41 = tpu.memref_slice %arg4[%dma_start3A_40, %multiple_of3A_22] : memref<16x1000000xf32, #tpu.memory_space<hbm>> -> memref<16x128xf32, #tpu.memory_space<hbm>>
    %dma_start3A_42 = arith.constant 0 : i32
    %dma_start3A_43 = arith.constant 0 : i32
    %dma_start3A_44 = tpu.memref_slice %arg11[%dma_start3A_35, %dma_start3A_42, %dma_start3A_43] : memref<16x16x128xf32, #tpu.memory_space<vmem>> -> memref<1x16x128xf32, #tpu.memory_space<vmem>>
    %dma_start3A_45 = tpu.memref_squeeze %dma_start3A_44 : memref<1x16x128xf32, #tpu.memory_space<vmem>> -> memref<16x128xf32, #tpu.memory_space<vmem>>
    %dma_start3A_46 = arith.constant 0 : i32
    %dma_start3A_47 = tpu.memref_slice %arg4[%dma_start3A_46, %multiple_of3A_22] : memref<16x1000000xf32, #tpu.memory_space<hbm>> -> memref<16x128xf32, #tpu.memory_space<hbm>>
    tpu.enqueue_dma source(%dma_start3A_47 : memref<16x128xf32, #tpu.memory_space<hbm>>) target(%dma_start3A_45 : memref<16x128xf32, #tpu.memory_space<vmem>>) target_semaphore(%arg13 : memref<!tpu.dma_semaphore, #tpu.memory_space<semaphore_mem>>)
    %slice3A_48 = vector.extract_strided_slice %get3A_11 {offsets = [1], sizes = [1], strides = [1]} : vector<16xi32> to vector<1xi32>
    %squeeze3A_49 = vector.extract %slice3A_48[0] : i32 from vector<1xi32>
    %shift_right_arithmetic3A_50 = arith.constant 7 : i32
    %shift_right_arithmetic3A_51 = arith.shrsi %squeeze3A_49, %shift_right_arithmetic3A_50 : i32
    %shift_left3A_52 = arith.constant 7 : i32
    %shift_left3A_53 = arith.shli %shift_right_arithmetic3A_51, %shift_left3A_52 : i32
    %multiple_of3A_54 = tpu.assume_multiple %shift_left3A_53, 128 : i32
    %slice3A_55 = vector.extract_strided_slice %get3A_13 {offsets = [1], sizes = [1], strides = [1]} : vector<16xi32> to vector<1xi32>
    %squeeze3A_56 = vector.extract %slice3A_55[0] : i32 from vector<1xi32>
    %shift_right_arithmetic3A_57 = arith.constant 7 : i32
    %shift_right_arithmetic3A_58 = arith.shrsi %squeeze3A_56, %shift_right_arithmetic3A_57 : i32
    %shift_left3A_59 = arith.constant 7 : i32
    %shift_left3A_60 = arith.shli %shift_right_arithmetic3A_58, %shift_left3A_59 : i32
    %multiple_of3A_61 = tpu.assume_multiple %shift_left3A_60, 128 : i32
    %dma_start3A_62 = arith.constant 1 : i32
    %dma_start3A_63 = arith.constant 0 : i32
    %dma_start3A_64 = arith.constant 0 : i32
    %dma_start3A_65 = tpu.memref_slice %arg10[%dma_start3A_62, %dma_start3A_63, %dma_start3A_64] : memref<16x16x128xf32, #tpu.memory_space<vmem>> -> memref<1x16x128xf32, #tpu.memory_space<vmem>>
    %dma_start3A_66 = tpu.memref_squeeze %dma_start3A_65 : memref<1x16x128xf32, #tpu.memory_space<vmem>> -> memref<16x128xf32, #tpu.memory_space<vmem>>
    %dma_start3A_67 = arith.constant 0 : i32
    %dma_start3A_68 = tpu.memref_slice %arg3[%dma_start3A_67, %multiple_of3A_54] : memref<16x1000000xf32, #tpu.memory_space<hbm>> -> memref<16x128xf32, #tpu.memory_space<hbm>>
    %dma_start3A_69 = arith.constant 0 : i32
    %dma_start3A_70 = arith.constant 0 : i32
    %dma_start3A_71 = tpu.memref_slice %arg10[%dma_start3A_62, %dma_start3A_69, %dma_start3A_70] : memref<16x16x128xf32, #tpu.memory_space<vmem>> -> memref<1x16x128xf32, #tpu.memory_space<vmem>>
    %dma_start3A_72 = tpu.memref_squeeze %dma_start3A_71 : memref<1x16x128xf32, #tpu.memory_space<vmem>> -> memref<16x128xf32, #tpu.memory_space<vmem>>
    %dma_start3A_73 = arith.constant 0 : i32
    %dma_start3A_74 = tpu.memref_slice %arg3[%dma_start3A_73, %multiple_of3A_54] : memref<16x1000000xf32, #tpu.memory_space<hbm>> -> memref<16x128xf32, #tpu.memory_space<hbm>>
    tpu.enqueue_dma source(%dma_start3A_74 : memref<16x128xf32, #tpu.memory_space<hbm>>) target(%dma_start3A_72 : memref<16x128xf32, #tpu.memory_space<vmem>>) target_semaphore(%arg12 : memref<!tpu.dma_semaphore, #tpu.memory_space<semaphore_mem>>)
    %dma_start3A_75 = arith.constant 1 : i32
    %dma_start3A_76 = arith.constant 0 : i32
    %dma_start3A_77 = arith.constant 0 : i32
    %dma_start3A_78 = tpu.memref_slice %arg11[%dma_start3A_75, %dma_start3A_76, %dma_start3A_77] : memref<16x16x128xf32, #tpu.memory_space<vmem>> -> memref<1x16x128xf32, #tpu.memory_space<vmem>>
    %dma_start3A_79 = tpu.memref_squeeze %dma_start3A_78 : memref<1x16x128xf32, #tpu.memory_space<vmem>> -> memref<16x128xf32, #tpu.memory_space<vmem>>
    %dma_start3A_80 = arith.constant 0 : i32
    %dma_start3A_81 = tpu.memref_slice %arg4[%dma_start3A_80, %multiple_of3A_61] : memref<16x1000000xf32, #tpu.memory_space<hbm>> -> memref<16x128xf32, #tpu.memory_space<hbm>>
    %dma_start3A_82 = arith.constant 0 : i32
    %dma_start3A_83 = arith.constant 0 : i32
    %dma_start3A_84 = tpu.memref_slice %arg11[%dma_start3A_75, %dma_start3A_82, %dma_start3A_83] : memref<16x16x128xf32, #tpu.memory_space<vmem>> -> memref<1x16x128xf32, #tpu.memory_space<vmem>>
    %dma_start3A_85 = tpu.memref_squeeze %dma_start3A_84 : memref<1x16x128xf32, #tpu.memory_space<vmem>> -> memref<16x128xf32, #tpu.memory_space<vmem>>
    %dma_start3A_86 = arith.constant 0 : i32
    %dma_start3A_87 = tpu.memref_slice %arg4[%dma_start3A_86, %multiple_of3A_61] : memref<16x1000000xf32, #tpu.memory_space<hbm>> -> memref<16x128xf32, #tpu.memory_space<hbm>>
    tpu.enqueue_dma source(%dma_start3A_87 : memref<16x128xf32, #tpu.memory_space<hbm>>) target(%dma_start3A_85 : memref<16x128xf32, #tpu.memory_space<vmem>>) target_semaphore(%arg13 : memref<!tpu.dma_semaphore, #tpu.memory_space<semaphore_mem>>)
    %slice3A_88 = vector.extract_strided_slice %get3A_11 {offsets = [2], sizes = [1], strides = [1]} : vector<16xi32> to vector<1xi32>
    %squeeze3A_89 = vector.extract %slice3A_88[0] : i32 from vector<1xi32>
    %shift_right_arithmetic3A_90 = arith.constant 7 : i32
    %shift_right_arithmetic3A_91 = arith.shrsi %squeeze3A_89, %shift_right_arithmetic3A_90 : i32
    %shift_left3A_92 = arith.constant 7 : i32
    %shift_left3A_93 = arith.shli %shift_right_arithmetic3A_91, %shift_left3A_92 : i32
    %multiple_of3A_94 = tpu.assume_multiple %shift_left3A_93, 128 : i32
    %slice3A_95 = vector.extract_strided_slice %get3A_13 {offsets = [2], sizes = [1], strides = [1]} : vector<16xi32> to vector<1xi32>
    %squeeze3A_96 = vector.extract %slice3A_95[0] : i32 from vector<1xi32>
    %shift_right_arithmetic3A_97 = arith.constant 7 : i32
    %shift_right_arithmetic3A_98 = arith.shrsi %squeeze3A_96, %shift_right_arithmetic3A_97 : i32
    %shift_left3A_99 = arith.constant 7 : i32
    %shift_left3A_100 = arith.shli %shift_right_arithmetic3A_98, %shift_left3A_99 : i32
    %multiple_of3A_101 = tpu.assume_multiple %shift_left3A_100, 128 : i32
    %dma_start3A_102 = arith.constant 2 : i32
    %dma_start3A_103 = arith.constant 0 : i32
    %dma_start3A_104 = arith.constant 0 : i32
    %dma_start3A_105 = tpu.memref_slice %arg10[%dma_start3A_102, %dma_start3A_103, %dma_start3A_104] : memref<16x16x128xf32, #tpu.memory_space<vmem>> -> memref<1x16x128xf32, #tpu.memory_space<vmem>>
    %dma_start3A_106 = tpu.memref_squeeze %dma_start3A_105 : memref<1x16x128xf32, #tpu.memory_space<vmem>> -> memref<16x128xf32, #tpu.memory_space<vmem>>
    %dma_start3A_107 = arith.constant 0 : i32
    %dma_start3A_108 = tpu.memref_slice %arg3[%dma_start3A_107, %multiple_of3A_94] : memref<16x1000000xf32, #tpu.memory_space<hbm>> -> memref<16x128xf32, #tpu.memory_space<hbm>>
    %dma_start3A_109 = arith.constant 0 : i32
    %dma_start3A_110 = arith.constant 0 : i32
    %dma_start3A_111 = tpu.memref_slice %arg10[%dma_start3A_102, %dma_start3A_109, %dma_start3A_110] : memref<16x16x128xf32, #tpu.memory_space<vmem>> -> memref<1x16x128xf32, #tpu.memory_space<vmem>>
    %dma_start3A_112 = tpu.memref_squeeze %dma_start3A_111 : memref<1x16x128xf32, #tpu.memory_space<vmem>> -> memref<16x128xf32, #tpu.memory_space<vmem>>
    %dma_start3A_113 = arith.constant 0 : i32
    %dma_start3A_114 = tpu.memref_slice %arg3[%dma_start3A_113, %multiple_of3A_94] : memref<16x1000000xf32, #tpu.memory_space<hbm>> -> memref<16x128xf32, #tpu.memory_space<hbm>>
    tpu.enqueue_dma source(%dma_start3A_114 : memref<16x128xf32, #tpu.memory_space<hbm>>) target(%dma_start3A_112 : memref<16x128xf32, #tpu.memory_space<vmem>>) target_semaphore(%arg12 : memref<!tpu.dma_semaphore, #tpu.memory_space<semaphore_mem>>)
    %dma_start3A_115 = arith.constant 2 : i32
    %dma_start3A_116 = arith.constant 0 : i32
    %dma_start3A_117 = arith.constant 0 : i32
    %dma_start3A_118 = tpu.memref_slice %arg11[%dma_start3A_115, %dma_start3A_116, %dma_start3A_117] : memref<16x16x128xf32, #tpu.memory_space<vmem>> -> memref<1x16x128xf32, #tpu.memory_space<vmem>>
    %dma_start3A_119 = tpu.memref_squeeze %dma_start3A_118 : memref<1x16x128xf32, #tpu.memory_space<vmem>> -> memref<16x128xf32, #tpu.memory_space<vmem>>
    %dma_start3A_120 = arith.constant 0 : i32
    %dma_start3A_121 = tpu.memref_slice %arg4[%dma_start3A_120, %multiple_of3A_101] : memref<16x1000000xf32, #tpu.memory_space<hbm>> -> memref<16x128xf32, #tpu.memory_space<hbm>>
    %dma_start3A_122 = arith.constant 0 : i32
    %dma_start3A_123 = arith.constant 0 : i32
    %dma_start3A_124 = tpu.memref_slice %arg11[%dma_start3A_115, %dma_start3A_122, %dma_start3A_123] : memref<16x16x128xf32, #tpu.memory_space<vmem>> -> memref<1x16x128xf32, #tpu.memory_space<vmem>>
    %dma_start3A_125 = tpu.memref_squeeze %dma_start3A_124 : memref<1x16x128xf32, #tpu.memory_space<vmem>> -> memref<16x128xf32, #tpu.memory_space<vmem>>
    %dma_start3A_126 = arith.constant 0 : i32
    %dma_start3A_127 = tpu.memref_slice %arg4[%dma_start3A_126, %multiple_of3A_101] : memref<16x1000000xf32, #tpu.memory_space<hbm>> -> memref<16x128xf32, #tpu.memory_space<hbm>>
    tpu.enqueue_dma source(%dma_start3A_127 : memref<16x128xf32, #tpu.memory_space<hbm>>) target(%dma_start3A_125 : memref<16x128xf32, #tpu.memory_space<vmem>>) target_semaphore(%arg13 : memref<!tpu.dma_semaphore, #tpu.memory_space<semaphore_mem>>)
    %slice3A_128 = vector.extract_strided_slice %get3A_11 {offsets = [3], sizes = [1], strides = [1]} : vector<16xi32> to vector<1xi32>
    %squeeze3A_129 = vector.extract %slice3A_128[0] : i32 from vector<1xi32>
    %shift_right_arithmetic3A_130 = arith.constant 7 : i32
    %shift_right_arithmetic3A_131 = arith.shrsi %squeeze3A_129, %shift_right_arithmetic3A_130 : i32
    %shift_left3A_132 = arith.constant 7 : i32
    %shift_left3A_133 = arith.shli %shift_right_arithmetic3A_131, %shift_left3A_132 : i32
    %multiple_of3A_134 = tpu.assume_multiple %shift_left3A_133, 128 : i32
    %slice3A_135 = vector.extract_strided_slice %get3A_13 {offsets = [3], sizes = [1], strides = [1]} : vector<16xi32> to vector<1xi32>
    %squeeze3A_136 = vector.extract %slice3A_135[0] : i32 from vector<1xi32>
    %shift_right_arithmetic3A_137 = arith.constant 7 : i32
    %shift_right_arithmetic3A_138 = arith.shrsi %squeeze3A_136, %shift_right_arithmetic3A_137 : i32
    %shift_left3A_139 = arith.constant 7 : i32
    %shift_left3A_140 = arith.shli %shift_right_arithmetic3A_138, %shift_left3A_139 : i32
    %multiple_of3A_141 = tpu.assume_multiple %shift_left3A_140, 128 : i32
    %dma_start3A_142 = arith.constant 3 : i32
    %dma_start3A_143 = arith.constant 0 : i32
    %dma_start3A_144 = arith.constant 0 : i32
    %dma_start3A_145 = tpu.memref_slice %arg10[%dma_start3A_142, %dma_start3A_143, %dma_start3A_144] : memref<16x16x128xf32, #tpu.memory_space<vmem>> -> memref<1x16x128xf32, #tpu.memory_space<vmem>>
    %dma_start3A_146 = tpu.memref_squeeze %dma_start3A_145 : memref<1x16x128xf32, #tpu.memory_space<vmem>> -> memref<16x128xf32, #tpu.memory_space<vmem>>
    %dma_start3A_147 = arith.constant 0 : i32
    %dma_start3A_148 = tpu.memref_slice %arg3[%dma_start3A_147, %multiple_of3A_134] : memref<16x1000000xf32, #tpu.memory_space<hbm>> -> memref<16x128xf32, #tpu.memory_space<hbm>>
    %dma_start3A_149 = arith.constant 0 : i32
    %dma_start3A_150 = arith.constant 0 : i32
    %dma_start3A_151 = tpu.memref_slice %arg10[%dma_start3A_142, %dma_start3A_149, %dma_start3A_150] : memref<16x16x128xf32, #tpu.memory_space<vmem>> -> memref<1x16x128xf32, #tpu.memory_space<vmem>>
    %dma_start3A_152 = tpu.memref_squeeze %dma_start3A_151 : memref<1x16x128xf32, #tpu.memory_space<vmem>> -> memref<16x128xf32, #tpu.memory_space<vmem>>
    %dma_start3A_153 = arith.constant 0 : i32
    %dma_start3A_154 = tpu.memref_slice %arg3[%dma_start3A_153, %multiple_of3A_134] : memref<16x1000000xf32, #tpu.memory_space<hbm>> -> memref<16x128xf32, #tpu.memory_space<hbm>>
    tpu.enqueue_dma source(%dma_start3A_154 : memref<16x128xf32, #tpu.memory_space<hbm>>) target(%dma_start3A_152 : memref<16x128xf32, #tpu.memory_space<vmem>>) target_semaphore(%arg12 : memref<!tpu.dma_semaphore, #tpu.memory_space<semaphore_mem>>)
    %dma_start3A_155 = arith.constant 3 : i32
    %dma_start3A_156 = arith.constant 0 : i32
    %dma_start3A_157 = arith.constant 0 : i32
    %dma_start3A_158 = tpu.memref_slice %arg11[%dma_start3A_155, %dma_start3A_156, %dma_start3A_157] : memref<16x16x128xf32, #tpu.memory_space<vmem>> -> memref<1x16x128xf32, #tpu.memory_space<vmem>>
    %dma_start3A_159 = tpu.memref_squeeze %dma_start3A_158 : memref<1x16x128xf32, #tpu.memory_space<vmem>> -> memref<16x128xf32, #tpu.memory_space<vmem>>
    %dma_start3A_160 = arith.constant 0 : i32
    %dma_start3A_161 = tpu.memref_slice %arg4[%dma_start3A_160, %multiple_of3A_141] : memref<16x1000000xf32, #tpu.memory_space<hbm>> -> memref<16x128xf32, #tpu.memory_space<hbm>>
    %dma_start3A_162 = arith.constant 0 : i32
    %dma_start3A_163 = arith.constant 0 : i32
    %dma_start3A_164 = tpu.memref_slice %arg11[%dma_start3A_155, %dma_start3A_162, %dma_start3A_163] : memref<16x16x128xf32, #tpu.memory_space<vmem>> -> memref<1x16x128xf32, #tpu.memory_space<vmem>>
    %dma_start3A_165 = tpu.memref_squeeze %dma_start3A_164 : memref<1x16x128xf32, #tpu.memory_space<vmem>> -> memref<16x128xf32, #tpu.memory_space<vmem>>
    %dma_start3A_166 = arith.constant 0 : i32
    %dma_start3A_167 = tpu.memref_slice %arg4[%dma_start3A_166, %multiple_of3A_141] : memref<16x1000000xf32, #tpu.memory_space<hbm>> -> memref<16x128xf32, #tpu.memory_space<hbm>>
    tpu.enqueue_dma source(%dma_start3A_167 : memref<16x128xf32, #tpu.memory_space<hbm>>) target(%dma_start3A_165 : memref<16x128xf32, #tpu.memory_space<vmem>>) target_semaphore(%arg13 : memref<!tpu.dma_semaphore, #tpu.memory_space<semaphore_mem>>)
    %slice3A_168 = vector.extract_strided_slice %get3A_11 {offsets = [4], sizes = [1], strides = [1]} : vector<16xi32> to vector<1xi32>
    %squeeze3A_169 = vector.extract %slice3A_168[0] : i32 from vector<1xi32>
    %shift_right_arithmetic3A_170 = arith.constant 7 : i32
    %shift_right_arithmetic3A_171 = arith.shrsi %squeeze3A_169, %shift_right_arithmetic3A_170 : i32
    %shift_left3A_172 = arith.constant 7 : i32
    %shift_left3A_173 = arith.shli %shift_right_arithmetic3A_171, %shift_left3A_172 : i32
    %multiple_of3A_174 = tpu.assume_multiple %shift_left3A_173, 128 : i32
    %slice3A_175 = vector.extract_strided_slice %get3A_13 {offsets = [4], sizes = [1], strides = [1]} : vector<16xi32> to vector<1xi32>
    %squeeze3A_176 = vector.extract %slice3A_175[0] : i32 from vector<1xi32>
    %shift_right_arithmetic3A_177 = arith.constant 7 : i32
    %shift_right_arithmetic3A_178 = arith.shrsi %squeeze3A_176, %shift_right_arithmetic3A_177 : i32
    %shift_left3A_179 = arith.constant 7 : i32
    %shift_left3A_180 = arith.shli %shift_right_arithmetic3A_178, %shift_left3A_179 : i32
    %multiple_of3A_181 = tpu.assume_multiple %shift_left3A_180, 128 : i32
    %dma_start3A_182 = arith.constant 4 : i32
    %dma_start3A_183 = arith.constant 0 : i32
    %dma_start3A_184 = arith.constant 0 : i32
    %dma_start3A_185 = tpu.memref_slice %arg10[%dma_start3A_182, %dma_start3A_183, %dma_start3A_184] : memref<16x16x128xf32, #tpu.memory_space<vmem>> -> memref<1x16x128xf32, #tpu.memory_space<vmem>>
    %dma_start3A_186 = tpu.memref_squeeze %dma_start3A_185 : memref<1x16x128xf32, #tpu.memory_space<vmem>> -> memref<16x128xf32, #tpu.memory_space<vmem>>
    %dma_start3A_187 = arith.constant 0 : i32
    %dma_start3A_188 = tpu.memref_slice %arg3[%dma_start3A_187, %multiple_of3A_174] : memref<16x1000000xf32, #tpu.memory_space<hbm>> -> memref<16x128xf32, #tpu.memory_space<hbm>>
    %dma_start3A_189 = arith.constant 0 : i32
    %dma_start3A_190 = arith.constant 0 : i32
    %dma_start3A_191 = tpu.memref_slice %arg10[%dma_start3A_182, %dma_start3A_189, %dma_start3A_190] : memref<16x16x128xf32, #tpu.memory_space<vmem>> -> memref<1x16x128xf32, #tpu.memory_space<vmem>>
    %dma_start3A_192 = tpu.memref_squeeze %dma_start3A_191 : memref<1x16x128xf32, #tpu.memory_space<vmem>> -> memref<16x128xf32, #tpu.memory_space<vmem>>
    %dma_start3A_193 = arith.constant 0 : i32
    %dma_start3A_194 = tpu.memref_slice %arg3[%dma_start3A_193, %multiple_of3A_174] : memref<16x1000000xf32, #tpu.memory_space<hbm>> -> memref<16x128xf32, #tpu.memory_space<hbm>>
    tpu.enqueue_dma source(%dma_start3A_194 : memref<16x128xf32, #tpu.memory_space<hbm>>) target(%dma_start3A_192 : memref<16x128xf32, #tpu.memory_space<vmem>>) target_semaphore(%arg12 : memref<!tpu.dma_semaphore, #tpu.memory_space<semaphore_mem>>)
    %dma_start3A_195 = arith.constant 4 : i32
    %dma_start3A_196 = arith.constant 0 : i32
    %dma_start3A_197 = arith.constant 0 : i32
    %dma_start3A_198 = tpu.memref_slice %arg11[%dma_start3A_195, %dma_start3A_196, %dma_start3A_197] : memref<16x16x128xf32, #tpu.memory_space<vmem>> -> memref<1x16x128xf32, #tpu.memory_space<vmem>>
    %dma_start3A_199 = tpu.memref_squeeze %dma_start3A_198 : memref<1x16x128xf32, #tpu.memory_space<vmem>> -> memref<16x128xf32, #tpu.memory_space<vmem>>
    %dma_start3A_200 = arith.constant 0 : i32
    %dma_start3A_201 = tpu.memref_slice %arg4[%dma_start3A_200, %multiple_of3A_181] : memref<16x1000000xf32, #tpu.memory_space<hbm>> -> memref<16x128xf32, #tpu.memory_space<hbm>>
    %dma_start3A_202 = arith.constant 0 : i32
    %dma_start3A_203 = arith.constant 0 : i32
    %dma_start3A_204 = tpu.memref_slice %arg11[%dma_start3A_195, %dma_start3A_202, %dma_start3A_203] : memref<16x16x128xf32, #tpu.memory_space<vmem>> -> memref<1x16x128xf32, #tpu.memory_space<vmem>>
    %dma_start3A_205 = tpu.memref_squeeze %dma_start3A_204 : memref<1x16x128xf32, #tpu.memory_space<vmem>> -> memref<16x128xf32, #tpu.memory_space<vmem>>
    %dma_start3A_206 = arith.constant 0 : i32
    %dma_start3A_207 = tpu.memref_slice %arg4[%dma_start3A_206, %multiple_of3A_181] : memref<16x1000000xf32, #tpu.memory_space<hbm>> -> memref<16x128xf32, #tpu.memory_space<hbm>>
    tpu.enqueue_dma source(%dma_start3A_207 : memref<16x128xf32, #tpu.memory_space<hbm>>) target(%dma_start3A_205 : memref<16x128xf32, #tpu.memory_space<vmem>>) target_semaphore(%arg13 : memref<!tpu.dma_semaphore, #tpu.memory_space<semaphore_mem>>)
    %slice3A_208 = vector.extract_strided_slice %get3A_11 {offsets = [5], sizes = [1], strides = [1]} : vector<16xi32> to vector<1xi32>
    %squeeze3A_209 = vector.extract %slice3A_208[0] : i32 from vector<1xi32>
    %shift_right_arithmetic3A_210 = arith.constant 7 : i32
    %shift_right_arithmetic3A_211 = arith.shrsi %squeeze3A_209, %shift_right_arithmetic3A_210 : i32
    %shift_left3A_212 = arith.constant 7 : i32
    %shift_left3A_213 = arith.shli %shift_right_arithmetic3A_211, %shift_left3A_212 : i32
    %multiple_of3A_214 = tpu.assume_multiple %shift_left3A_213, 128 : i32
    %slice3A_215 = vector.extract_strided_slice %get3A_13 {offsets = [5], sizes = [1], strides = [1]} : vector<16xi32> to vector<1xi32>
    %squeeze3A_216 = vector.extract %slice3A_215[0] : i32 from vector<1xi32>
    %shift_right_arithmetic3A_217 = arith.constant 7 : i32
    %shift_right_arithmetic3A_218 = arith.shrsi %squeeze3A_216, %shift_right_arithmetic3A_217 : i32
    %shift_left3A_219 = arith.constant 7 : i32
    %shift_left3A_220 = arith.shli %shift_right_arithmetic3A_218, %shift_left3A_219 : i32
    %multiple_of3A_221 = tpu.assume_multiple %shift_left3A_220, 128 : i32
    %dma_start3A_222 = arith.constant 5 : i32
    %dma_start3A_223 = arith.constant 0 : i32
    %dma_start3A_224 = arith.constant 0 : i32
    %dma_start3A_225 = tpu.memref_slice %arg10[%dma_start3A_222, %dma_start3A_223, %dma_start3A_224] : memref<16x16x128xf32, #tpu.memory_space<vmem>> -> memref<1x16x128xf32, #tpu.memory_space<vmem>>
    %dma_start3A_226 = tpu.memref_squeeze %dma_start3A_225 : memref<1x16x128xf32, #tpu.memory_space<vmem>> -> memref<16x128xf32, #tpu.memory_space<vmem>>
    %dma_start3A_227 = arith.constant 0 : i32
    %dma_start3A_228 = tpu.memref_slice %arg3[%dma_start3A_227, %multiple_of3A_214] : memref<16x1000000xf32, #tpu.memory_space<hbm>> -> memref<16x128xf32, #tpu.memory_space<hbm>>
    %dma_start3A_229 = arith.constant 0 : i32
    %dma_start3A_230 = arith.constant 0 : i32
    %dma_start3A_231 = tpu.memref_slice %arg10[%dma_start3A_222, %dma_start3A_229, %dma_start3A_230] : memref<16x16x128xf32, #tpu.memory_space<vmem>> -> memref<1x16x128xf32, #tpu.memory_space<vmem>>
    %dma_start3A_232 = tpu.memref_squeeze %dma_start3A_231 : memref<1x16x128xf32, #tpu.memory_space<vmem>> -> memref<16x128xf32, #tpu.memory_space<vmem>>
    %dma_start3A_233 = arith.constant 0 : i32
    %dma_start3A_234 = tpu.memref_slice %arg3[%dma_start3A_233, %multiple_of3A_214] : memref<16x1000000xf32, #tpu.memory_space<hbm>> -> memref<16x128xf32, #tpu.memory_space<hbm>>
    tpu.enqueue_dma source(%dma_start3A_234 : memref<16x128xf32, #tpu.memory_space<hbm>>) target(%dma_start3A_232 : memref<16x128xf32, #tpu.memory_space<vmem>>) target_semaphore(%arg12 : memref<!tpu.dma_semaphore, #tpu.memory_space<semaphore_mem>>)
    %dma_start3A_235 = arith.constant 5 : i32
    %dma_start3A_236 = arith.constant 0 : i32
    %dma_start3A_237 = arith.constant 0 : i32
    %dma_start3A_238 = tpu.memref_slice %arg11[%dma_start3A_235, %dma_start3A_236, %dma_start3A_237] : memref<16x16x128xf32, #tpu.memory_space<vmem>> -> memref<1x16x128xf32, #tpu.memory_space<vmem>>
    %dma_start3A_239 = tpu.memref_squeeze %dma_start3A_238 : memref<1x16x128xf32, #tpu.memory_space<vmem>> -> memref<16x128xf32, #tpu.memory_space<vmem>>
    %dma_start3A_240 = arith.constant 0 : i32
    %dma_start3A_241 = tpu.memref_slice %arg4[%dma_start3A_240, %multiple_of3A_221] : memref<16x1000000xf32, #tpu.memory_space<hbm>> -> memref<16x128xf32, #tpu.memory_space<hbm>>
    %dma_start3A_242 = arith.constant 0 : i32
    %dma_start3A_243 = arith.constant 0 : i32
    %dma_start3A_244 = tpu.memref_slice %arg11[%dma_start3A_235, %dma_start3A_242, %dma_start3A_243] : memref<16x16x128xf32, #tpu.memory_space<vmem>> -> memref<1x16x128xf32, #tpu.memory_space<vmem>>
    %dma_start3A_245 = tpu.memref_squeeze %dma_start3A_244 : memref<1x16x128xf32, #tpu.memory_space<vmem>> -> memref<16x128xf32, #tpu.memory_space<vmem>>
    %dma_start3A_246 = arith.constant 0 : i32
    %dma_start3A_247 = tpu.memref_slice %arg4[%dma_start3A_246, %multiple_of3A_221] : memref<16x1000000xf32, #tpu.memory_space<hbm>> -> memref<16x128xf32, #tpu.memory_space<hbm>>
    tpu.enqueue_dma source(%dma_start3A_247 : memref<16x128xf32, #tpu.memory_space<hbm>>) target(%dma_start3A_245 : memref<16x128xf32, #tpu.memory_space<vmem>>) target_semaphore(%arg13 : memref<!tpu.dma_semaphore, #tpu.memory_space<semaphore_mem>>)
    %slice3A_248 = vector.extract_strided_slice %get3A_11 {offsets = [6], sizes = [1], strides = [1]} : vector<16xi32> to vector<1xi32>
    %squeeze3A_249 = vector.extract %slice3A_248[0] : i32 from vector<1xi32>
    %shift_right_arithmetic3A_250 = arith.constant 7 : i32
    %shift_right_arithmetic3A_251 = arith.shrsi %squeeze3A_249, %shift_right_arithmetic3A_250 : i32
    %shift_left3A_252 = arith.constant 7 : i32
    %shift_left3A_253 = arith.shli %shift_right_arithmetic3A_251, %shift_left3A_252 : i32
    %multiple_of3A_254 = tpu.assume_multiple %shift_left3A_253, 128 : i32
    %slice3A_255 = vector.extract_strided_slice %get3A_13 {offsets = [6], sizes = [1], strides = [1]} : vector<16xi32> to vector<1xi32>
    %squeeze3A_256 = vector.extract %slice3A_255[0] : i32 from vector<1xi32>
    %shift_right_arithmetic3A_257 = arith.constant 7 : i32
    %shift_right_arithmetic3A_258 = arith.shrsi %squeeze3A_256, %shift_right_arithmetic3A_257 : i32
    %shift_left3A_259 = arith.constant 7 : i32
    %shift_left3A_260 = arith.shli %shift_right_arithmetic3A_258, %shift_left3A_259 : i32
    %multiple_of3A_261 = tpu.assume_multiple %shift_left3A_260, 128 : i32
    %dma_start3A_262 = arith.constant 6 : i32
    %dma_start3A_263 = arith.constant 0 : i32
    %dma_start3A_264 = arith.constant 0 : i32
    %dma_start3A_265 = tpu.memref_slice %arg10[%dma_start3A_262, %dma_start3A_263, %dma_start3A_264] : memref<16x16x128xf32, #tpu.memory_space<vmem>> -> memref<1x16x128xf32, #tpu.memory_space<vmem>>
    %dma_start3A_266 = tpu.memref_squeeze %dma_start3A_265 : memref<1x16x128xf32, #tpu.memory_space<vmem>> -> memref<16x128xf32, #tpu.memory_space<vmem>>
    %dma_start3A_267 = arith.constant 0 : i32
    %dma_start3A_268 = tpu.memref_slice %arg3[%dma_start3A_267, %multiple_of3A_254] : memref<16x1000000xf32, #tpu.memory_space<hbm>> -> memref<16x128xf32, #tpu.memory_space<hbm>>
    %dma_start3A_269 = arith.constant 0 : i32
    %dma_start3A_270 = arith.constant 0 : i32
    %dma_start3A_271 = tpu.memref_slice %arg10[%dma_start3A_262, %dma_start3A_269, %dma_start3A_270] : memref<16x16x128xf32, #tpu.memory_space<vmem>> -> memref<1x16x128xf32, #tpu.memory_space<vmem>>
    %dma_start3A_272 = tpu.memref_squeeze %dma_start3A_271 : memref<1x16x128xf32, #tpu.memory_space<vmem>> -> memref<16x128xf32, #tpu.memory_space<vmem>>
    %dma_start3A_273 = arith.constant 0 : i32
    %dma_start3A_274 = tpu.memref_slice %arg3[%dma_start3A_273, %multiple_of3A_254] : memref<16x1000000xf32, #tpu.memory_space<hbm>> -> memref<16x128xf32, #tpu.memory_space<hbm>>
    tpu.enqueue_dma source(%dma_start3A_274 : memref<16x128xf32, #tpu.memory_space<hbm>>) target(%dma_start3A_272 : memref<16x128xf32, #tpu.memory_space<vmem>>) target_semaphore(%arg12 : memref<!tpu.dma_semaphore, #tpu.memory_space<semaphore_mem>>)
    %dma_start3A_275 = arith.constant 6 : i32
    %dma_start3A_276 = arith.constant 0 : i32
    %dma_start3A_277 = arith.constant 0 : i32
    %dma_start3A_278 = tpu.memref_slice %arg11[%dma_start3A_275, %dma_start3A_276, %dma_start3A_277] : memref<16x16x128xf32, #tpu.memory_space<vmem>> -> memref<1x16x128xf32, #tpu.memory_space<vmem>>
    %dma_start3A_279 = tpu.memref_squeeze %dma_start3A_278 : memref<1x16x128xf32, #tpu.memory_space<vmem>> -> memref<16x128xf32, #tpu.memory_space<vmem>>
    %dma_start3A_280 = arith.constant 0 : i32
    %dma_start3A_281 = tpu.memref_slice %arg4[%dma_start3A_280, %multiple_of3A_261] : memref<16x1000000xf32, #tpu.memory_space<hbm>> -> memref<16x128xf32, #tpu.memory_space<hbm>>
    %dma_start3A_282 = arith.constant 0 : i32
    %dma_start3A_283 = arith.constant 0 : i32
    %dma_start3A_284 = tpu.memref_slice %arg11[%dma_start3A_275, %dma_start3A_282, %dma_start3A_283] : memref<16x16x128xf32, #tpu.memory_space<vmem>> -> memref<1x16x128xf32, #tpu.memory_space<vmem>>
    %dma_start3A_285 = tpu.memref_squeeze %dma_start3A_284 : memref<1x16x128xf32, #tpu.memory_space<vmem>> -> memref<16x128xf32, #tpu.memory_space<vmem>>
    %dma_start3A_286 = arith.constant 0 : i32
    %dma_start3A_287 = tpu.memref_slice %arg4[%dma_start3A_286, %multiple_of3A_261] : memref<16x1000000xf32, #tpu.memory_space<hbm>> -> memref<16x128xf32, #tpu.memory_space<hbm>>
    tpu.enqueue_dma source(%dma_start3A_287 : memref<16x128xf32, #tpu.memory_space<hbm>>) target(%dma_start3A_285 : memref<16x128xf32, #tpu.memory_space<vmem>>) target_semaphore(%arg13 : memref<!tpu.dma_semaphore, #tpu.memory_space<semaphore_mem>>)
    %slice3A_288 = vector.extract_strided_slice %get3A_11 {offsets = [7], sizes = [1], strides = [1]} : vector<16xi32> to vector<1xi32>
    %squeeze3A_289 = vector.extract %slice3A_288[0] : i32 from vector<1xi32>
    %shift_right_arithmetic3A_290 = arith.constant 7 : i32
    %shift_right_arithmetic3A_291 = arith.shrsi %squeeze3A_289, %shift_right_arithmetic3A_290 : i32
    %shift_left3A_292 = arith.constant 7 : i32
    %shift_left3A_293 = arith.shli %shift_right_arithmetic3A_291, %shift_left3A_292 : i32
    %multiple_of3A_294 = tpu.assume_multiple %shift_left3A_293, 128 : i32
    %slice3A_295 = vector.extract_strided_slice %get3A_13 {offsets = [7], sizes = [1], strides = [1]} : vector<16xi32> to vector<1xi32>
    %squeeze3A_296 = vector.extract %slice3A_295[0] : i32 from vector<1xi32>
    %shift_right_arithmetic3A_297 = arith.constant 7 : i32
    %shift_right_arithmetic3A_298 = arith.shrsi %squeeze3A_296, %shift_right_arithmetic3A_297 : i32
    %shift_left3A_299 = arith.constant 7 : i32
    %shift_left3A_300 = arith.shli %shift_right_arithmetic3A_298, %shift_left3A_299 : i32
    %multiple_of3A_301 = tpu.assume_multiple %shift_left3A_300, 128 : i32
    %dma_start3A_302 = arith.constant 7 : i32
    %dma_start3A_303 = arith.constant 0 : i32
    %dma_start3A_304 = arith.constant 0 : i32
    %dma_start3A_305 = tpu.memref_slice %arg10[%dma_start3A_302, %dma_start3A_303, %dma_start3A_304] : memref<16x16x128xf32, #tpu.memory_space<vmem>> -> memref<1x16x128xf32, #tpu.memory_space<vmem>>
    %dma_start3A_306 = tpu.memref_squeeze %dma_start3A_305 : memref<1x16x128xf32, #tpu.memory_space<vmem>> -> memref<16x128xf32, #tpu.memory_space<vmem>>
    %dma_start3A_307 = arith.constant 0 : i32
    %dma_start3A_308 = tpu.memref_slice %arg3[%dma_start3A_307, %multiple_of3A_294] : memref<16x1000000xf32, #tpu.memory_space<hbm>> -> memref<16x128xf32, #tpu.memory_space<hbm>>
    %dma_start3A_309 = arith.constant 0 : i32
    %dma_start3A_310 = arith.constant 0 : i32
    %dma_start3A_311 = tpu.memref_slice %arg10[%dma_start3A_302, %dma_start3A_309, %dma_start3A_310] : memref<16x16x128xf32, #tpu.memory_space<vmem>> -> memref<1x16x128xf32, #tpu.memory_space<vmem>>
    %dma_start3A_312 = tpu.memref_squeeze %dma_start3A_311 : memref<1x16x128xf32, #tpu.memory_space<vmem>> -> memref<16x128xf32, #tpu.memory_space<vmem>>
    %dma_start3A_313 = arith.constant 0 : i32
    %dma_start3A_314 = tpu.memref_slice %arg3[%dma_start3A_313, %multiple_of3A_294] : memref<16x1000000xf32, #tpu.memory_space<hbm>> -> memref<16x128xf32, #tpu.memory_space<hbm>>
    tpu.enqueue_dma source(%dma_start3A_314 : memref<16x128xf32, #tpu.memory_space<hbm>>) target(%dma_start3A_312 : memref<16x128xf32, #tpu.memory_space<vmem>>) target_semaphore(%arg12 : memref<!tpu.dma_semaphore, #tpu.memory_space<semaphore_mem>>)
    %dma_start3A_315 = arith.constant 7 : i32
    %dma_start3A_316 = arith.constant 0 : i32
    %dma_start3A_317 = arith.constant 0 : i32
    %dma_start3A_318 = tpu.memref_slice %arg11[%dma_start3A_315, %dma_start3A_316, %dma_start3A_317] : memref<16x16x128xf32, #tpu.memory_space<vmem>> -> memref<1x16x128xf32, #tpu.memory_space<vmem>>
    %dma_start3A_319 = tpu.memref_squeeze %dma_start3A_318 : memref<1x16x128xf32, #tpu.memory_space<vmem>> -> memref<16x128xf32, #tpu.memory_space<vmem>>
    %dma_start3A_320 = arith.constant 0 : i32
    %dma_start3A_321 = tpu.memref_slice %arg4[%dma_start3A_320, %multiple_of3A_301] : memref<16x1000000xf32, #tpu.memory_space<hbm>> -> memref<16x128xf32, #tpu.memory_space<hbm>>
    %dma_start3A_322 = arith.constant 0 : i32
    %dma_start3A_323 = arith.constant 0 : i32
    %dma_start3A_324 = tpu.memref_slice %arg11[%dma_start3A_315, %dma_start3A_322, %dma_start3A_323] : memref<16x16x128xf32, #tpu.memory_space<vmem>> -> memref<1x16x128xf32, #tpu.memory_space<vmem>>
    %dma_start3A_325 = tpu.memref_squeeze %dma_start3A_324 : memref<1x16x128xf32, #tpu.memory_space<vmem>> -> memref<16x128xf32, #tpu.memory_space<vmem>>
    %dma_start3A_326 = arith.constant 0 : i32
    %dma_start3A_327 = tpu.memref_slice %arg4[%dma_start3A_326, %multiple_of3A_301] : memref<16x1000000xf32, #tpu.memory_space<hbm>> -> memref<16x128xf32, #tpu.memory_space<hbm>>
    tpu.enqueue_dma source(%dma_start3A_327 : memref<16x128xf32, #tpu.memory_space<hbm>>) target(%dma_start3A_325 : memref<16x128xf32, #tpu.memory_space<vmem>>) target_semaphore(%arg13 : memref<!tpu.dma_semaphore, #tpu.memory_space<semaphore_mem>>)
    %scan3A_328 = arith.constant 0 : i32
    %scan3A_329 = arith.constant 0 : i32
    %scan3A_330 = arith.constant 32 : i32
    %scan3A_331 = arith.addi %scan3A_329, %scan3A_330 : i32
    %scan3A_332 = arith.constant 1 : i32
    %scan3A_333 = scf.for %scan3A_335 = %scan3A_329 to %scan3A_331 step %scan3A_332 iter_args(%scan3A_336 = %scan3A_328) -> (i32)  : i32 {
      %mul3A_337 = arith.constant 16 : i32
      %mul3A_338 = arith.muli %scan3A_335, %mul3A_337 : i32
      %get3A_339 = arith.index_cast %mul3A_338 : i32 to index
      %get3A_340 = tpu.vector_load %arg7[%get3A_339] {strides = array<i32>} : memref<512xi32, #tpu.memory_space<vmem>>, vector<16xi32>,
      %get3A_341 = arith.index_cast %mul3A_338 : i32 to index
      %get3A_342 = tpu.vector_load %arg8[%get3A_341] {strides = array<i32>} : memref<512xi32, #tpu.memory_space<vmem>>, vector<16xi32>,
      %slice3A_343 = vector.extract_strided_slice %get3A_340 {offsets = [8], sizes = [1], strides = [1]} : vector<16xi32> to vector<1xi32>
      %squeeze3A_344 = vector.extract %slice3A_343[0] : i32 from vector<1xi32>
      %shift_right_arithmetic3A_345 = arith.constant 7 : i32
      %shift_right_arithmetic3A_346 = arith.shrsi %squeeze3A_344, %shift_right_arithmetic3A_345 : i32
      %shift_left3A_347 = arith.constant 7 : i32
      %shift_left3A_348 = arith.shli %shift_right_arithmetic3A_346, %shift_left3A_347 : i32
      %multiple_of3A_349 = tpu.assume_multiple %shift_left3A_348, 128 : i32
      %slice3A_350 = vector.extract_strided_slice %get3A_342 {offsets = [8], sizes = [1], strides = [1]} : vector<16xi32> to vector<1xi32>
      %squeeze3A_351 = vector.extract %slice3A_350[0] : i32 from vector<1xi32>
      %shift_right_arithmetic3A_352 = arith.constant 7 : i32
      %shift_right_arithmetic3A_353 = arith.shrsi %squeeze3A_351, %shift_right_arithmetic3A_352 : i32
      %shift_left3A_354 = arith.constant 7 : i32
      %shift_left3A_355 = arith.shli %shift_right_arithmetic3A_353, %shift_left3A_354 : i32
      %multiple_of3A_356 = tpu.assume_multiple %shift_left3A_355, 128 : i32
      %dma_start3A_357 = arith.constant 8 : i32
      %dma_start3A_358 = arith.constant 0 : i32
      %dma_start3A_359 = arith.constant 0 : i32
      %dma_start3A_360 = tpu.memref_slice %arg10[%dma_start3A_357, %dma_start3A_358, %dma_start3A_359] : memref<16x16x128xf32, #tpu.memory_space<vmem>> -> memref<1x16x128xf32, #tpu.memory_space<vmem>>
      %dma_start3A_361 = tpu.memref_squeeze %dma_start3A_360 : memref<1x16x128xf32, #tpu.memory_space<vmem>> -> memref<16x128xf32, #tpu.memory_space<vmem>>
      %dma_start3A_362 = arith.constant 0 : i32
      %dma_start3A_363 = tpu.memref_slice %arg3[%dma_start3A_362, %multiple_of3A_349] : memref<16x1000000xf32, #tpu.memory_space<hbm>> -> memref<16x128xf32, #tpu.memory_space<hbm>>
      %dma_start3A_364 = arith.constant 0 : i32
      %dma_start3A_365 = arith.constant 0 : i32
      %dma_start3A_366 = tpu.memref_slice %arg10[%dma_start3A_357, %dma_start3A_364, %dma_start3A_365] : memref<16x16x128xf32, #tpu.memory_space<vmem>> -> memref<1x16x128xf32, #tpu.memory_space<vmem>>
      %dma_start3A_367 = tpu.memref_squeeze %dma_start3A_366 : memref<1x16x128xf32, #tpu.memory_space<vmem>> -> memref<16x128xf32, #tpu.memory_space<vmem>>
      %dma_start3A_368 = arith.constant 0 : i32
      %dma_start3A_369 = tpu.memref_slice %arg3[%dma_start3A_368, %multiple_of3A_349] : memref<16x1000000xf32, #tpu.memory_space<hbm>> -> memref<16x128xf32, #tpu.memory_space<hbm>>
      tpu.enqueue_dma source(%dma_start3A_369 : memref<16x128xf32, #tpu.memory_space<hbm>>) target(%dma_start3A_367 : memref<16x128xf32, #tpu.memory_space<vmem>>) target_semaphore(%arg14 : memref<!tpu.dma_semaphore, #tpu.memory_space<semaphore_mem>>)
      %dma_start3A_370 = arith.constant 8 : i32
      %dma_start3A_371 = arith.constant 0 : i32
      %dma_start3A_372 = arith.constant 0 : i32
      %dma_start3A_373 = tpu.memref_slice %arg11[%dma_start3A_370, %dma_start3A_371, %dma_start3A_372] : memref<16x16x128xf32, #tpu.memory_space<vmem>> -> memref<1x16x128xf32, #tpu.memory_space<vmem>>
      %dma_start3A_374 = tpu.memref_squeeze %dma_start3A_373 : memref<1x16x128xf32, #tpu.memory_space<vmem>> -> memref<16x128xf32, #tpu.memory_space<vmem>>
      %dma_start3A_375 = arith.constant 0 : i32
      %dma_start3A_376 = tpu.memref_slice %arg4[%dma_start3A_375, %multiple_of3A_356] : memref<16x1000000xf32, #tpu.memory_space<hbm>> -> memref<16x128xf32, #tpu.memory_space<hbm>>
      %dma_start3A_377 = arith.constant 0 : i32
      %dma_start3A_378 = arith.constant 0 : i32
      %dma_start3A_379 = tpu.memref_slice %arg11[%dma_start3A_370, %dma_start3A_377, %dma_start3A_378] : memref<16x16x128xf32, #tpu.memory_space<vmem>> -> memref<1x16x128xf32, #tpu.memory_space<vmem>>
      %dma_start3A_380 = tpu.memref_squeeze %dma_start3A_379 : memref<1x16x128xf32, #tpu.memory_space<vmem>> -> memref<16x128xf32, #tpu.memory_space<vmem>>
      %dma_start3A_381 = arith.constant 0 : i32
      %dma_start3A_382 = tpu.memref_slice %arg4[%dma_start3A_381, %multiple_of3A_356] : memref<16x1000000xf32, #tpu.memory_space<hbm>> -> memref<16x128xf32, #tpu.memory_space<hbm>>
      tpu.enqueue_dma source(%dma_start3A_382 : memref<16x128xf32, #tpu.memory_space<hbm>>) target(%dma_start3A_380 : memref<16x128xf32, #tpu.memory_space<vmem>>) target_semaphore(%arg15 : memref<!tpu.dma_semaphore, #tpu.memory_space<semaphore_mem>>)
      %slice3A_383 = vector.extract_strided_slice %get3A_340 {offsets = [9], sizes = [1], strides = [1]} : vector<16xi32> to vector<1xi32>
      %squeeze3A_384 = vector.extract %slice3A_383[0] : i32 from vector<1xi32>
      %shift_right_arithmetic3A_385 = arith.constant 7 : i32
      %shift_right_arithmetic3A_386 = arith.shrsi %squeeze3A_384, %shift_right_arithmetic3A_385 : i32
      %shift_left3A_387 = arith.constant 7 : i32
      %shift_left3A_388 = arith.shli %shift_right_arithmetic3A_386, %shift_left3A_387 : i32
      %multiple_of3A_389 = tpu.assume_multiple %shift_left3A_388, 128 : i32
      %slice3A_390 = vector.extract_strided_slice %get3A_342 {offsets = [9], sizes = [1], strides = [1]} : vector<16xi32> to vector<1xi32>
      %squeeze3A_391 = vector.extract %slice3A_390[0] : i32 from vector<1xi32>
      %shift_right_arithmetic3A_392 = arith.constant 7 : i32
      %shift_right_arithmetic3A_393 = arith.shrsi %squeeze3A_391, %shift_right_arithmetic3A_392 : i32
      %shift_left3A_394 = arith.constant 7 : i32
      %shift_left3A_395 = arith.shli %shift_right_arithmetic3A_393, %shift_left3A_394 : i32
      %multiple_of3A_396 = tpu.assume_multiple %shift_left3A_395, 128 : i32
      %dma_start3A_397 = arith.constant 9 : i32
      %dma_start3A_398 = arith.constant 0 : i32
      %dma_start3A_399 = arith.constant 0 : i32
      %dma_start3A_400 = tpu.memref_slice %arg10[%dma_start3A_397, %dma_start3A_398, %dma_start3A_399] : memref<16x16x128xf32, #tpu.memory_space<vmem>> -> memref<1x16x128xf32, #tpu.memory_space<vmem>>
      %dma_start3A_401 = tpu.memref_squeeze %dma_start3A_400 : memref<1x16x128xf32, #tpu.memory_space<vmem>> -> memref<16x128xf32, #tpu.memory_space<vmem>>
      %dma_start3A_402 = arith.constant 0 : i32
      %dma_start3A_403 = tpu.memref_slice %arg3[%dma_start3A_402, %multiple_of3A_389] : memref<16x1000000xf32, #tpu.memory_space<hbm>> -> memref<16x128xf32, #tpu.memory_space<hbm>>
      %dma_start3A_404 = arith.constant 0 : i32
      %dma_start3A_405 = arith.constant 0 : i32
      %dma_start3A_406 = tpu.memref_slice %arg10[%dma_start3A_397, %dma_start3A_404, %dma_start3A_405] : memref<16x16x128xf32, #tpu.memory_space<vmem>> -> memref<1x16x128xf32, #tpu.memory_space<vmem>>
      %dma_start3A_407 = tpu.memref_squeeze %dma_start3A_406 : memref<1x16x128xf32, #tpu.memory_space<vmem>> -> memref<16x128xf32, #tpu.memory_space<vmem>>
      %dma_start3A_408 = arith.constant 0 : i32
      %dma_start3A_409 = tpu.memref_slice %arg3[%dma_start3A_408, %multiple_of3A_389] : memref<16x1000000xf32, #tpu.memory_space<hbm>> -> memref<16x128xf32, #tpu.memory_space<hbm>>
      tpu.enqueue_dma source(%dma_start3A_409 : memref<16x128xf32, #tpu.memory_space<hbm>>) target(%dma_start3A_407 : memref<16x128xf32, #tpu.memory_space<vmem>>) target_semaphore(%arg14 : memref<!tpu.dma_semaphore, #tpu.memory_space<semaphore_mem>>)
      %dma_start3A_410 = arith.constant 9 : i32
      %dma_start3A_411 = arith.constant 0 : i32
      %dma_start3A_412 = arith.constant 0 : i32
      %dma_start3A_413 = tpu.memref_slice %arg11[%dma_start3A_410, %dma_start3A_411, %dma_start3A_412] : memref<16x16x128xf32, #tpu.memory_space<vmem>> -> memref<1x16x128xf32, #tpu.memory_space<vmem>>
      %dma_start3A_414 = tpu.memref_squeeze %dma_start3A_413 : memref<1x16x128xf32, #tpu.memory_space<vmem>> -> memref<16x128xf32, #tpu.memory_space<vmem>>
      %dma_start3A_415 = arith.constant 0 : i32
      %dma_start3A_416 = tpu.memref_slice %arg4[%dma_start3A_415, %multiple_of3A_396] : memref<16x1000000xf32, #tpu.memory_space<hbm>> -> memref<16x128xf32, #tpu.memory_space<hbm>>
      %dma_start3A_417 = arith.constant 0 : i32
      %dma_start3A_418 = arith.constant 0 : i32
      %dma_start3A_419 = tpu.memref_slice %arg11[%dma_start3A_410, %dma_start3A_417, %dma_start3A_418] : memref<16x16x128xf32, #tpu.memory_space<vmem>> -> memref<1x16x128xf32, #tpu.memory_space<vmem>>
      %dma_start3A_420 = tpu.memref_squeeze %dma_start3A_419 : memref<1x16x128xf32, #tpu.memory_space<vmem>> -> memref<16x128xf32, #tpu.memory_space<vmem>>
      %dma_start3A_421 = arith.constant 0 : i32
      %dma_start3A_422 = tpu.memref_slice %arg4[%dma_start3A_421, %multiple_of3A_396] : memref<16x1000000xf32, #tpu.memory_space<hbm>> -> memref<16x128xf32, #tpu.memory_space<hbm>>
      tpu.enqueue_dma source(%dma_start3A_422 : memref<16x128xf32, #tpu.memory_space<hbm>>) target(%dma_start3A_420 : memref<16x128xf32, #tpu.memory_space<vmem>>) target_semaphore(%arg15 : memref<!tpu.dma_semaphore, #tpu.memory_space<semaphore_mem>>)
      %slice3A_423 = vector.extract_strided_slice %get3A_340 {offsets = [10], sizes = [1], strides = [1]} : vector<16xi32> to vector<1xi32>
      %squeeze3A_424 = vector.extract %slice3A_423[0] : i32 from vector<1xi32>
      %shift_right_arithmetic3A_425 = arith.constant 7 : i32
      %shift_right_arithmetic3A_426 = arith.shrsi %squeeze3A_424, %shift_right_arithmetic3A_425 : i32
      %shift_left3A_427 = arith.constant 7 : i32
      %shift_left3A_428 = arith.shli %shift_right_arithmetic3A_426, %shift_left3A_427 : i32
      %multiple_of3A_429 = tpu.assume_multiple %shift_left3A_428, 128 : i32
      %slice3A_430 = vector.extract_strided_slice %get3A_342 {offsets = [10], sizes = [1], strides = [1]} : vector<16xi32> to vector<1xi32>
      %squeeze3A_431 = vector.extract %slice3A_430[0] : i32 from vector<1xi32>
      %shift_right_arithmetic3A_432 = arith.constant 7 : i32
      %shift_right_arithmetic3A_433 = arith.shrsi %squeeze3A_431, %shift_right_arithmetic3A_432 : i32
      %shift_left3A_434 = arith.constant 7 : i32
      %shift_left3A_435 = arith.shli %shift_right_arithmetic3A_433, %shift_left3A_434 : i32
      %multiple_of3A_436 = tpu.assume_multiple %shift_left3A_435, 128 : i32
      %dma_start3A_437 = arith.constant 10 : i32
      %dma_start3A_438 = arith.constant 0 : i32
      %dma_start3A_439 = arith.constant 0 : i32
      %dma_start3A_440 = tpu.memref_slice %arg10[%dma_start3A_437, %dma_start3A_438, %dma_start3A_439] : memref<16x16x128xf32, #tpu.memory_space<vmem>> -> memref<1x16x128xf32, #tpu.memory_space<vmem>>
      %dma_start3A_441 = tpu.memref_squeeze %dma_start3A_440 : memref<1x16x128xf32, #tpu.memory_space<vmem>> -> memref<16x128xf32, #tpu.memory_space<vmem>>
      %dma_start3A_442 = arith.constant 0 : i32
      %dma_start3A_443 = tpu.memref_slice %arg3[%dma_start3A_442, %multiple_of3A_429] : memref<16x1000000xf32, #tpu.memory_space<hbm>> -> memref<16x128xf32, #tpu.memory_space<hbm>>
      %dma_start3A_444 = arith.constant 0 : i32
      %dma_start3A_445 = arith.constant 0 : i32
      %dma_start3A_446 = tpu.memref_slice %arg10[%dma_start3A_437, %dma_start3A_444, %dma_start3A_445] : memref<16x16x128xf32, #tpu.memory_space<vmem>> -> memref<1x16x128xf32, #tpu.memory_space<vmem>>
      %dma_start3A_447 = tpu.memref_squeeze %dma_start3A_446 : memref<1x16x128xf32, #tpu.memory_space<vmem>> -> memref<16x128xf32, #tpu.memory_space<vmem>>
      %dma_start3A_448 = arith.constant 0 : i32
      %dma_start3A_449 = tpu.memref_slice %arg3[%dma_start3A_448, %multiple_of3A_429] : memref<16x1000000xf32, #tpu.memory_space<hbm>> -> memref<16x128xf32, #tpu.memory_space<hbm>>
      tpu.enqueue_dma source(%dma_start3A_449 : memref<16x128xf32, #tpu.memory_space<hbm>>) target(%dma_start3A_447 : memref<16x128xf32, #tpu.memory_space<vmem>>) target_semaphore(%arg14 : memref<!tpu.dma_semaphore, #tpu.memory_space<semaphore_mem>>)
      %dma_start3A_450 = arith.constant 10 : i32
      %dma_start3A_451 = arith.constant 0 : i32
      %dma_start3A_452 = arith.constant 0 : i32
      %dma_start3A_453 = tpu.memref_slice %arg11[%dma_start3A_450, %dma_start3A_451, %dma_start3A_452] : memref<16x16x128xf32, #tpu.memory_space<vmem>> -> memref<1x16x128xf32, #tpu.memory_space<vmem>>
      %dma_start3A_454 = tpu.memref_squeeze %dma_start3A_453 : memref<1x16x128xf32, #tpu.memory_space<vmem>> -> memref<16x128xf32, #tpu.memory_space<vmem>>
      %dma_start3A_455 = arith.constant 0 : i32
      %dma_start3A_456 = tpu.memref_slice %arg4[%dma_start3A_455, %multiple_of3A_436] : memref<16x1000000xf32, #tpu.memory_space<hbm>> -> memref<16x128xf32, #tpu.memory_space<hbm>>
      %dma_start3A_457 = arith.constant 0 : i32
      %dma_start3A_458 = arith.constant 0 : i32
      %dma_start3A_459 = tpu.memref_slice %arg11[%dma_start3A_450, %dma_start3A_457, %dma_start3A_458] : memref<16x16x128xf32, #tpu.memory_space<vmem>> -> memref<1x16x128xf32, #tpu.memory_space<vmem>>
      %dma_start3A_460 = tpu.memref_squeeze %dma_start3A_459 : memref<1x16x128xf32, #tpu.memory_space<vmem>> -> memref<16x128xf32, #tpu.memory_space<vmem>>
      %dma_start3A_461 = arith.constant 0 : i32
      %dma_start3A_462 = tpu.memref_slice %arg4[%dma_start3A_461, %multiple_of3A_436] : memref<16x1000000xf32, #tpu.memory_space<hbm>> -> memref<16x128xf32, #tpu.memory_space<hbm>>
      tpu.enqueue_dma source(%dma_start3A_462 : memref<16x128xf32, #tpu.memory_space<hbm>>) target(%dma_start3A_460 : memref<16x128xf32, #tpu.memory_space<vmem>>) target_semaphore(%arg15 : memref<!tpu.dma_semaphore, #tpu.memory_space<semaphore_mem>>)
      %slice3A_463 = vector.extract_strided_slice %get3A_340 {offsets = [11], sizes = [1], strides = [1]} : vector<16xi32> to vector<1xi32>
      %squeeze3A_464 = vector.extract %slice3A_463[0] : i32 from vector<1xi32>
      %shift_right_arithmetic3A_465 = arith.constant 7 : i32
      %shift_right_arithmetic3A_466 = arith.shrsi %squeeze3A_464, %shift_right_arithmetic3A_465 : i32
      %shift_left3A_467 = arith.constant 7 : i32
      %shift_left3A_468 = arith.shli %shift_right_arithmetic3A_466, %shift_left3A_467 : i32
      %multiple_of3A_469 = tpu.assume_multiple %shift_left3A_468, 128 : i32
      %slice3A_470 = vector.extract_strided_slice %get3A_342 {offsets = [11], sizes = [1], strides = [1]} : vector<16xi32> to vector<1xi32>
      %squeeze3A_471 = vector.extract %slice3A_470[0] : i32 from vector<1xi32>
      %shift_right_arithmetic3A_472 = arith.constant 7 : i32
      %shift_right_arithmetic3A_473 = arith.shrsi %squeeze3A_471, %shift_right_arithmetic3A_472 : i32
      %shift_left3A_474 = arith.constant 7 : i32
      %shift_left3A_475 = arith.shli %shift_right_arithmetic3A_473, %shift_left3A_474 : i32
      %multiple_of3A_476 = tpu.assume_multiple %shift_left3A_475, 128 : i32
      %dma_start3A_477 = arith.constant 11 : i32
      %dma_start3A_478 = arith.constant 0 : i32
      %dma_start3A_479 = arith.constant 0 : i32
      %dma_start3A_480 = tpu.memref_slice %arg10[%dma_start3A_477, %dma_start3A_478, %dma_start3A_479] : memref<16x16x128xf32, #tpu.memory_space<vmem>> -> memref<1x16x128xf32, #tpu.memory_space<vmem>>
      %dma_start3A_481 = tpu.memref_squeeze %dma_start3A_480 : memref<1x16x128xf32, #tpu.memory_space<vmem>> -> memref<16x128xf32, #tpu.memory_space<vmem>>
      %dma_start3A_482 = arith.constant 0 : i32
      %dma_start3A_483 = tpu.memref_slice %arg3[%dma_start3A_482, %multiple_of3A_469] : memref<16x1000000xf32, #tpu.memory_space<hbm>> -> memref<16x128xf32, #tpu.memory_space<hbm>>
      %dma_start3A_484 = arith.constant 0 : i32
      %dma_start3A_485 = arith.constant 0 : i32
      %dma_start3A_486 = tpu.memref_slice %arg10[%dma_start3A_477, %dma_start3A_484, %dma_start3A_485] : memref<16x16x128xf32, #tpu.memory_space<vmem>> -> memref<1x16x128xf32, #tpu.memory_space<vmem>>
      %dma_start3A_487 = tpu.memref_squeeze %dma_start3A_486 : memref<1x16x128xf32, #tpu.memory_space<vmem>> -> memref<16x128xf32, #tpu.memory_space<vmem>>
      %dma_start3A_488 = arith.constant 0 : i32
      %dma_start3A_489 = tpu.memref_slice %arg3[%dma_start3A_488, %multiple_of3A_469] : memref<16x1000000xf32, #tpu.memory_space<hbm>> -> memref<16x128xf32, #tpu.memory_space<hbm>>
      tpu.enqueue_dma source(%dma_start3A_489 : memref<16x128xf32, #tpu.memory_space<hbm>>) target(%dma_start3A_487 : memref<16x128xf32, #tpu.memory_space<vmem>>) target_semaphore(%arg14 : memref<!tpu.dma_semaphore, #tpu.memory_space<semaphore_mem>>)
      %dma_start3A_490 = arith.constant 11 : i32
      %dma_start3A_491 = arith.constant 0 : i32
      %dma_start3A_492 = arith.constant 0 : i32
      %dma_start3A_493 = tpu.memref_slice %arg11[%dma_start3A_490, %dma_start3A_491, %dma_start3A_492] : memref<16x16x128xf32, #tpu.memory_space<vmem>> -> memref<1x16x128xf32, #tpu.memory_space<vmem>>
      %dma_start3A_494 = tpu.memref_squeeze %dma_start3A_493 : memref<1x16x128xf32, #tpu.memory_space<vmem>> -> memref<16x128xf32, #tpu.memory_space<vmem>>
      %dma_start3A_495 = arith.constant 0 : i32
      %dma_start3A_496 = tpu.memref_slice %arg4[%dma_start3A_495, %multiple_of3A_476] : memref<16x1000000xf32, #tpu.memory_space<hbm>> -> memref<16x128xf32, #tpu.memory_space<hbm>>
      %dma_start3A_497 = arith.constant 0 : i32
      %dma_start3A_498 = arith.constant 0 : i32
      %dma_start3A_499 = tpu.memref_slice %arg11[%dma_start3A_490, %dma_start3A_497, %dma_start3A_498] : memref<16x16x128xf32, #tpu.memory_space<vmem>> -> memref<1x16x128xf32, #tpu.memory_space<vmem>>
      %dma_start3A_500 = tpu.memref_squeeze %dma_start3A_499 : memref<1x16x128xf32, #tpu.memory_space<vmem>> -> memref<16x128xf32, #tpu.memory_space<vmem>>
      %dma_start3A_501 = arith.constant 0 : i32
      %dma_start3A_502 = tpu.memref_slice %arg4[%dma_start3A_501, %multiple_of3A_476] : memref<16x1000000xf32, #tpu.memory_space<hbm>> -> memref<16x128xf32, #tpu.memory_space<hbm>>
      tpu.enqueue_dma source(%dma_start3A_502 : memref<16x128xf32, #tpu.memory_space<hbm>>) target(%dma_start3A_500 : memref<16x128xf32, #tpu.memory_space<vmem>>) target_semaphore(%arg15 : memref<!tpu.dma_semaphore, #tpu.memory_space<semaphore_mem>>)
      %slice3A_503 = vector.extract_strided_slice %get3A_340 {offsets = [12], sizes = [1], strides = [1]} : vector<16xi32> to vector<1xi32>
      %squeeze3A_504 = vector.extract %slice3A_503[0] : i32 from vector<1xi32>
      %shift_right_arithmetic3A_505 = arith.constant 7 : i32
      %shift_right_arithmetic3A_506 = arith.shrsi %squeeze3A_504, %shift_right_arithmetic3A_505 : i32
      %shift_left3A_507 = arith.constant 7 : i32
      %shift_left3A_508 = arith.shli %shift_right_arithmetic3A_506, %shift_left3A_507 : i32
      %multiple_of3A_509 = tpu.assume_multiple %shift_left3A_508, 128 : i32
      %slice3A_510 = vector.extract_strided_slice %get3A_342 {offsets = [12], sizes = [1], strides = [1]} : vector<16xi32> to vector<1xi32>
      %squeeze3A_511 = vector.extract %slice3A_510[0] : i32 from vector<1xi32>
      %shift_right_arithmetic3A_512 = arith.constant 7 : i32
      %shift_right_arithmetic3A_513 = arith.shrsi %squeeze3A_511, %shift_right_arithmetic3A_512 : i32
      %shift_left3A_514 = arith.constant 7 : i32
      %shift_left3A_515 = arith.shli %shift_right_arithmetic3A_513, %shift_left3A_514 : i32
      %multiple_of3A_516 = tpu.assume_multiple %shift_left3A_515, 128 : i32
      %dma_start3A_517 = arith.constant 12 : i32
      %dma_start3A_518 = arith.constant 0 : i32
      %dma_start3A_519 = arith.constant 0 : i32
      %dma_start3A_520 = tpu.memref_slice %arg10[%dma_start3A_517, %dma_start3A_518, %dma_start3A_519] : memref<16x16x128xf32, #tpu.memory_space<vmem>> -> memref<1x16x128xf32, #tpu.memory_space<vmem>>
      %dma_start3A_521 = tpu.memref_squeeze %dma_start3A_520 : memref<1x16x128xf32, #tpu.memory_space<vmem>> -> memref<16x128xf32, #tpu.memory_space<vmem>>
      %dma_start3A_522 = arith.constant 0 : i32
      %dma_start3A_523 = tpu.memref_slice %arg3[%dma_start3A_522, %multiple_of3A_509] : memref<16x1000000xf32, #tpu.memory_space<hbm>> -> memref<16x128xf32, #tpu.memory_space<hbm>>
      %dma_start3A_524 = arith.constant 0 : i32
      %dma_start3A_525 = arith.constant 0 : i32
      %dma_start3A_526 = tpu.memref_slice %arg10[%dma_start3A_517, %dma_start3A_524, %dma_start3A_525] : memref<16x16x128xf32, #tpu.memory_space<vmem>> -> memref<1x16x128xf32, #tpu.memory_space<vmem>>
      %dma_start3A_527 = tpu.memref_squeeze %dma_start3A_526 : memref<1x16x128xf32, #tpu.memory_space<vmem>> -> memref<16x128xf32, #tpu.memory_space<vmem>>
      %dma_start3A_528 = arith.constant 0 : i32
      %dma_start3A_529 = tpu.memref_slice %arg3[%dma_start3A_528, %multiple_of3A_509] : memref<16x1000000xf32, #tpu.memory_space<hbm>> -> memref<16x128xf32, #tpu.memory_space<hbm>>
      tpu.enqueue_dma source(%dma_start3A_529 : memref<16x128xf32, #tpu.memory_space<hbm>>) target(%dma_start3A_527 : memref<16x128xf32, #tpu.memory_space<vmem>>) target_semaphore(%arg14 : memref<!tpu.dma_semaphore, #tpu.memory_space<semaphore_mem>>)
      %dma_start3A_530 = arith.constant 12 : i32
      %dma_start3A_531 = arith.constant 0 : i32
      %dma_start3A_532 = arith.constant 0 : i32
      %dma_start3A_533 = tpu.memref_slice %arg11[%dma_start3A_530, %dma_start3A_531, %dma_start3A_532] : memref<16x16x128xf32, #tpu.memory_space<vmem>> -> memref<1x16x128xf32, #tpu.memory_space<vmem>>
      %dma_start3A_534 = tpu.memref_squeeze %dma_start3A_533 : memref<1x16x128xf32, #tpu.memory_space<vmem>> -> memref<16x128xf32, #tpu.memory_space<vmem>>
      %dma_start3A_535 = arith.constant 0 : i32
      %dma_start3A_536 = tpu.memref_slice %arg4[%dma_start3A_535, %multiple_of3A_516] : memref<16x1000000xf32, #tpu.memory_space<hbm>> -> memref<16x128xf32, #tpu.memory_space<hbm>>
      %dma_start3A_537 = arith.constant 0 : i32
      %dma_start3A_538 = arith.constant 0 : i32
      %dma_start3A_539 = tpu.memref_slice %arg11[%dma_start3A_530, %dma_start3A_537, %dma_start3A_538] : memref<16x16x128xf32, #tpu.memory_space<vmem>> -> memref<1x16x128xf32, #tpu.memory_space<vmem>>
      %dma_start3A_540 = tpu.memref_squeeze %dma_start3A_539 : memref<1x16x128xf32, #tpu.memory_space<vmem>> -> memref<16x128xf32, #tpu.memory_space<vmem>>
      %dma_start3A_541 = arith.constant 0 : i32
      %dma_start3A_542 = tpu.memref_slice %arg4[%dma_start3A_541, %multiple_of3A_516] : memref<16x1000000xf32, #tpu.memory_space<hbm>> -> memref<16x128xf32, #tpu.memory_space<hbm>>
      tpu.enqueue_dma source(%dma_start3A_542 : memref<16x128xf32, #tpu.memory_space<hbm>>) target(%dma_start3A_540 : memref<16x128xf32, #tpu.memory_space<vmem>>) target_semaphore(%arg15 : memref<!tpu.dma_semaphore, #tpu.memory_space<semaphore_mem>>)
      %slice3A_543 = vector.extract_strided_slice %get3A_340 {offsets = [13], sizes = [1], strides = [1]} : vector<16xi32> to vector<1xi32>
      %squeeze3A_544 = vector.extract %slice3A_543[0] : i32 from vector<1xi32>
      %shift_right_arithmetic3A_545 = arith.constant 7 : i32
      %shift_right_arithmetic3A_546 = arith.shrsi %squeeze3A_544, %shift_right_arithmetic3A_545 : i32
      %shift_left3A_547 = arith.constant 7 : i32
      %shift_left3A_548 = arith.shli %shift_right_arithmetic3A_546, %shift_left3A_547 : i32
      %multiple_of3A_549 = tpu.assume_multiple %shift_left3A_548, 128 : i32
      %slice3A_550 = vector.extract_strided_slice %get3A_342 {offsets = [13], sizes = [1], strides = [1]} : vector<16xi32> to vector<1xi32>
      %squeeze3A_551 = vector.extract %slice3A_550[0] : i32 from vector<1xi32>
      %shift_right_arithmetic3A_552 = arith.constant 7 : i32
      %shift_right_arithmetic3A_553 = arith.shrsi %squeeze3A_551, %shift_right_arithmetic3A_552 : i32
      %shift_left3A_554 = arith.constant 7 : i32
      %shift_left3A_555 = arith.shli %shift_right_arithmetic3A_553, %shift_left3A_554 : i32
      %multiple_of3A_556 = tpu.assume_multiple %shift_left3A_555, 128 : i32
      %dma_start3A_557 = arith.constant 13 : i32
      %dma_start3A_558 = arith.constant 0 : i32
      %dma_start3A_559 = arith.constant 0 : i32
      %dma_start3A_560 = tpu.memref_slice %arg10[%dma_start3A_557, %dma_start3A_558, %dma_start3A_559] : memref<16x16x128xf32, #tpu.memory_space<vmem>> -> memref<1x16x128xf32, #tpu.memory_space<vmem>>
      %dma_start3A_561 = tpu.memref_squeeze %dma_start3A_560 : memref<1x16x128xf32, #tpu.memory_space<vmem>> -> memref<16x128xf32, #tpu.memory_space<vmem>>
      %dma_start3A_562 = arith.constant 0 : i32
      %dma_start3A_563 = tpu.memref_slice %arg3[%dma_start3A_562, %multiple_of3A_549] : memref<16x1000000xf32, #tpu.memory_space<hbm>> -> memref<16x128xf32, #tpu.memory_space<hbm>>
      %dma_start3A_564 = arith.constant 0 : i32
      %dma_start3A_565 = arith.constant 0 : i32
      %dma_start3A_566 = tpu.memref_slice %arg10[%dma_start3A_557, %dma_start3A_564, %dma_start3A_565] : memref<16x16x128xf32, #tpu.memory_space<vmem>> -> memref<1x16x128xf32, #tpu.memory_space<vmem>>
      %dma_start3A_567 = tpu.memref_squeeze %dma_start3A_566 : memref<1x16x128xf32, #tpu.memory_space<vmem>> -> memref<16x128xf32, #tpu.memory_space<vmem>>
      %dma_start3A_568 = arith.constant 0 : i32
      %dma_start3A_569 = tpu.memref_slice %arg3[%dma_start3A_568, %multiple_of3A_549] : memref<16x1000000xf32, #tpu.memory_space<hbm>> -> memref<16x128xf32, #tpu.memory_space<hbm>>
      tpu.enqueue_dma source(%dma_start3A_569 : memref<16x128xf32, #tpu.memory_space<hbm>>) target(%dma_start3A_567 : memref<16x128xf32, #tpu.memory_space<vmem>>) target_semaphore(%arg14 : memref<!tpu.dma_semaphore, #tpu.memory_space<semaphore_mem>>)
      %dma_start3A_570 = arith.constant 13 : i32
      %dma_start3A_571 = arith.constant 0 : i32
      %dma_start3A_572 = arith.constant 0 : i32
      %dma_start3A_573 = tpu.memref_slice %arg11[%dma_start3A_570, %dma_start3A_571, %dma_start3A_572] : memref<16x16x128xf32, #tpu.memory_space<vmem>> -> memref<1x16x128xf32, #tpu.memory_space<vmem>>
      %dma_start3A_574 = tpu.memref_squeeze %dma_start3A_573 : memref<1x16x128xf32, #tpu.memory_space<vmem>> -> memref<16x128xf32, #tpu.memory_space<vmem>>
      %dma_start3A_575 = arith.constant 0 : i32
      %dma_start3A_576 = tpu.memref_slice %arg4[%dma_start3A_575, %multiple_of3A_556] : memref<16x1000000xf32, #tpu.memory_space<hbm>> -> memref<16x128xf32, #tpu.memory_space<hbm>>
      %dma_start3A_577 = arith.constant 0 : i32
      %dma_start3A_578 = arith.constant 0 : i32
      %dma_start3A_579 = tpu.memref_slice %arg11[%dma_start3A_570, %dma_start3A_577, %dma_start3A_578] : memref<16x16x128xf32, #tpu.memory_space<vmem>> -> memref<1x16x128xf32, #tpu.memory_space<vmem>>
      %dma_start3A_580 = tpu.memref_squeeze %dma_start3A_579 : memref<1x16x128xf32, #tpu.memory_space<vmem>> -> memref<16x128xf32, #tpu.memory_space<vmem>>
      %dma_start3A_581 = arith.constant 0 : i32
      %dma_start3A_582 = tpu.memref_slice %arg4[%dma_start3A_581, %multiple_of3A_556] : memref<16x1000000xf32, #tpu.memory_space<hbm>> -> memref<16x128xf32, #tpu.memory_space<hbm>>
      tpu.enqueue_dma source(%dma_start3A_582 : memref<16x128xf32, #tpu.memory_space<hbm>>) target(%dma_start3A_580 : memref<16x128xf32, #tpu.memory_space<vmem>>) target_semaphore(%arg15 : memref<!tpu.dma_semaphore, #tpu.memory_space<semaphore_mem>>)
      %slice3A_583 = vector.extract_strided_slice %get3A_340 {offsets = [14], sizes = [1], strides = [1]} : vector<16xi32> to vector<1xi32>
      %squeeze3A_584 = vector.extract %slice3A_583[0] : i32 from vector<1xi32>
      %shift_right_arithmetic3A_585 = arith.constant 7 : i32
      %shift_right_arithmetic3A_586 = arith.shrsi %squeeze3A_584, %shift_right_arithmetic3A_585 : i32
      %shift_left3A_587 = arith.constant 7 : i32
      %shift_left3A_588 = arith.shli %shift_right_arithmetic3A_586, %shift_left3A_587 : i32
      %multiple_of3A_589 = tpu.assume_multiple %shift_left3A_588, 128 : i32
      %slice3A_590 = vector.extract_strided_slice %get3A_342 {offsets = [14], sizes = [1], strides = [1]} : vector<16xi32> to vector<1xi32>
      %squeeze3A_591 = vector.extract %slice3A_590[0] : i32 from vector<1xi32>
      %shift_right_arithmetic3A_592 = arith.constant 7 : i32
      %shift_right_arithmetic3A_593 = arith.shrsi %squeeze3A_591, %shift_right_arithmetic3A_592 : i32
      %shift_left3A_594 = arith.constant 7 : i32
      %shift_left3A_595 = arith.shli %shift_right_arithmetic3A_593, %shift_left3A_594 : i32
      %multiple_of3A_596 = tpu.assume_multiple %shift_left3A_595, 128 : i32
      %dma_start3A_597 = arith.constant 14 : i32
      %dma_start3A_598 = arith.constant 0 : i32
      %dma_start3A_599 = arith.constant 0 : i32
      %dma_start3A_600 = tpu.memref_slice %arg10[%dma_start3A_597, %dma_start3A_598, %dma_start3A_599] : memref<16x16x128xf32, #tpu.memory_space<vmem>> -> memref<1x16x128xf32, #tpu.memory_space<vmem>>
      %dma_start3A_601 = tpu.memref_squeeze %dma_start3A_600 : memref<1x16x128xf32, #tpu.memory_space<vmem>> -> memref<16x128xf32, #tpu.memory_space<vmem>>
      %dma_start3A_602 = arith.constant 0 : i32
      %dma_start3A_603 = tpu.memref_slice %arg3[%dma_start3A_602, %multiple_of3A_589] : memref<16x1000000xf32, #tpu.memory_space<hbm>> -> memref<16x128xf32, #tpu.memory_space<hbm>>
      %dma_start3A_604 = arith.constant 0 : i32
      %dma_start3A_605 = arith.constant 0 : i32
      %dma_start3A_606 = tpu.memref_slice %arg10[%dma_start3A_597, %dma_start3A_604, %dma_start3A_605] : memref<16x16x128xf32, #tpu.memory_space<vmem>> -> memref<1x16x128xf32, #tpu.memory_space<vmem>>
      %dma_start3A_607 = tpu.memref_squeeze %dma_start3A_606 : memref<1x16x128xf32, #tpu.memory_space<vmem>> -> memref<16x128xf32, #tpu.memory_space<vmem>>
      %dma_start3A_608 = arith.constant 0 : i32
      %dma_start3A_609 = tpu.memref_slice %arg3[%dma_start3A_608, %multiple_of3A_589] : memref<16x1000000xf32, #tpu.memory_space<hbm>> -> memref<16x128xf32, #tpu.memory_space<hbm>>
      tpu.enqueue_dma source(%dma_start3A_609 : memref<16x128xf32, #tpu.memory_space<hbm>>) target(%dma_start3A_607 : memref<16x128xf32, #tpu.memory_space<vmem>>) target_semaphore(%arg14 : memref<!tpu.dma_semaphore, #tpu.memory_space<semaphore_mem>>)
      %dma_start3A_610 = arith.constant 14 : i32
      %dma_start3A_611 = arith.constant 0 : i32
      %dma_start3A_612 = arith.constant 0 : i32
      %dma_start3A_613 = tpu.memref_slice %arg11[%dma_start3A_610, %dma_start3A_611, %dma_start3A_612] : memref<16x16x128xf32, #tpu.memory_space<vmem>> -> memref<1x16x128xf32, #tpu.memory_space<vmem>>
      %dma_start3A_614 = tpu.memref_squeeze %dma_start3A_613 : memref<1x16x128xf32, #tpu.memory_space<vmem>> -> memref<16x128xf32, #tpu.memory_space<vmem>>
      %dma_start3A_615 = arith.constant 0 : i32
      %dma_start3A_616 = tpu.memref_slice %arg4[%dma_start3A_615, %multiple_of3A_596] : memref<16x1000000xf32, #tpu.memory_space<hbm>> -> memref<16x128xf32, #tpu.memory_space<hbm>>
      %dma_start3A_617 = arith.constant 0 : i32
      %dma_start3A_618 = arith.constant 0 : i32
      %dma_start3A_619 = tpu.memref_slice %arg11[%dma_start3A_610, %dma_start3A_617, %dma_start3A_618] : memref<16x16x128xf32, #tpu.memory_space<vmem>> -> memref<1x16x128xf32, #tpu.memory_space<vmem>>
      %dma_start3A_620 = tpu.memref_squeeze %dma_start3A_619 : memref<1x16x128xf32, #tpu.memory_space<vmem>> -> memref<16x128xf32, #tpu.memory_space<vmem>>
      %dma_start3A_621 = arith.constant 0 : i32
      %dma_start3A_622 = tpu.memref_slice %arg4[%dma_start3A_621, %multiple_of3A_596] : memref<16x1000000xf32, #tpu.memory_space<hbm>> -> memref<16x128xf32, #tpu.memory_space<hbm>>
      tpu.enqueue_dma source(%dma_start3A_622 : memref<16x128xf32, #tpu.memory_space<hbm>>) target(%dma_start3A_620 : memref<16x128xf32, #tpu.memory_space<vmem>>) target_semaphore(%arg15 : memref<!tpu.dma_semaphore, #tpu.memory_space<semaphore_mem>>)
      %slice3A_623 = vector.extract_strided_slice %get3A_340 {offsets = [15], sizes = [1], strides = [1]} : vector<16xi32> to vector<1xi32>
      %squeeze3A_624 = vector.extract %slice3A_623[0] : i32 from vector<1xi32>
      %shift_right_arithmetic3A_625 = arith.constant 7 : i32
      %shift_right_arithmetic3A_626 = arith.shrsi %squeeze3A_624, %shift_right_arithmetic3A_625 : i32
      %shift_left3A_627 = arith.constant 7 : i32
      %shift_left3A_628 = arith.shli %shift_right_arithmetic3A_626, %shift_left3A_627 : i32
      %multiple_of3A_629 = tpu.assume_multiple %shift_left3A_628, 128 : i32
      %slice3A_630 = vector.extract_strided_slice %get3A_342 {offsets = [15], sizes = [1], strides = [1]} : vector<16xi32> to vector<1xi32>
      %squeeze3A_631 = vector.extract %slice3A_630[0] : i32 from vector<1xi32>
      %shift_right_arithmetic3A_632 = arith.constant 7 : i32
      %shift_right_arithmetic3A_633 = arith.shrsi %squeeze3A_631, %shift_right_arithmetic3A_632 : i32
      %shift_left3A_634 = arith.constant 7 : i32
      %shift_left3A_635 = arith.shli %shift_right_arithmetic3A_633, %shift_left3A_634 : i32
      %multiple_of3A_636 = tpu.assume_multiple %shift_left3A_635, 128 : i32
      %dma_start3A_637 = arith.constant 15 : i32
      %dma_start3A_638 = arith.constant 0 : i32
      %dma_start3A_639 = arith.constant 0 : i32
      %dma_start3A_640 = tpu.memref_slice %arg10[%dma_start3A_637, %dma_start3A_638, %dma_start3A_639] : memref<16x16x128xf32, #tpu.memory_space<vmem>> -> memref<1x16x128xf32, #tpu.memory_space<vmem>>
      %dma_start3A_641 = tpu.memref_squeeze %dma_start3A_640 : memref<1x16x128xf32, #tpu.memory_space<vmem>> -> memref<16x128xf32, #tpu.memory_space<vmem>>
      %dma_start3A_642 = arith.constant 0 : i32
      %dma_start3A_643 = tpu.memref_slice %arg3[%dma_start3A_642, %multiple_of3A_629] : memref<16x1000000xf32, #tpu.memory_space<hbm>> -> memref<16x128xf32, #tpu.memory_space<hbm>>
      %dma_start3A_644 = arith.constant 0 : i32
      %dma_start3A_645 = arith.constant 0 : i32
      %dma_start3A_646 = tpu.memref_slice %arg10[%dma_start3A_637, %dma_start3A_644, %dma_start3A_645] : memref<16x16x128xf32, #tpu.memory_space<vmem>> -> memref<1x16x128xf32, #tpu.memory_space<vmem>>
      %dma_start3A_647 = tpu.memref_squeeze %dma_start3A_646 : memref<1x16x128xf32, #tpu.memory_space<vmem>> -> memref<16x128xf32, #tpu.memory_space<vmem>>
      %dma_start3A_648 = arith.constant 0 : i32
      %dma_start3A_649 = tpu.memref_slice %arg3[%dma_start3A_648, %multiple_of3A_629] : memref<16x1000000xf32, #tpu.memory_space<hbm>> -> memref<16x128xf32, #tpu.memory_space<hbm>>
      tpu.enqueue_dma source(%dma_start3A_649 : memref<16x128xf32, #tpu.memory_space<hbm>>) target(%dma_start3A_647 : memref<16x128xf32, #tpu.memory_space<vmem>>) target_semaphore(%arg14 : memref<!tpu.dma_semaphore, #tpu.memory_space<semaphore_mem>>)
      %dma_start3A_650 = arith.constant 15 : i32
      %dma_start3A_651 = arith.constant 0 : i32
      %dma_start3A_652 = arith.constant 0 : i32
      %dma_start3A_653 = tpu.memref_slice %arg11[%dma_start3A_650, %dma_start3A_651, %dma_start3A_652] : memref<16x16x128xf32, #tpu.memory_space<vmem>> -> memref<1x16x128xf32, #tpu.memory_space<vmem>>
      %dma_start3A_654 = tpu.memref_squeeze %dma_start3A_653 : memref<1x16x128xf32, #tpu.memory_space<vmem>> -> memref<16x128xf32, #tpu.memory_space<vmem>>
      %dma_start3A_655 = arith.constant 0 : i32
      %dma_start3A_656 = tpu.memref_slice %arg4[%dma_start3A_655, %multiple_of3A_636] : memref<16x1000000xf32, #tpu.memory_space<hbm>> -> memref<16x128xf32, #tpu.memory_space<hbm>>
      %dma_start3A_657 = arith.constant 0 : i32
      %dma_start3A_658 = arith.constant 0 : i32
      %dma_start3A_659 = tpu.memref_slice %arg11[%dma_start3A_650, %dma_start3A_657, %dma_start3A_658] : memref<16x16x128xf32, #tpu.memory_space<vmem>> -> memref<1x16x128xf32, #tpu.memory_space<vmem>>
      %dma_start3A_660 = tpu.memref_squeeze %dma_start3A_659 : memref<1x16x128xf32, #tpu.memory_space<vmem>> -> memref<16x128xf32, #tpu.memory_space<vmem>>
      %dma_start3A_661 = arith.constant 0 : i32
      %dma_start3A_662 = tpu.memref_slice %arg4[%dma_start3A_661, %multiple_of3A_636] : memref<16x1000000xf32, #tpu.memory_space<hbm>> -> memref<16x128xf32, #tpu.memory_space<hbm>>
      tpu.enqueue_dma source(%dma_start3A_662 : memref<16x128xf32, #tpu.memory_space<hbm>>) target(%dma_start3A_660 : memref<16x128xf32, #tpu.memory_space<vmem>>) target_semaphore(%arg15 : memref<!tpu.dma_semaphore, #tpu.memory_space<semaphore_mem>>)
      %dma_wait3A = arith.constant 0 : i32
      %dma_wait3A_663 = arith.constant 0 : i32
      %dma_wait3A_664 = arith.constant 0 : i32
      %dma_wait3A_665 = tpu.memref_slice %arg10[%dma_wait3A, %dma_wait3A_663, %dma_wait3A_664] : memref<16x16x128xf32, #tpu.memory_space<vmem>> -> memref<1x16x128xf32, #tpu.memory_space<vmem>>
      %dma_wait3A_666 = tpu.memref_squeeze %dma_wait3A_665 : memref<1x16x128xf32, #tpu.memory_space<vmem>> -> memref<16x128xf32, #tpu.memory_space<vmem>>
      %dma_wait3A_667 = arith.constant 0 : i32
      %dma_wait3A_668 = arith.constant 0 : i32
      %dma_wait3A_669 = tpu.memref_slice %arg3[%dma_wait3A_667, %dma_wait3A_668] : memref<16x1000000xf32, #tpu.memory_space<hbm>> -> memref<16x128xf32, #tpu.memory_space<hbm>>
      %dma_wait3A_670 = arith.constant 0 : i32
      %dma_wait3A_671 = arith.constant 0 : i32
      %dma_wait3A_672 = tpu.memref_slice %arg10[%dma_wait3A, %dma_wait3A_670, %dma_wait3A_671] : memref<16x16x128xf32, #tpu.memory_space<vmem>> -> memref<1x16x128xf32, #tpu.memory_space<vmem>>
      %dma_wait3A_673 = tpu.memref_squeeze %dma_wait3A_672 : memref<1x16x128xf32, #tpu.memory_space<vmem>> -> memref<16x128xf32, #tpu.memory_space<vmem>>
      %dma_wait3A_674 = arith.constant 0 : i32
      %dma_wait3A_675 = arith.constant 0 : i32
      %dma_wait3A_676 = tpu.memref_slice %arg3[%dma_wait3A_674, %dma_wait3A_675] : memref<16x1000000xf32, #tpu.memory_space<hbm>> -> memref<16x128xf32, #tpu.memory_space<hbm>>
      tpu.wait_dma2 semaphore(%arg12 : memref<!tpu.dma_semaphore, #tpu.memory_space<semaphore_mem>>) src(%dma_wait3A_676 : memref<16x128xf32, #tpu.memory_space<hbm>>) dst(%dma_wait3A_673 : memref<16x128xf32, #tpu.memory_space<vmem>>)
      %dma_wait3A_677 = arith.constant 0 : i32
      %dma_wait3A_678 = arith.constant 0 : i32
      %dma_wait3A_679 = arith.constant 0 : i32
      %dma_wait3A_680 = tpu.memref_slice %arg11[%dma_wait3A_677, %dma_wait3A_678, %dma_wait3A_679] : memref<16x16x128xf32, #tpu.memory_space<vmem>> -> memref<1x16x128xf32, #tpu.memory_space<vmem>>
      %dma_wait3A_681 = tpu.memref_squeeze %dma_wait3A_680 : memref<1x16x128xf32, #tpu.memory_space<vmem>> -> memref<16x128xf32, #tpu.memory_space<vmem>>
      %dma_wait3A_682 = arith.constant 0 : i32
      %dma_wait3A_683 = arith.constant 0 : i32
      %dma_wait3A_684 = tpu.memref_slice %arg4[%dma_wait3A_682, %dma_wait3A_683] : memref<16x1000000xf32, #tpu.memory_space<hbm>> -> memref<16x128xf32, #tpu.memory_space<hbm>>
      %dma_wait3A_685 = arith.constant 0 : i32
      %dma_wait3A_686 = arith.constant 0 : i32
      %dma_wait3A_687 = tpu.memref_slice %arg11[%dma_wait3A_677, %dma_wait3A_685, %dma_wait3A_686] : memref<16x16x128xf32, #tpu.memory_space<vmem>> -> memref<1x16x128xf32, #tpu.memory_space<vmem>>
      %dma_wait3A_688 = tpu.memref_squeeze %dma_wait3A_687 : memref<1x16x128xf32, #tpu.memory_space<vmem>> -> memref<16x128xf32, #tpu.memory_space<vmem>>
      %dma_wait3A_689 = arith.constant 0 : i32
      %dma_wait3A_690 = arith.constant 0 : i32
      %dma_wait3A_691 = tpu.memref_slice %arg4[%dma_wait3A_689, %dma_wait3A_690] : memref<16x1000000xf32, #tpu.memory_space<hbm>> -> memref<16x128xf32, #tpu.memory_space<hbm>>
      tpu.wait_dma2 semaphore(%arg13 : memref<!tpu.dma_semaphore, #tpu.memory_space<semaphore_mem>>) src(%dma_wait3A_691 : memref<16x128xf32, #tpu.memory_space<hbm>>) dst(%dma_wait3A_688 : memref<16x128xf32, #tpu.memory_space<vmem>>)
      %dma_wait3A_692 = arith.constant 1 : i32
      %dma_wait3A_693 = arith.constant 0 : i32
      %dma_wait3A_694 = arith.constant 0 : i32
      %dma_wait3A_695 = tpu.memref_slice %arg10[%dma_wait3A_692, %dma_wait3A_693, %dma_wait3A_694] : memref<16x16x128xf32, #tpu.memory_space<vmem>> -> memref<1x16x128xf32, #tpu.memory_space<vmem>>
      %dma_wait3A_696 = tpu.memref_squeeze %dma_wait3A_695 : memref<1x16x128xf32, #tpu.memory_space<vmem>> -> memref<16x128xf32, #tpu.memory_space<vmem>>
      %dma_wait3A_697 = arith.constant 0 : i32
      %dma_wait3A_698 = arith.constant 0 : i32
      %dma_wait3A_699 = tpu.memref_slice %arg3[%dma_wait3A_697, %dma_wait3A_698] : memref<16x1000000xf32, #tpu.memory_space<hbm>> -> memref<16x128xf32, #tpu.memory_space<hbm>>
      %dma_wait3A_700 = arith.constant 0 : i32
      %dma_wait3A_701 = arith.constant 0 : i32
      %dma_wait3A_702 = tpu.memref_slice %arg10[%dma_wait3A_692, %dma_wait3A_700, %dma_wait3A_701] : memref<16x16x128xf32, #tpu.memory_space<vmem>> -> memref<1x16x128xf32, #tpu.memory_space<vmem>>
      %dma_wait3A_703 = tpu.memref_squeeze %dma_wait3A_702 : memref<1x16x128xf32, #tpu.memory_space<vmem>> -> memref<16x128xf32, #tpu.memory_space<vmem>>
      %dma_wait3A_704 = arith.constant 0 : i32
      %dma_wait3A_705 = arith.constant 0 : i32
      %dma_wait3A_706 = tpu.memref_slice %arg3[%dma_wait3A_704, %dma_wait3A_705] : memref<16x1000000xf32, #tpu.memory_space<hbm>> -> memref<16x128xf32, #tpu.memory_space<hbm>>
      tpu.wait_dma2 semaphore(%arg12 : memref<!tpu.dma_semaphore, #tpu.memory_space<semaphore_mem>>) src(%dma_wait3A_706 : memref<16x128xf32, #tpu.memory_space<hbm>>) dst(%dma_wait3A_703 : memref<16x128xf32, #tpu.memory_space<vmem>>)
      %dma_wait3A_707 = arith.constant 1 : i32
      %dma_wait3A_708 = arith.constant 0 : i32
      %dma_wait3A_709 = arith.constant 0 : i32
      %dma_wait3A_710 = tpu.memref_slice %arg11[%dma_wait3A_707, %dma_wait3A_708, %dma_wait3A_709] : memref<16x16x128xf32, #tpu.memory_space<vmem>> -> memref<1x16x128xf32, #tpu.memory_space<vmem>>
      %dma_wait3A_711 = tpu.memref_squeeze %dma_wait3A_710 : memref<1x16x128xf32, #tpu.memory_space<vmem>> -> memref<16x128xf32, #tpu.memory_space<vmem>>
      %dma_wait3A_712 = arith.constant 0 : i32
      %dma_wait3A_713 = arith.constant 0 : i32
      %dma_wait3A_714 = tpu.memref_slice %arg4[%dma_wait3A_712, %dma_wait3A_713] : memref<16x1000000xf32, #tpu.memory_space<hbm>> -> memref<16x128xf32, #tpu.memory_space<hbm>>
      %dma_wait3A_715 = arith.constant 0 : i32
      %dma_wait3A_716 = arith.constant 0 : i32
      %dma_wait3A_717 = tpu.memref_slice %arg11[%dma_wait3A_707, %dma_wait3A_715, %dma_wait3A_716] : memref<16x16x128xf32, #tpu.memory_space<vmem>> -> memref<1x16x128xf32, #tpu.memory_space<vmem>>
      %dma_wait3A_718 = tpu.memref_squeeze %dma_wait3A_717 : memref<1x16x128xf32, #tpu.memory_space<vmem>> -> memref<16x128xf32, #tpu.memory_space<vmem>>
      %dma_wait3A_719 = arith.constant 0 : i32
      %dma_wait3A_720 = arith.constant 0 : i32
      %dma_wait3A_721 = tpu.memref_slice %arg4[%dma_wait3A_719, %dma_wait3A_720] : memref<16x1000000xf32, #tpu.memory_space<hbm>> -> memref<16x128xf32, #tpu.memory_space<hbm>>
      tpu.wait_dma2 semaphore(%arg13 : memref<!tpu.dma_semaphore, #tpu.memory_space<semaphore_mem>>) src(%dma_wait3A_721 : memref<16x128xf32, #tpu.memory_space<hbm>>) dst(%dma_wait3A_718 : memref<16x128xf32, #tpu.memory_space<vmem>>)
      %dma_wait3A_722 = arith.constant 2 : i32
      %dma_wait3A_723 = arith.constant 0 : i32
      %dma_wait3A_724 = arith.constant 0 : i32
      %dma_wait3A_725 = tpu.memref_slice %arg10[%dma_wait3A_722, %dma_wait3A_723, %dma_wait3A_724] : memref<16x16x128xf32, #tpu.memory_space<vmem>> -> memref<1x16x128xf32, #tpu.memory_space<vmem>>
      %dma_wait3A_726 = tpu.memref_squeeze %dma_wait3A_725 : memref<1x16x128xf32, #tpu.memory_space<vmem>> -> memref<16x128xf32, #tpu.memory_space<vmem>>
      %dma_wait3A_727 = arith.constant 0 : i32
      %dma_wait3A_728 = arith.constant 0 : i32
      %dma_wait3A_729 = tpu.memref_slice %arg3[%dma_wait3A_727, %dma_wait3A_728] : memref<16x1000000xf32, #tpu.memory_space<hbm>> -> memref<16x128xf32, #tpu.memory_space<hbm>>
      %dma_wait3A_730 = arith.constant 0 : i32
      %dma_wait3A_731 = arith.constant 0 : i32
      %dma_wait3A_732 = tpu.memref_slice %arg10[%dma_wait3A_722, %dma_wait3A_730, %dma_wait3A_731] : memref<16x16x128xf32, #tpu.memory_space<vmem>> -> memref<1x16x128xf32, #tpu.memory_space<vmem>>
      %dma_wait3A_733 = tpu.memref_squeeze %dma_wait3A_732 : memref<1x16x128xf32, #tpu.memory_space<vmem>> -> memref<16x128xf32, #tpu.memory_space<vmem>>
      %dma_wait3A_734 = arith.constant 0 : i32
      %dma_wait3A_735 = arith.constant 0 : i32
      %dma_wait3A_736 = tpu.memref_slice %arg3[%dma_wait3A_734, %dma_wait3A_735] : memref<16x1000000xf32, #tpu.memory_space<hbm>> -> memref<16x128xf32, #tpu.memory_space<hbm>>
      tpu.wait_dma2 semaphore(%arg12 : memref<!tpu.dma_semaphore, #tpu.memory_space<semaphore_mem>>) src(%dma_wait3A_736 : memref<16x128xf32, #tpu.memory_space<hbm>>) dst(%dma_wait3A_733 : memref<16x128xf32, #tpu.memory_space<vmem>>)
      %dma_wait3A_737 = arith.constant 2 : i32
      %dma_wait3A_738 = arith.constant 0 : i32
      %dma_wait3A_739 = arith.constant 0 : i32
      %dma_wait3A_740 = tpu.memref_slice %arg11[%dma_wait3A_737, %dma_wait3A_738, %dma_wait3A_739] : memref<16x16x128xf32, #tpu.memory_space<vmem>> -> memref<1x16x128xf32, #tpu.memory_space<vmem>>
      %dma_wait3A_741 = tpu.memref_squeeze %dma_wait3A_740 : memref<1x16x128xf32, #tpu.memory_space<vmem>> -> memref<16x128xf32, #tpu.memory_space<vmem>>
      %dma_wait3A_742 = arith.constant 0 : i32
      %dma_wait3A_743 = arith.constant 0 : i32
      %dma_wait3A_744 = tpu.memref_slice %arg4[%dma_wait3A_742, %dma_wait3A_743] : memref<16x1000000xf32, #tpu.memory_space<hbm>> -> memref<16x128xf32, #tpu.memory_space<hbm>>
      %dma_wait3A_745 = arith.constant 0 : i32
      %dma_wait3A_746 = arith.constant 0 : i32
      %dma_wait3A_747 = tpu.memref_slice %arg11[%dma_wait3A_737, %dma_wait3A_745, %dma_wait3A_746] : memref<16x16x128xf32, #tpu.memory_space<vmem>> -> memref<1x16x128xf32, #tpu.memory_space<vmem>>
      %dma_wait3A_748 = tpu.memref_squeeze %dma_wait3A_747 : memref<1x16x128xf32, #tpu.memory_space<vmem>> -> memref<16x128xf32, #tpu.memory_space<vmem>>
      %dma_wait3A_749 = arith.constant 0 : i32
      %dma_wait3A_750 = arith.constant 0 : i32
      %dma_wait3A_751 = tpu.memref_slice %arg4[%dma_wait3A_749, %dma_wait3A_750] : memref<16x1000000xf32, #tpu.memory_space<hbm>> -> memref<16x128xf32, #tpu.memory_space<hbm>>
      tpu.wait_dma2 semaphore(%arg13 : memref<!tpu.dma_semaphore, #tpu.memory_space<semaphore_mem>>) src(%dma_wait3A_751 : memref<16x128xf32, #tpu.memory_space<hbm>>) dst(%dma_wait3A_748 : memref<16x128xf32, #tpu.memory_space<vmem>>)
      %dma_wait3A_752 = arith.constant 3 : i32
      %dma_wait3A_753 = arith.constant 0 : i32
      %dma_wait3A_754 = arith.constant 0 : i32
      %dma_wait3A_755 = tpu.memref_slice %arg10[%dma_wait3A_752, %dma_wait3A_753, %dma_wait3A_754] : memref<16x16x128xf32, #tpu.memory_space<vmem>> -> memref<1x16x128xf32, #tpu.memory_space<vmem>>
      %dma_wait3A_756 = tpu.memref_squeeze %dma_wait3A_755 : memref<1x16x128xf32, #tpu.memory_space<vmem>> -> memref<16x128xf32, #tpu.memory_space<vmem>>
      %dma_wait3A_757 = arith.constant 0 : i32
      %dma_wait3A_758 = arith.constant 0 : i32
      %dma_wait3A_759 = tpu.memref_slice %arg3[%dma_wait3A_757, %dma_wait3A_758] : memref<16x1000000xf32, #tpu.memory_space<hbm>> -> memref<16x128xf32, #tpu.memory_space<hbm>>
      %dma_wait3A_760 = arith.constant 0 : i32
      %dma_wait3A_761 = arith.constant 0 : i32
      %dma_wait3A_762 = tpu.memref_slice %arg10[%dma_wait3A_752, %dma_wait3A_760, %dma_wait3A_761] : memref<16x16x128xf32, #tpu.memory_space<vmem>> -> memref<1x16x128xf32, #tpu.memory_space<vmem>>
      %dma_wait3A_763 = tpu.memref_squeeze %dma_wait3A_762 : memref<1x16x128xf32, #tpu.memory_space<vmem>> -> memref<16x128xf32, #tpu.memory_space<vmem>>
      %dma_wait3A_764 = arith.constant 0 : i32
      %dma_wait3A_765 = arith.constant 0 : i32
      %dma_wait3A_766 = tpu.memref_slice %arg3[%dma_wait3A_764, %dma_wait3A_765] : memref<16x1000000xf32, #tpu.memory_space<hbm>> -> memref<16x128xf32, #tpu.memory_space<hbm>>
      tpu.wait_dma2 semaphore(%arg12 : memref<!tpu.dma_semaphore, #tpu.memory_space<semaphore_mem>>) src(%dma_wait3A_766 : memref<16x128xf32, #tpu.memory_space<hbm>>) dst(%dma_wait3A_763 : memref<16x128xf32, #tpu.memory_space<vmem>>)
      %dma_wait3A_767 = arith.constant 3 : i32
      %dma_wait3A_768 = arith.constant 0 : i32
      %dma_wait3A_769 = arith.constant 0 : i32
      %dma_wait3A_770 = tpu.memref_slice %arg11[%dma_wait3A_767, %dma_wait3A_768, %dma_wait3A_769] : memref<16x16x128xf32, #tpu.memory_space<vmem>> -> memref<1x16x128xf32, #tpu.memory_space<vmem>>
      %dma_wait3A_771 = tpu.memref_squeeze %dma_wait3A_770 : memref<1x16x128xf32, #tpu.memory_space<vmem>> -> memref<16x128xf32, #tpu.memory_space<vmem>>
      %dma_wait3A_772 = arith.constant 0 : i32
      %dma_wait3A_773 = arith.constant 0 : i32
      %dma_wait3A_774 = tpu.memref_slice %arg4[%dma_wait3A_772, %dma_wait3A_773] : memref<16x1000000xf32, #tpu.memory_space<hbm>> -> memref<16x128xf32, #tpu.memory_space<hbm>>
      %dma_wait3A_775 = arith.constant 0 : i32
      %dma_wait3A_776 = arith.constant 0 : i32
      %dma_wait3A_777 = tpu.memref_slice %arg11[%dma_wait3A_767, %dma_wait3A_775, %dma_wait3A_776] : memref<16x16x128xf32, #tpu.memory_space<vmem>> -> memref<1x16x128xf32, #tpu.memory_space<vmem>>
      %dma_wait3A_778 = tpu.memref_squeeze %dma_wait3A_777 : memref<1x16x128xf32, #tpu.memory_space<vmem>> -> memref<16x128xf32, #tpu.memory_space<vmem>>
      %dma_wait3A_779 = arith.constant 0 : i32
      %dma_wait3A_780 = arith.constant 0 : i32
      %dma_wait3A_781 = tpu.memref_slice %arg4[%dma_wait3A_779, %dma_wait3A_780] : memref<16x1000000xf32, #tpu.memory_space<hbm>> -> memref<16x128xf32, #tpu.memory_space<hbm>>
      tpu.wait_dma2 semaphore(%arg13 : memref<!tpu.dma_semaphore, #tpu.memory_space<semaphore_mem>>) src(%dma_wait3A_781 : memref<16x128xf32, #tpu.memory_space<hbm>>) dst(%dma_wait3A_778 : memref<16x128xf32, #tpu.memory_space<vmem>>)
      %dma_wait3A_782 = arith.constant 4 : i32
      %dma_wait3A_783 = arith.constant 0 : i32
      %dma_wait3A_784 = arith.constant 0 : i32
      %dma_wait3A_785 = tpu.memref_slice %arg10[%dma_wait3A_782, %dma_wait3A_783, %dma_wait3A_784] : memref<16x16x128xf32, #tpu.memory_space<vmem>> -> memref<1x16x128xf32, #tpu.memory_space<vmem>>
      %dma_wait3A_786 = tpu.memref_squeeze %dma_wait3A_785 : memref<1x16x128xf32, #tpu.memory_space<vmem>> -> memref<16x128xf32, #tpu.memory_space<vmem>>
      %dma_wait3A_787 = arith.constant 0 : i32
      %dma_wait3A_788 = arith.constant 0 : i32
      %dma_wait3A_789 = tpu.memref_slice %arg3[%dma_wait3A_787, %dma_wait3A_788] : memref<16x1000000xf32, #tpu.memory_space<hbm>> -> memref<16x128xf32, #tpu.memory_space<hbm>>
      %dma_wait3A_790 = arith.constant 0 : i32
      %dma_wait3A_791 = arith.constant 0 : i32
      %dma_wait3A_792 = tpu.memref_slice %arg10[%dma_wait3A_782, %dma_wait3A_790, %dma_wait3A_791] : memref<16x16x128xf32, #tpu.memory_space<vmem>> -> memref<1x16x128xf32, #tpu.memory_space<vmem>>
      %dma_wait3A_793 = tpu.memref_squeeze %dma_wait3A_792 : memref<1x16x128xf32, #tpu.memory_space<vmem>> -> memref<16x128xf32, #tpu.memory_space<vmem>>
      %dma_wait3A_794 = arith.constant 0 : i32
      %dma_wait3A_795 = arith.constant 0 : i32
      %dma_wait3A_796 = tpu.memref_slice %arg3[%dma_wait3A_794, %dma_wait3A_795] : memref<16x1000000xf32, #tpu.memory_space<hbm>> -> memref<16x128xf32, #tpu.memory_space<hbm>>
      tpu.wait_dma2 semaphore(%arg12 : memref<!tpu.dma_semaphore, #tpu.memory_space<semaphore_mem>>) src(%dma_wait3A_796 : memref<16x128xf32, #tpu.memory_space<hbm>>) dst(%dma_wait3A_793 : memref<16x128xf32, #tpu.memory_space<vmem>>)
      %dma_wait3A_797 = arith.constant 4 : i32
      %dma_wait3A_798 = arith.constant 0 : i32
      %dma_wait3A_799 = arith.constant 0 : i32
      %dma_wait3A_800 = tpu.memref_slice %arg11[%dma_wait3A_797, %dma_wait3A_798, %dma_wait3A_799] : memref<16x16x128xf32, #tpu.memory_space<vmem>> -> memref<1x16x128xf32, #tpu.memory_space<vmem>>
      %dma_wait3A_801 = tpu.memref_squeeze %dma_wait3A_800 : memref<1x16x128xf32, #tpu.memory_space<vmem>> -> memref<16x128xf32, #tpu.memory_space<vmem>>
      %dma_wait3A_802 = arith.constant 0 : i32
      %dma_wait3A_803 = arith.constant 0 : i32
      %dma_wait3A_804 = tpu.memref_slice %arg4[%dma_wait3A_802, %dma_wait3A_803] : memref<16x1000000xf32, #tpu.memory_space<hbm>> -> memref<16x128xf32, #tpu.memory_space<hbm>>
      %dma_wait3A_805 = arith.constant 0 : i32
      %dma_wait3A_806 = arith.constant 0 : i32
      %dma_wait3A_807 = tpu.memref_slice %arg11[%dma_wait3A_797, %dma_wait3A_805, %dma_wait3A_806] : memref<16x16x128xf32, #tpu.memory_space<vmem>> -> memref<1x16x128xf32, #tpu.memory_space<vmem>>
      %dma_wait3A_808 = tpu.memref_squeeze %dma_wait3A_807 : memref<1x16x128xf32, #tpu.memory_space<vmem>> -> memref<16x128xf32, #tpu.memory_space<vmem>>
      %dma_wait3A_809 = arith.constant 0 : i32
      %dma_wait3A_810 = arith.constant 0 : i32
      %dma_wait3A_811 = tpu.memref_slice %arg4[%dma_wait3A_809, %dma_wait3A_810] : memref<16x1000000xf32, #tpu.memory_space<hbm>> -> memref<16x128xf32, #tpu.memory_space<hbm>>
      tpu.wait_dma2 semaphore(%arg13 : memref<!tpu.dma_semaphore, #tpu.memory_space<semaphore_mem>>) src(%dma_wait3A_811 : memref<16x128xf32, #tpu.memory_space<hbm>>) dst(%dma_wait3A_808 : memref<16x128xf32, #tpu.memory_space<vmem>>)
      %dma_wait3A_812 = arith.constant 5 : i32
      %dma_wait3A_813 = arith.constant 0 : i32
      %dma_wait3A_814 = arith.constant 0 : i32
      %dma_wait3A_815 = tpu.memref_slice %arg10[%dma_wait3A_812, %dma_wait3A_813, %dma_wait3A_814] : memref<16x16x128xf32, #tpu.memory_space<vmem>> -> memref<1x16x128xf32, #tpu.memory_space<vmem>>
      %dma_wait3A_816 = tpu.memref_squeeze %dma_wait3A_815 : memref<1x16x128xf32, #tpu.memory_space<vmem>> -> memref<16x128xf32, #tpu.memory_space<vmem>>
      %dma_wait3A_817 = arith.constant 0 : i32
      %dma_wait3A_818 = arith.constant 0 : i32
      %dma_wait3A_819 = tpu.memref_slice %arg3[%dma_wait3A_817, %dma_wait3A_818] : memref<16x1000000xf32, #tpu.memory_space<hbm>> -> memref<16x128xf32, #tpu.memory_space<hbm>>
      %dma_wait3A_820 = arith.constant 0 : i32
      %dma_wait3A_821 = arith.constant 0 : i32
      %dma_wait3A_822 = tpu.memref_slice %arg10[%dma_wait3A_812, %dma_wait3A_820, %dma_wait3A_821] : memref<16x16x128xf32, #tpu.memory_space<vmem>> -> memref<1x16x128xf32, #tpu.memory_space<vmem>>
      %dma_wait3A_823 = tpu.memref_squeeze %dma_wait3A_822 : memref<1x16x128xf32, #tpu.memory_space<vmem>> -> memref<16x128xf32, #tpu.memory_space<vmem>>
      %dma_wait3A_824 = arith.constant 0 : i32
      %dma_wait3A_825 = arith.constant 0 : i32
      %dma_wait3A_826 = tpu.memref_slice %arg3[%dma_wait3A_824, %dma_wait3A_825] : memref<16x1000000xf32, #tpu.memory_space<hbm>> -> memref<16x128xf32, #tpu.memory_space<hbm>>
      tpu.wait_dma2 semaphore(%arg12 : memref<!tpu.dma_semaphore, #tpu.memory_space<semaphore_mem>>) src(%dma_wait3A_826 : memref<16x128xf32, #tpu.memory_space<hbm>>) dst(%dma_wait3A_823 : memref<16x128xf32, #tpu.memory_space<vmem>>)
      %dma_wait3A_827 = arith.constant 5 : i32
      %dma_wait3A_828 = arith.constant 0 : i32
      %dma_wait3A_829 = arith.constant 0 : i32
      %dma_wait3A_830 = tpu.memref_slice %arg11[%dma_wait3A_827, %dma_wait3A_828, %dma_wait3A_829] : memref<16x16x128xf32, #tpu.memory_space<vmem>> -> memref<1x16x128xf32, #tpu.memory_space<vmem>>
      %dma_wait3A_831 = tpu.memref_squeeze %dma_wait3A_830 : memref<1x16x128xf32, #tpu.memory_space<vmem>> -> memref<16x128xf32, #tpu.memory_space<vmem>>
      %dma_wait3A_832 = arith.constant 0 : i32
      %dma_wait3A_833 = arith.constant 0 : i32
      %dma_wait3A_834 = tpu.memref_slice %arg4[%dma_wait3A_832, %dma_wait3A_833] : memref<16x1000000xf32, #tpu.memory_space<hbm>> -> memref<16x128xf32, #tpu.memory_space<hbm>>
      %dma_wait3A_835 = arith.constant 0 : i32
      %dma_wait3A_836 = arith.constant 0 : i32
      %dma_wait3A_837 = tpu.memref_slice %arg11[%dma_wait3A_827, %dma_wait3A_835, %dma_wait3A_836] : memref<16x16x128xf32, #tpu.memory_space<vmem>> -> memref<1x16x128xf32, #tpu.memory_space<vmem>>
      %dma_wait3A_838 = tpu.memref_squeeze %dma_wait3A_837 : memref<1x16x128xf32, #tpu.memory_space<vmem>> -> memref<16x128xf32, #tpu.memory_space<vmem>>
      %dma_wait3A_839 = arith.constant 0 : i32
      %dma_wait3A_840 = arith.constant 0 : i32
      %dma_wait3A_841 = tpu.memref_slice %arg4[%dma_wait3A_839, %dma_wait3A_840] : memref<16x1000000xf32, #tpu.memory_space<hbm>> -> memref<16x128xf32, #tpu.memory_space<hbm>>
      tpu.wait_dma2 semaphore(%arg13 : memref<!tpu.dma_semaphore, #tpu.memory_space<semaphore_mem>>) src(%dma_wait3A_841 : memref<16x128xf32, #tpu.memory_space<hbm>>) dst(%dma_wait3A_838 : memref<16x128xf32, #tpu.memory_space<vmem>>)
      %dma_wait3A_842 = arith.constant 6 : i32
      %dma_wait3A_843 = arith.constant 0 : i32
      %dma_wait3A_844 = arith.constant 0 : i32
      %dma_wait3A_845 = tpu.memref_slice %arg10[%dma_wait3A_842, %dma_wait3A_843, %dma_wait3A_844] : memref<16x16x128xf32, #tpu.memory_space<vmem>> -> memref<1x16x128xf32, #tpu.memory_space<vmem>>
      %dma_wait3A_846 = tpu.memref_squeeze %dma_wait3A_845 : memref<1x16x128xf32, #tpu.memory_space<vmem>> -> memref<16x128xf32, #tpu.memory_space<vmem>>
      %dma_wait3A_847 = arith.constant 0 : i32
      %dma_wait3A_848 = arith.constant 0 : i32
      %dma_wait3A_849 = tpu.memref_slice %arg3[%dma_wait3A_847, %dma_wait3A_848] : memref<16x1000000xf32, #tpu.memory_space<hbm>> -> memref<16x128xf32, #tpu.memory_space<hbm>>
      %dma_wait3A_850 = arith.constant 0 : i32
      %dma_wait3A_851 = arith.constant 0 : i32
      %dma_wait3A_852 = tpu.memref_slice %arg10[%dma_wait3A_842, %dma_wait3A_850, %dma_wait3A_851] : memref<16x16x128xf32, #tpu.memory_space<vmem>> -> memref<1x16x128xf32, #tpu.memory_space<vmem>>
      %dma_wait3A_853 = tpu.memref_squeeze %dma_wait3A_852 : memref<1x16x128xf32, #tpu.memory_space<vmem>> -> memref<16x128xf32, #tpu.memory_space<vmem>>
      %dma_wait3A_854 = arith.constant 0 : i32
      %dma_wait3A_855 = arith.constant 0 : i32
      %dma_wait3A_856 = tpu.memref_slice %arg3[%dma_wait3A_854, %dma_wait3A_855] : memref<16x1000000xf32, #tpu.memory_space<hbm>> -> memref<16x128xf32, #tpu.memory_space<hbm>>
      tpu.wait_dma2 semaphore(%arg12 : memref<!tpu.dma_semaphore, #tpu.memory_space<semaphore_mem>>) src(%dma_wait3A_856 : memref<16x128xf32, #tpu.memory_space<hbm>>) dst(%dma_wait3A_853 : memref<16x128xf32, #tpu.memory_space<vmem>>)
      %dma_wait3A_857 = arith.constant 6 : i32
      %dma_wait3A_858 = arith.constant 0 : i32
      %dma_wait3A_859 = arith.constant 0 : i32
      %dma_wait3A_860 = tpu.memref_slice %arg11[%dma_wait3A_857, %dma_wait3A_858, %dma_wait3A_859] : memref<16x16x128xf32, #tpu.memory_space<vmem>> -> memref<1x16x128xf32, #tpu.memory_space<vmem>>
      %dma_wait3A_861 = tpu.memref_squeeze %dma_wait3A_860 : memref<1x16x128xf32, #tpu.memory_space<vmem>> -> memref<16x128xf32, #tpu.memory_space<vmem>>
      %dma_wait3A_862 = arith.constant 0 : i32
      %dma_wait3A_863 = arith.constant 0 : i32
      %dma_wait3A_864 = tpu.memref_slice %arg4[%dma_wait3A_862, %dma_wait3A_863] : memref<16x1000000xf32, #tpu.memory_space<hbm>> -> memref<16x128xf32, #tpu.memory_space<hbm>>
      %dma_wait3A_865 = arith.constant 0 : i32
      %dma_wait3A_866 = arith.constant 0 : i32
      %dma_wait3A_867 = tpu.memref_slice %arg11[%dma_wait3A_857, %dma_wait3A_865, %dma_wait3A_866] : memref<16x16x128xf32, #tpu.memory_space<vmem>> -> memref<1x16x128xf32, #tpu.memory_space<vmem>>
      %dma_wait3A_868 = tpu.memref_squeeze %dma_wait3A_867 : memref<1x16x128xf32, #tpu.memory_space<vmem>> -> memref<16x128xf32, #tpu.memory_space<vmem>>
      %dma_wait3A_869 = arith.constant 0 : i32
      %dma_wait3A_870 = arith.constant 0 : i32
      %dma_wait3A_871 = tpu.memref_slice %arg4[%dma_wait3A_869, %dma_wait3A_870] : memref<16x1000000xf32, #tpu.memory_space<hbm>> -> memref<16x128xf32, #tpu.memory_space<hbm>>
      tpu.wait_dma2 semaphore(%arg13 : memref<!tpu.dma_semaphore, #tpu.memory_space<semaphore_mem>>) src(%dma_wait3A_871 : memref<16x128xf32, #tpu.memory_space<hbm>>) dst(%dma_wait3A_868 : memref<16x128xf32, #tpu.memory_space<vmem>>)
      %dma_wait3A_872 = arith.constant 7 : i32
      %dma_wait3A_873 = arith.constant 0 : i32
      %dma_wait3A_874 = arith.constant 0 : i32
      %dma_wait3A_875 = tpu.memref_slice %arg10[%dma_wait3A_872, %dma_wait3A_873, %dma_wait3A_874] : memref<16x16x128xf32, #tpu.memory_space<vmem>> -> memref<1x16x128xf32, #tpu.memory_space<vmem>>
      %dma_wait3A_876 = tpu.memref_squeeze %dma_wait3A_875 : memref<1x16x128xf32, #tpu.memory_space<vmem>> -> memref<16x128xf32, #tpu.memory_space<vmem>>
      %dma_wait3A_877 = arith.constant 0 : i32
      %dma_wait3A_878 = arith.constant 0 : i32
      %dma_wait3A_879 = tpu.memref_slice %arg3[%dma_wait3A_877, %dma_wait3A_878] : memref<16x1000000xf32, #tpu.memory_space<hbm>> -> memref<16x128xf32, #tpu.memory_space<hbm>>
      %dma_wait3A_880 = arith.constant 0 : i32
      %dma_wait3A_881 = arith.constant 0 : i32
      %dma_wait3A_882 = tpu.memref_slice %arg10[%dma_wait3A_872, %dma_wait3A_880, %dma_wait3A_881] : memref<16x16x128xf32, #tpu.memory_space<vmem>> -> memref<1x16x128xf32, #tpu.memory_space<vmem>>
      %dma_wait3A_883 = tpu.memref_squeeze %dma_wait3A_882 : memref<1x16x128xf32, #tpu.memory_space<vmem>> -> memref<16x128xf32, #tpu.memory_space<vmem>>
      %dma_wait3A_884 = arith.constant 0 : i32
      %dma_wait3A_885 = arith.constant 0 : i32
      %dma_wait3A_886 = tpu.memref_slice %arg3[%dma_wait3A_884, %dma_wait3A_885] : memref<16x1000000xf32, #tpu.memory_space<hbm>> -> memref<16x128xf32, #tpu.memory_space<hbm>>
      tpu.wait_dma2 semaphore(%arg12 : memref<!tpu.dma_semaphore, #tpu.memory_space<semaphore_mem>>) src(%dma_wait3A_886 : memref<16x128xf32, #tpu.memory_space<hbm>>) dst(%dma_wait3A_883 : memref<16x128xf32, #tpu.memory_space<vmem>>)
      %dma_wait3A_887 = arith.constant 7 : i32
      %dma_wait3A_888 = arith.constant 0 : i32
      %dma_wait3A_889 = arith.constant 0 : i32
      %dma_wait3A_890 = tpu.memref_slice %arg11[%dma_wait3A_887, %dma_wait3A_888, %dma_wait3A_889] : memref<16x16x128xf32, #tpu.memory_space<vmem>> -> memref<1x16x128xf32, #tpu.memory_space<vmem>>
      %dma_wait3A_891 = tpu.memref_squeeze %dma_wait3A_890 : memref<1x16x128xf32, #tpu.memory_space<vmem>> -> memref<16x128xf32, #tpu.memory_space<vmem>>
      %dma_wait3A_892 = arith.constant 0 : i32
      %dma_wait3A_893 = arith.constant 0 : i32
      %dma_wait3A_894 = tpu.memref_slice %arg4[%dma_wait3A_892, %dma_wait3A_893] : memref<16x1000000xf32, #tpu.memory_space<hbm>> -> memref<16x128xf32, #tpu.memory_space<hbm>>
      %dma_wait3A_895 = arith.constant 0 : i32
      %dma_wait3A_896 = arith.constant 0 : i32
      %dma_wait3A_897 = tpu.memref_slice %arg11[%dma_wait3A_887, %dma_wait3A_895, %dma_wait3A_896] : memref<16x16x128xf32, #tpu.memory_space<vmem>> -> memref<1x16x128xf32, #tpu.memory_space<vmem>>
      %dma_wait3A_898 = tpu.memref_squeeze %dma_wait3A_897 : memref<1x16x128xf32, #tpu.memory_space<vmem>> -> memref<16x128xf32, #tpu.memory_space<vmem>>
      %dma_wait3A_899 = arith.constant 0 : i32
      %dma_wait3A_900 = arith.constant 0 : i32
      %dma_wait3A_901 = tpu.memref_slice %arg4[%dma_wait3A_899, %dma_wait3A_900] : memref<16x1000000xf32, #tpu.memory_space<hbm>> -> memref<16x128xf32, #tpu.memory_space<hbm>>
      tpu.wait_dma2 semaphore(%arg13 : memref<!tpu.dma_semaphore, #tpu.memory_space<semaphore_mem>>) src(%dma_wait3A_901 : memref<16x128xf32, #tpu.memory_space<hbm>>) dst(%dma_wait3A_898 : memref<16x128xf32, #tpu.memory_space<vmem>>)
      %broadcast_in_dim3A = arith.constant 0.000000e+00 : f32
      %broadcast_in_dim3A_902 = vector.broadcast %broadcast_in_dim3A : f32 to vector<16xf32>
      %get3A_903 = arith.index_cast %mul3A_338 : i32 to index
      %get3A_904 = tpu.vector_load %arg7[%get3A_903] {strides = array<i32>} : memref<512xi32, #tpu.memory_space<vmem>>, vector<16xi32>,
      %get3A_905 = arith.index_cast %mul3A_338 : i32 to index
      %get3A_906 = tpu.vector_load %arg8[%get3A_905] {strides = array<i32>} : memref<512xi32, #tpu.memory_space<vmem>>, vector<16xi32>,
      %slice3A_907 = vector.extract_strided_slice %get3A_904 {offsets = [0], sizes = [1], strides = [1]} : vector<16xi32> to vector<1xi32>
      %squeeze3A_908 = vector.extract %slice3A_907[0] : i32 from vector<1xi32>
      %slice3A_909 = vector.extract_strided_slice %get3A_904 {offsets = [0], sizes = [1], strides = [1]} : vector<16xi32> to vector<1xi32>
      %squeeze3A_910 = vector.extract %slice3A_909[0] : i32 from vector<1xi32>
      %shift_right_arithmetic3A_911 = arith.constant 7 : i32
      %shift_right_arithmetic3A_912 = arith.shrsi %squeeze3A_910, %shift_right_arithmetic3A_911 : i32
      %shift_left3A_913 = arith.constant 7 : i32
      %shift_left3A_914 = arith.shli %shift_right_arithmetic3A_912, %shift_left3A_913 : i32
      %multiple_of3A_915 = tpu.assume_multiple %shift_left3A_914, 128 : i32
      %sub3A = arith.subi %squeeze3A_908, %multiple_of3A_915 : i32
      %slice3A_916 = vector.extract_strided_slice %get3A_906 {offsets = [0], sizes = [1], strides = [1]} : vector<16xi32> to vector<1xi32>
      %squeeze3A_917 = vector.extract %slice3A_916[0] : i32 from vector<1xi32>
      %slice3A_918 = vector.extract_strided_slice %get3A_906 {offsets = [0], sizes = [1], strides = [1]} : vector<16xi32> to vector<1xi32>
      %squeeze3A_919 = vector.extract %slice3A_918[0] : i32 from vector<1xi32>
      %shift_right_arithmetic3A_920 = arith.constant 7 : i32
      %shift_right_arithmetic3A_921 = arith.shrsi %squeeze3A_919, %shift_right_arithmetic3A_920 : i32
      %shift_left3A_922 = arith.constant 7 : i32
      %shift_left3A_923 = arith.shli %shift_right_arithmetic3A_921, %shift_left3A_922 : i32
      %multiple_of3A_924 = tpu.assume_multiple %shift_left3A_923, 128 : i32
      %sub3A_925 = arith.subi %squeeze3A_917, %multiple_of3A_924 : i32
      %broadcast_in_dim3A_926 = vector.broadcast %sub3A : i32 to vector<16xi32>
      %gather3A = arith.constant 0 : i32
      %gather3A_927 = arith.constant 0 : i32
      %gather3A_928 = arith.constant 0 : i32
      %gather3A_929 = tpu.memref_slice %arg10[%gather3A, %gather3A_927, %gather3A_928] : memref<16x16x128xf32, #tpu.memory_space<vmem>> -> memref<1x16x128xf32, #tpu.memory_space<vmem>>
      %gather3A_930 = tpu.memref_squeeze %gather3A_929 : memref<1x16x128xf32, #tpu.memory_space<vmem>> -> memref<16x128xf32, #tpu.memory_space<vmem>>
      %gather3A_931 = tpu.vector_load_idx %gather3A_930[%iota3A, %broadcast_in_dim3A_926] : memref<16x128xf32, #tpu.memory_space<vmem>>[vector<16xi32>, vector<16xi32>], vector<16xf32>,
      %broadcast_in_dim3A_932 = vector.broadcast %sub3A_925 : i32 to vector<16xi32>
      %gather3A_933 = arith.constant 0 : i32
      %gather3A_934 = arith.constant 0 : i32
      %gather3A_935 = arith.constant 0 : i32
      %gather3A_936 = tpu.memref_slice %arg11[%gather3A_933, %gather3A_934, %gather3A_935] : memref<16x16x128xf32, #tpu.memory_space<vmem>> -> memref<1x16x128xf32, #tpu.memory_space<vmem>>
      %gather3A_937 = tpu.memref_squeeze %gather3A_936 : memref<1x16x128xf32, #tpu.memory_space<vmem>> -> memref<16x128xf32, #tpu.memory_space<vmem>>
      %gather3A_938 = tpu.vector_load_idx %gather3A_937[%iota3A, %broadcast_in_dim3A_932] : memref<16x128xf32, #tpu.memory_space<vmem>>[vector<16xi32>, vector<16xi32>], vector<16xf32>,
      %mul3A_939 = arith.mulf %gather3A_931, %gather3A_938 : vector<16xf32>
      %reduce_sum3A = arith.constant true
      %reduce_sum3A_940 = vector.broadcast %reduce_sum3A : i1 to vector<16xi1>
      %reduce_sum3A_941 = tpu.scan <sum>, %mul3A_939 masked %reduce_sum3A_940 : vector<16xf32>, vector<16xi1> -> vector<16xf32>
      %reduce_sum3A_942 = vector.extract %reduce_sum3A_941[15] : f32 from vector<16xf32>
      %eq3A = arith.constant 0 : i32
      %eq3A_943 = vector.broadcast %eq3A : i32 to vector<16xi32>
      %eq3A_944 = arith.cmpi eq, %iota3A, %eq3A_943 : vector<16xi32>
      %broadcast_in_dim3A_945 = vector.broadcast %reduce_sum3A_942 : f32 to vector<16xf32>
      %select_n3A = arith.select %eq3A_944, %broadcast_in_dim3A_945, %broadcast_in_dim3A_902 : vector<16xi1>, vector<16xf32>
      %slice3A_946 = vector.extract_strided_slice %get3A_904 {offsets = [1], sizes = [1], strides = [1]} : vector<16xi32> to vector<1xi32>
      %squeeze3A_947 = vector.extract %slice3A_946[0] : i32 from vector<1xi32>
      %slice3A_948 = vector.extract_strided_slice %get3A_904 {offsets = [1], sizes = [1], strides = [1]} : vector<16xi32> to vector<1xi32>
      %squeeze3A_949 = vector.extract %slice3A_948[0] : i32 from vector<1xi32>
      %shift_right_arithmetic3A_950 = arith.constant 7 : i32
      %shift_right_arithmetic3A_951 = arith.shrsi %squeeze3A_949, %shift_right_arithmetic3A_950 : i32
      %shift_left3A_952 = arith.constant 7 : i32
      %shift_left3A_953 = arith.shli %shift_right_arithmetic3A_951, %shift_left3A_952 : i32
      %multiple_of3A_954 = tpu.assume_multiple %shift_left3A_953, 128 : i32
      %sub3A_955 = arith.subi %squeeze3A_947, %multiple_of3A_954 : i32
      %slice3A_956 = vector.extract_strided_slice %get3A_906 {offsets = [1], sizes = [1], strides = [1]} : vector<16xi32> to vector<1xi32>
      %squeeze3A_957 = vector.extract %slice3A_956[0] : i32 from vector<1xi32>
      %slice3A_958 = vector.extract_strided_slice %get3A_906 {offsets = [1], sizes = [1], strides = [1]} : vector<16xi32> to vector<1xi32>
      %squeeze3A_959 = vector.extract %slice3A_958[0] : i32 from vector<1xi32>
      %shift_right_arithmetic3A_960 = arith.constant 7 : i32
      %shift_right_arithmetic3A_961 = arith.shrsi %squeeze3A_959, %shift_right_arithmetic3A_960 : i32
      %shift_left3A_962 = arith.constant 7 : i32
      %shift_left3A_963 = arith.shli %shift_right_arithmetic3A_961, %shift_left3A_962 : i32
      %multiple_of3A_964 = tpu.assume_multiple %shift_left3A_963, 128 : i32
      %sub3A_965 = arith.subi %squeeze3A_957, %multiple_of3A_964 : i32
      %broadcast_in_dim3A_966 = vector.broadcast %sub3A_955 : i32 to vector<16xi32>
      %gather3A_967 = arith.constant 1 : i32
      %gather3A_968 = arith.constant 0 : i32
      %gather3A_969 = arith.constant 0 : i32
      %gather3A_970 = tpu.memref_slice %arg10[%gather3A_967, %gather3A_968, %gather3A_969] : memref<16x16x128xf32, #tpu.memory_space<vmem>> -> memref<1x16x128xf32, #tpu.memory_space<vmem>>
      %gather3A_971 = tpu.memref_squeeze %gather3A_970 : memref<1x16x128xf32, #tpu.memory_space<vmem>> -> memref<16x128xf32, #tpu.memory_space<vmem>>
      %gather3A_972 = tpu.vector_load_idx %gather3A_971[%iota3A, %broadcast_in_dim3A_966] : memref<16x128xf32, #tpu.memory_space<vmem>>[vector<16xi32>, vector<16xi32>], vector<16xf32>,
      %broadcast_in_dim3A_973 = vector.broadcast %sub3A_965 : i32 to vector<16xi32>
      %gather3A_974 = arith.constant 1 : i32
      %gather3A_975 = arith.constant 0 : i32
      %gather3A_976 = arith.constant 0 : i32
      %gather3A_977 = tpu.memref_slice %arg11[%gather3A_974, %gather3A_975, %gather3A_976] : memref<16x16x128xf32, #tpu.memory_space<vmem>> -> memref<1x16x128xf32, #tpu.memory_space<vmem>>
      %gather3A_978 = tpu.memref_squeeze %gather3A_977 : memref<1x16x128xf32, #tpu.memory_space<vmem>> -> memref<16x128xf32, #tpu.memory_space<vmem>>
      %gather3A_979 = tpu.vector_load_idx %gather3A_978[%iota3A, %broadcast_in_dim3A_973] : memref<16x128xf32, #tpu.memory_space<vmem>>[vector<16xi32>, vector<16xi32>], vector<16xf32>,
      %mul3A_980 = arith.mulf %gather3A_972, %gather3A_979 : vector<16xf32>
      %reduce_sum3A_981 = arith.constant true
      %reduce_sum3A_982 = vector.broadcast %reduce_sum3A_981 : i1 to vector<16xi1>
      %reduce_sum3A_983 = tpu.scan <sum>, %mul3A_980 masked %reduce_sum3A_982 : vector<16xf32>, vector<16xi1> -> vector<16xf32>
      %reduce_sum3A_984 = vector.extract %reduce_sum3A_983[15] : f32 from vector<16xf32>
      %eq3A_985 = arith.constant 1 : i32
      %eq3A_986 = vector.broadcast %eq3A_985 : i32 to vector<16xi32>
      %eq3A_987 = arith.cmpi eq, %iota3A, %eq3A_986 : vector<16xi32>
      %broadcast_in_dim3A_988 = vector.broadcast %reduce_sum3A_984 : f32 to vector<16xf32>
      %select_n3A_989 = arith.select %eq3A_987, %broadcast_in_dim3A_988, %select_n3A : vector<16xi1>, vector<16xf32>
      %slice3A_990 = vector.extract_strided_slice %get3A_904 {offsets = [2], sizes = [1], strides = [1]} : vector<16xi32> to vector<1xi32>
      %squeeze3A_991 = vector.extract %slice3A_990[0] : i32 from vector<1xi32>
      %slice3A_992 = vector.extract_strided_slice %get3A_904 {offsets = [2], sizes = [1], strides = [1]} : vector<16xi32> to vector<1xi32>
      %squeeze3A_993 = vector.extract %slice3A_992[0] : i32 from vector<1xi32>
      %shift_right_arithmetic3A_994 = arith.constant 7 : i32
      %shift_right_arithmetic3A_995 = arith.shrsi %squeeze3A_993, %shift_right_arithmetic3A_994 : i32
      %shift_left3A_996 = arith.constant 7 : i32
      %shift_left3A_997 = arith.shli %shift_right_arithmetic3A_995, %shift_left3A_996 : i32
      %multiple_of3A_998 = tpu.assume_multiple %shift_left3A_997, 128 : i32
      %sub3A_999 = arith.subi %squeeze3A_991, %multiple_of3A_998 : i32
      %slice3A_1000 = vector.extract_strided_slice %get3A_906 {offsets = [2], sizes = [1], strides = [1]} : vector<16xi32> to vector<1xi32>
      %squeeze3A_1001 = vector.extract %slice3A_1000[0] : i32 from vector<1xi32>
      %slice3A_1002 = vector.extract_strided_slice %get3A_906 {offsets = [2], sizes = [1], strides = [1]} : vector<16xi32> to vector<1xi32>
      %squeeze3A_1003 = vector.extract %slice3A_1002[0] : i32 from vector<1xi32>
      %shift_right_arithmetic3A_1004 = arith.constant 7 : i32
      %shift_right_arithmetic3A_1005 = arith.shrsi %squeeze3A_1003, %shift_right_arithmetic3A_1004 : i32
      %shift_left3A_1006 = arith.constant 7 : i32
      %shift_left3A_1007 = arith.shli %shift_right_arithmetic3A_1005, %shift_left3A_1006 : i32
      %multiple_of3A_1008 = tpu.assume_multiple %shift_left3A_1007, 128 : i32
      %sub3A_1009 = arith.subi %squeeze3A_1001, %multiple_of3A_1008 : i32
      %broadcast_in_dim3A_1010 = vector.broadcast %sub3A_999 : i32 to vector<16xi32>
      %gather3A_1011 = arith.constant 2 : i32
      %gather3A_1012 = arith.constant 0 : i32
      %gather3A_1013 = arith.constant 0 : i32
      %gather3A_1014 = tpu.memref_slice %arg10[%gather3A_1011, %gather3A_1012, %gather3A_1013] : memref<16x16x128xf32, #tpu.memory_space<vmem>> -> memref<1x16x128xf32, #tpu.memory_space<vmem>>
      %gather3A_1015 = tpu.memref_squeeze %gather3A_1014 : memref<1x16x128xf32, #tpu.memory_space<vmem>> -> memref<16x128xf32, #tpu.memory_space<vmem>>
      %gather3A_1016 = tpu.vector_load_idx %gather3A_1015[%iota3A, %broadcast_in_dim3A_1010] : memref<16x128xf32, #tpu.memory_space<vmem>>[vector<16xi32>, vector<16xi32>], vector<16xf32>,
      %broadcast_in_dim3A_1017 = vector.broadcast %sub3A_1009 : i32 to vector<16xi32>
      %gather3A_1018 = arith.constant 2 : i32
      %gather3A_1019 = arith.constant 0 : i32
      %gather3A_1020 = arith.constant 0 : i32
      %gather3A_1021 = tpu.memref_slice %arg11[%gather3A_1018, %gather3A_1019, %gather3A_1020] : memref<16x16x128xf32, #tpu.memory_space<vmem>> -> memref<1x16x128xf32, #tpu.memory_space<vmem>>
      %gather3A_1022 = tpu.memref_squeeze %gather3A_1021 : memref<1x16x128xf32, #tpu.memory_space<vmem>> -> memref<16x128xf32, #tpu.memory_space<vmem>>
      %gather3A_1023 = tpu.vector_load_idx %gather3A_1022[%iota3A, %broadcast_in_dim3A_1017] : memref<16x128xf32, #tpu.memory_space<vmem>>[vector<16xi32>, vector<16xi32>], vector<16xf32>,
      %mul3A_1024 = arith.mulf %gather3A_1016, %gather3A_1023 : vector<16xf32>
      %reduce_sum3A_1025 = arith.constant true
      %reduce_sum3A_1026 = vector.broadcast %reduce_sum3A_1025 : i1 to vector<16xi1>
      %reduce_sum3A_1027 = tpu.scan <sum>, %mul3A_1024 masked %reduce_sum3A_1026 : vector<16xf32>, vector<16xi1> -> vector<16xf32>
      %reduce_sum3A_1028 = vector.extract %reduce_sum3A_1027[15] : f32 from vector<16xf32>
      %eq3A_1029 = arith.constant 2 : i32
      %eq3A_1030 = vector.broadcast %eq3A_1029 : i32 to vector<16xi32>
      %eq3A_1031 = arith.cmpi eq, %iota3A, %eq3A_1030 : vector<16xi32>
      %broadcast_in_dim3A_1032 = vector.broadcast %reduce_sum3A_1028 : f32 to vector<16xf32>
      %select_n3A_1033 = arith.select %eq3A_1031, %broadcast_in_dim3A_1032, %select_n3A_989 : vector<16xi1>, vector<16xf32>
      %slice3A_1034 = vector.extract_strided_slice %get3A_904 {offsets = [3], sizes = [1], strides = [1]} : vector<16xi32> to vector<1xi32>
      %squeeze3A_1035 = vector.extract %slice3A_1034[0] : i32 from vector<1xi32>
      %slice3A_1036 = vector.extract_strided_slice %get3A_904 {offsets = [3], sizes = [1], strides = [1]} : vector<16xi32> to vector<1xi32>
      %squeeze3A_1037 = vector.extract %slice3A_1036[0] : i32 from vector<1xi32>
      %shift_right_arithmetic3A_1038 = arith.constant 7 : i32
      %shift_right_arithmetic3A_1039 = arith.shrsi %squeeze3A_1037, %shift_right_arithmetic3A_1038 : i32
      %shift_left3A_1040 = arith.constant 7 : i32
      %shift_left3A_1041 = arith.shli %shift_right_arithmetic3A_1039, %shift_left3A_1040 : i32
      %multiple_of3A_1042 = tpu.assume_multiple %shift_left3A_1041, 128 : i32
      %sub3A_1043 = arith.subi %squeeze3A_1035, %multiple_of3A_1042 : i32
      %slice3A_1044 = vector.extract_strided_slice %get3A_906 {offsets = [3], sizes = [1], strides = [1]} : vector<16xi32> to vector<1xi32>
      %squeeze3A_1045 = vector.extract %slice3A_1044[0] : i32 from vector<1xi32>
      %slice3A_1046 = vector.extract_strided_slice %get3A_906 {offsets = [3], sizes = [1], strides = [1]} : vector<16xi32> to vector<1xi32>
      %squeeze3A_1047 = vector.extract %slice3A_1046[0] : i32 from vector<1xi32>
      %shift_right_arithmetic3A_1048 = arith.constant 7 : i32
      %shift_right_arithmetic3A_1049 = arith.shrsi %squeeze3A_1047, %shift_right_arithmetic3A_1048 : i32
      %shift_left3A_1050 = arith.constant 7 : i32
      %shift_left3A_1051 = arith.shli %shift_right_arithmetic3A_1049, %shift_left3A_1050 : i32
      %multiple_of3A_1052 = tpu.assume_multiple %shift_left3A_1051, 128 : i32
      %sub3A_1053 = arith.subi %squeeze3A_1045, %multiple_of3A_1052 : i32
      %broadcast_in_dim3A_1054 = vector.broadcast %sub3A_1043 : i32 to vector<16xi32>
      %gather3A_1055 = arith.constant 3 : i32
      %gather3A_1056 = arith.constant 0 : i32
      %gather3A_1057 = arith.constant 0 : i32
      %gather3A_1058 = tpu.memref_slice %arg10[%gather3A_1055, %gather3A_1056, %gather3A_1057] : memref<16x16x128xf32, #tpu.memory_space<vmem>> -> memref<1x16x128xf32, #tpu.memory_space<vmem>>
      %gather3A_1059 = tpu.memref_squeeze %gather3A_1058 : memref<1x16x128xf32, #tpu.memory_space<vmem>> -> memref<16x128xf32, #tpu.memory_space<vmem>>
      %gather3A_1060 = tpu.vector_load_idx %gather3A_1059[%iota3A, %broadcast_in_dim3A_1054] : memref<16x128xf32, #tpu.memory_space<vmem>>[vector<16xi32>, vector<16xi32>], vector<16xf32>,
      %broadcast_in_dim3A_1061 = vector.broadcast %sub3A_1053 : i32 to vector<16xi32>
      %gather3A_1062 = arith.constant 3 : i32
      %gather3A_1063 = arith.constant 0 : i32
      %gather3A_1064 = arith.constant 0 : i32
      %gather3A_1065 = tpu.memref_slice %arg11[%gather3A_1062, %gather3A_1063, %gather3A_1064] : memref<16x16x128xf32, #tpu.memory_space<vmem>> -> memref<1x16x128xf32, #tpu.memory_space<vmem>>
      %gather3A_1066 = tpu.memref_squeeze %gather3A_1065 : memref<1x16x128xf32, #tpu.memory_space<vmem>> -> memref<16x128xf32, #tpu.memory_space<vmem>>
      %gather3A_1067 = tpu.vector_load_idx %gather3A_1066[%iota3A, %broadcast_in_dim3A_1061] : memref<16x128xf32, #tpu.memory_space<vmem>>[vector<16xi32>, vector<16xi32>], vector<16xf32>,
      %mul3A_1068 = arith.mulf %gather3A_1060, %gather3A_1067 : vector<16xf32>
      %reduce_sum3A_1069 = arith.constant true
      %reduce_sum3A_1070 = vector.broadcast %reduce_sum3A_1069 : i1 to vector<16xi1>
      %reduce_sum3A_1071 = tpu.scan <sum>, %mul3A_1068 masked %reduce_sum3A_1070 : vector<16xf32>, vector<16xi1> -> vector<16xf32>
      %reduce_sum3A_1072 = vector.extract %reduce_sum3A_1071[15] : f32 from vector<16xf32>
      %eq3A_1073 = arith.constant 3 : i32
      %eq3A_1074 = vector.broadcast %eq3A_1073 : i32 to vector<16xi32>
      %eq3A_1075 = arith.cmpi eq, %iota3A, %eq3A_1074 : vector<16xi32>
      %broadcast_in_dim3A_1076 = vector.broadcast %reduce_sum3A_1072 : f32 to vector<16xf32>
      %select_n3A_1077 = arith.select %eq3A_1075, %broadcast_in_dim3A_1076, %select_n3A_1033 : vector<16xi1>, vector<16xf32>
      %slice3A_1078 = vector.extract_strided_slice %get3A_904 {offsets = [4], sizes = [1], strides = [1]} : vector<16xi32> to vector<1xi32>
      %squeeze3A_1079 = vector.extract %slice3A_1078[0] : i32 from vector<1xi32>
      %slice3A_1080 = vector.extract_strided_slice %get3A_904 {offsets = [4], sizes = [1], strides = [1]} : vector<16xi32> to vector<1xi32>
      %squeeze3A_1081 = vector.extract %slice3A_1080[0] : i32 from vector<1xi32>
      %shift_right_arithmetic3A_1082 = arith.constant 7 : i32
      %shift_right_arithmetic3A_1083 = arith.shrsi %squeeze3A_1081, %shift_right_arithmetic3A_1082 : i32
      %shift_left3A_1084 = arith.constant 7 : i32
      %shift_left3A_1085 = arith.shli %shift_right_arithmetic3A_1083, %shift_left3A_1084 : i32
      %multiple_of3A_1086 = tpu.assume_multiple %shift_left3A_1085, 128 : i32
      %sub3A_1087 = arith.subi %squeeze3A_1079, %multiple_of3A_1086 : i32
      %slice3A_1088 = vector.extract_strided_slice %get3A_906 {offsets = [4], sizes = [1], strides = [1]} : vector<16xi32> to vector<1xi32>
      %squeeze3A_1089 = vector.extract %slice3A_1088[0] : i32 from vector<1xi32>
      %slice3A_1090 = vector.extract_strided_slice %get3A_906 {offsets = [4], sizes = [1], strides = [1]} : vector<16xi32> to vector<1xi32>
      %squeeze3A_1091 = vector.extract %slice3A_1090[0] : i32 from vector<1xi32>
      %shift_right_arithmetic3A_1092 = arith.constant 7 : i32
      %shift_right_arithmetic3A_1093 = arith.shrsi %squeeze3A_1091, %shift_right_arithmetic3A_1092 : i32
      %shift_left3A_1094 = arith.constant 7 : i32
      %shift_left3A_1095 = arith.shli %shift_right_arithmetic3A_1093, %shift_left3A_1094 : i32
      %multiple_of3A_1096 = tpu.assume_multiple %shift_left3A_1095, 128 : i32
      %sub3A_1097 = arith.subi %squeeze3A_1089, %multiple_of3A_1096 : i32
      %broadcast_in_dim3A_1098 = vector.broadcast %sub3A_1087 : i32 to vector<16xi32>
      %gather3A_1099 = arith.constant 4 : i32
      %gather3A_1100 = arith.constant 0 : i32
      %gather3A_1101 = arith.constant 0 : i32
      %gather3A_1102 = tpu.memref_slice %arg10[%gather3A_1099, %gather3A_1100, %gather3A_1101] : memref<16x16x128xf32, #tpu.memory_space<vmem>> -> memref<1x16x128xf32, #tpu.memory_space<vmem>>
      %gather3A_1103 = tpu.memref_squeeze %gather3A_1102 : memref<1x16x128xf32, #tpu.memory_space<vmem>> -> memref<16x128xf32, #tpu.memory_space<vmem>>
      %gather3A_1104 = tpu.vector_load_idx %gather3A_1103[%iota3A, %broadcast_in_dim3A_1098] : memref<16x128xf32, #tpu.memory_space<vmem>>[vector<16xi32>, vector<16xi32>], vector<16xf32>,
      %broadcast_in_dim3A_1105 = vector.broadcast %sub3A_1097 : i32 to vector<16xi32>
      %gather3A_1106 = arith.constant 4 : i32
      %gather3A_1107 = arith.constant 0 : i32
      %gather3A_1108 = arith.constant 0 : i32
      %gather3A_1109 = tpu.memref_slice %arg11[%gather3A_1106, %gather3A_1107, %gather3A_1108] : memref<16x16x128xf32, #tpu.memory_space<vmem>> -> memref<1x16x128xf32, #tpu.memory_space<vmem>>
      %gather3A_1110 = tpu.memref_squeeze %gather3A_1109 : memref<1x16x128xf32, #tpu.memory_space<vmem>> -> memref<16x128xf32, #tpu.memory_space<vmem>>
      %gather3A_1111 = tpu.vector_load_idx %gather3A_1110[%iota3A, %broadcast_in_dim3A_1105] : memref<16x128xf32, #tpu.memory_space<vmem>>[vector<16xi32>, vector<16xi32>], vector<16xf32>,
      %mul3A_1112 = arith.mulf %gather3A_1104, %gather3A_1111 : vector<16xf32>
      %reduce_sum3A_1113 = arith.constant true
      %reduce_sum3A_1114 = vector.broadcast %reduce_sum3A_1113 : i1 to vector<16xi1>
      %reduce_sum3A_1115 = tpu.scan <sum>, %mul3A_1112 masked %reduce_sum3A_1114 : vector<16xf32>, vector<16xi1> -> vector<16xf32>
      %reduce_sum3A_1116 = vector.extract %reduce_sum3A_1115[15] : f32 from vector<16xf32>
      %eq3A_1117 = arith.constant 4 : i32
      %eq3A_1118 = vector.broadcast %eq3A_1117 : i32 to vector<16xi32>
      %eq3A_1119 = arith.cmpi eq, %iota3A, %eq3A_1118 : vector<16xi32>
      %broadcast_in_dim3A_1120 = vector.broadcast %reduce_sum3A_1116 : f32 to vector<16xf32>
      %select_n3A_1121 = arith.select %eq3A_1119, %broadcast_in_dim3A_1120, %select_n3A_1077 : vector<16xi1>, vector<16xf32>
      %slice3A_1122 = vector.extract_strided_slice %get3A_904 {offsets = [5], sizes = [1], strides = [1]} : vector<16xi32> to vector<1xi32>
      %squeeze3A_1123 = vector.extract %slice3A_1122[0] : i32 from vector<1xi32>
      %slice3A_1124 = vector.extract_strided_slice %get3A_904 {offsets = [5], sizes = [1], strides = [1]} : vector<16xi32> to vector<1xi32>
      %squeeze3A_1125 = vector.extract %slice3A_1124[0] : i32 from vector<1xi32>
      %shift_right_arithmetic3A_1126 = arith.constant 7 : i32
      %shift_right_arithmetic3A_1127 = arith.shrsi %squeeze3A_1125, %shift_right_arithmetic3A_1126 : i32
      %shift_left3A_1128 = arith.constant 7 : i32
      %shift_left3A_1129 = arith.shli %shift_right_arithmetic3A_1127, %shift_left3A_1128 : i32
      %multiple_of3A_1130 = tpu.assume_multiple %shift_left3A_1129, 128 : i32
      %sub3A_1131 = arith.subi %squeeze3A_1123, %multiple_of3A_1130 : i32
      %slice3A_1132 = vector.extract_strided_slice %get3A_906 {offsets = [5], sizes = [1], strides = [1]} : vector<16xi32> to vector<1xi32>
      %squeeze3A_1133 = vector.extract %slice3A_1132[0] : i32 from vector<1xi32>
      %slice3A_1134 = vector.extract_strided_slice %get3A_906 {offsets = [5], sizes = [1], strides = [1]} : vector<16xi32> to vector<1xi32>
      %squeeze3A_1135 = vector.extract %slice3A_1134[0] : i32 from vector<1xi32>
      %shift_right_arithmetic3A_1136 = arith.constant 7 : i32
      %shift_right_arithmetic3A_1137 = arith.shrsi %squeeze3A_1135, %shift_right_arithmetic3A_1136 : i32
      %shift_left3A_1138 = arith.constant 7 : i32
      %shift_left3A_1139 = arith.shli %shift_right_arithmetic3A_1137, %shift_left3A_1138 : i32
      %multiple_of3A_1140 = tpu.assume_multiple %shift_left3A_1139, 128 : i32
      %sub3A_1141 = arith.subi %squeeze3A_1133, %multiple_of3A_1140 : i32
      %broadcast_in_dim3A_1142 = vector.broadcast %sub3A_1131 : i32 to vector<16xi32>
      %gather3A_1143 = arith.constant 5 : i32
      %gather3A_1144 = arith.constant 0 : i32
      %gather3A_1145 = arith.constant 0 : i32
      %gather3A_1146 = tpu.memref_slice %arg10[%gather3A_1143, %gather3A_1144, %gather3A_1145] : memref<16x16x128xf32, #tpu.memory_space<vmem>> -> memref<1x16x128xf32, #tpu.memory_space<vmem>>
      %gather3A_1147 = tpu.memref_squeeze %gather3A_1146 : memref<1x16x128xf32, #tpu.memory_space<vmem>> -> memref<16x128xf32, #tpu.memory_space<vmem>>
      %gather3A_1148 = tpu.vector_load_idx %gather3A_1147[%iota3A, %broadcast_in_dim3A_1142] : memref<16x128xf32, #tpu.memory_space<vmem>>[vector<16xi32>, vector<16xi32>], vector<16xf32>,
      %broadcast_in_dim3A_1149 = vector.broadcast %sub3A_1141 : i32 to vector<16xi32>
      %gather3A_1150 = arith.constant 5 : i32
      %gather3A_1151 = arith.constant 0 : i32
      %gather3A_1152 = arith.constant 0 : i32
      %gather3A_1153 = tpu.memref_slice %arg11[%gather3A_1150, %gather3A_1151, %gather3A_1152] : memref<16x16x128xf32, #tpu.memory_space<vmem>> -> memref<1x16x128xf32, #tpu.memory_space<vmem>>
      %gather3A_1154 = tpu.memref_squeeze %gather3A_1153 : memref<1x16x128xf32, #tpu.memory_space<vmem>> -> memref<16x128xf32, #tpu.memory_space<vmem>>
      %gather3A_1155 = tpu.vector_load_idx %gather3A_1154[%iota3A, %broadcast_in_dim3A_1149] : memref<16x128xf32, #tpu.memory_space<vmem>>[vector<16xi32>, vector<16xi32>], vector<16xf32>,
      %mul3A_1156 = arith.mulf %gather3A_1148, %gather3A_1155 : vector<16xf32>
      %reduce_sum3A_1157 = arith.constant true
      %reduce_sum3A_1158 = vector.broadcast %reduce_sum3A_1157 : i1 to vector<16xi1>
      %reduce_sum3A_1159 = tpu.scan <sum>, %mul3A_1156 masked %reduce_sum3A_1158 : vector<16xf32>, vector<16xi1> -> vector<16xf32>
      %reduce_sum3A_1160 = vector.extract %reduce_sum3A_1159[15] : f32 from vector<16xf32>
      %eq3A_1161 = arith.constant 5 : i32
      %eq3A_1162 = vector.broadcast %eq3A_1161 : i32 to vector<16xi32>
      %eq3A_1163 = arith.cmpi eq, %iota3A, %eq3A_1162 : vector<16xi32>
      %broadcast_in_dim3A_1164 = vector.broadcast %reduce_sum3A_1160 : f32 to vector<16xf32>
      %select_n3A_1165 = arith.select %eq3A_1163, %broadcast_in_dim3A_1164, %select_n3A_1121 : vector<16xi1>, vector<16xf32>
      %slice3A_1166 = vector.extract_strided_slice %get3A_904 {offsets = [6], sizes = [1], strides = [1]} : vector<16xi32> to vector<1xi32>
      %squeeze3A_1167 = vector.extract %slice3A_1166[0] : i32 from vector<1xi32>
      %slice3A_1168 = vector.extract_strided_slice %get3A_904 {offsets = [6], sizes = [1], strides = [1]} : vector<16xi32> to vector<1xi32>
      %squeeze3A_1169 = vector.extract %slice3A_1168[0] : i32 from vector<1xi32>
      %shift_right_arithmetic3A_1170 = arith.constant 7 : i32
      %shift_right_arithmetic3A_1171 = arith.shrsi %squeeze3A_1169, %shift_right_arithmetic3A_1170 : i32
      %shift_left3A_1172 = arith.constant 7 : i32
      %shift_left3A_1173 = arith.shli %shift_right_arithmetic3A_1171, %shift_left3A_1172 : i32
      %multiple_of3A_1174 = tpu.assume_multiple %shift_left3A_1173, 128 : i32
      %sub3A_1175 = arith.subi %squeeze3A_1167, %multiple_of3A_1174 : i32
      %slice3A_1176 = vector.extract_strided_slice %get3A_906 {offsets = [6], sizes = [1], strides = [1]} : vector<16xi32> to vector<1xi32>
      %squeeze3A_1177 = vector.extract %slice3A_1176[0] : i32 from vector<1xi32>
      %slice3A_1178 = vector.extract_strided_slice %get3A_906 {offsets = [6], sizes = [1], strides = [1]} : vector<16xi32> to vector<1xi32>
      %squeeze3A_1179 = vector.extract %slice3A_1178[0] : i32 from vector<1xi32>
      %shift_right_arithmetic3A_1180 = arith.constant 7 : i32
      %shift_right_arithmetic3A_1181 = arith.shrsi %squeeze3A_1179, %shift_right_arithmetic3A_1180 : i32
      %shift_left3A_1182 = arith.constant 7 : i32
      %shift_left3A_1183 = arith.shli %shift_right_arithmetic3A_1181, %shift_left3A_1182 : i32
      %multiple_of3A_1184 = tpu.assume_multiple %shift_left3A_1183, 128 : i32
      %sub3A_1185 = arith.subi %squeeze3A_1177, %multiple_of3A_1184 : i32
      %broadcast_in_dim3A_1186 = vector.broadcast %sub3A_1175 : i32 to vector<16xi32>
      %gather3A_1187 = arith.constant 6 : i32
      %gather3A_1188 = arith.constant 0 : i32
      %gather3A_1189 = arith.constant 0 : i32
      %gather3A_1190 = tpu.memref_slice %arg10[%gather3A_1187, %gather3A_1188, %gather3A_1189] : memref<16x16x128xf32, #tpu.memory_space<vmem>> -> memref<1x16x128xf32, #tpu.memory_space<vmem>>
      %gather3A_1191 = tpu.memref_squeeze %gather3A_1190 : memref<1x16x128xf32, #tpu.memory_space<vmem>> -> memref<16x128xf32, #tpu.memory_space<vmem>>
      %gather3A_1192 = tpu.vector_load_idx %gather3A_1191[%iota3A, %broadcast_in_dim3A_1186] : memref<16x128xf32, #tpu.memory_space<vmem>>[vector<16xi32>, vector<16xi32>], vector<16xf32>,
      %broadcast_in_dim3A_1193 = vector.broadcast %sub3A_1185 : i32 to vector<16xi32>
      %gather3A_1194 = arith.constant 6 : i32
      %gather3A_1195 = arith.constant 0 : i32
      %gather3A_1196 = arith.constant 0 : i32
      %gather3A_1197 = tpu.memref_slice %arg11[%gather3A_1194, %gather3A_1195, %gather3A_1196] : memref<16x16x128xf32, #tpu.memory_space<vmem>> -> memref<1x16x128xf32, #tpu.memory_space<vmem>>
      %gather3A_1198 = tpu.memref_squeeze %gather3A_1197 : memref<1x16x128xf32, #tpu.memory_space<vmem>> -> memref<16x128xf32, #tpu.memory_space<vmem>>
      %gather3A_1199 = tpu.vector_load_idx %gather3A_1198[%iota3A, %broadcast_in_dim3A_1193] : memref<16x128xf32, #tpu.memory_space<vmem>>[vector<16xi32>, vector<16xi32>], vector<16xf32>,
      %mul3A_1200 = arith.mulf %gather3A_1192, %gather3A_1199 : vector<16xf32>
      %reduce_sum3A_1201 = arith.constant true
      %reduce_sum3A_1202 = vector.broadcast %reduce_sum3A_1201 : i1 to vector<16xi1>
      %reduce_sum3A_1203 = tpu.scan <sum>, %mul3A_1200 masked %reduce_sum3A_1202 : vector<16xf32>, vector<16xi1> -> vector<16xf32>
      %reduce_sum3A_1204 = vector.extract %reduce_sum3A_1203[15] : f32 from vector<16xf32>
      %eq3A_1205 = arith.constant 6 : i32
      %eq3A_1206 = vector.broadcast %eq3A_1205 : i32 to vector<16xi32>
      %eq3A_1207 = arith.cmpi eq, %iota3A, %eq3A_1206 : vector<16xi32>
      %broadcast_in_dim3A_1208 = vector.broadcast %reduce_sum3A_1204 : f32 to vector<16xf32>
      %select_n3A_1209 = arith.select %eq3A_1207, %broadcast_in_dim3A_1208, %select_n3A_1165 : vector<16xi1>, vector<16xf32>
      %slice3A_1210 = vector.extract_strided_slice %get3A_904 {offsets = [7], sizes = [1], strides = [1]} : vector<16xi32> to vector<1xi32>
      %squeeze3A_1211 = vector.extract %slice3A_1210[0] : i32 from vector<1xi32>
      %slice3A_1212 = vector.extract_strided_slice %get3A_904 {offsets = [7], sizes = [1], strides = [1]} : vector<16xi32> to vector<1xi32>
      %squeeze3A_1213 = vector.extract %slice3A_1212[0] : i32 from vector<1xi32>
      %shift_right_arithmetic3A_1214 = arith.constant 7 : i32
      %shift_right_arithmetic3A_1215 = arith.shrsi %squeeze3A_1213, %shift_right_arithmetic3A_1214 : i32
      %shift_left3A_1216 = arith.constant 7 : i32
      %shift_left3A_1217 = arith.shli %shift_right_arithmetic3A_1215, %shift_left3A_1216 : i32
      %multiple_of3A_1218 = tpu.assume_multiple %shift_left3A_1217, 128 : i32
      %sub3A_1219 = arith.subi %squeeze3A_1211, %multiple_of3A_1218 : i32
      %slice3A_1220 = vector.extract_strided_slice %get3A_906 {offsets = [7], sizes = [1], strides = [1]} : vector<16xi32> to vector<1xi32>
      %squeeze3A_1221 = vector.extract %slice3A_1220[0] : i32 from vector<1xi32>
      %slice3A_1222 = vector.extract_strided_slice %get3A_906 {offsets = [7], sizes = [1], strides = [1]} : vector<16xi32> to vector<1xi32>
      %squeeze3A_1223 = vector.extract %slice3A_1222[0] : i32 from vector<1xi32>
      %shift_right_arithmetic3A_1224 = arith.constant 7 : i32
      %shift_right_arithmetic3A_1225 = arith.shrsi %squeeze3A_1223, %shift_right_arithmetic3A_1224 : i32
      %shift_left3A_1226 = arith.constant 7 : i32
      %shift_left3A_1227 = arith.shli %shift_right_arithmetic3A_1225, %shift_left3A_1226 : i32
      %multiple_of3A_1228 = tpu.assume_multiple %shift_left3A_1227, 128 : i32
      %sub3A_1229 = arith.subi %squeeze3A_1221, %multiple_of3A_1228 : i32
      %broadcast_in_dim3A_1230 = vector.broadcast %sub3A_1219 : i32 to vector<16xi32>
      %gather3A_1231 = arith.constant 7 : i32
      %gather3A_1232 = arith.constant 0 : i32
      %gather3A_1233 = arith.constant 0 : i32
      %gather3A_1234 = tpu.memref_slice %arg10[%gather3A_1231, %gather3A_1232, %gather3A_1233] : memref<16x16x128xf32, #tpu.memory_space<vmem>> -> memref<1x16x128xf32, #tpu.memory_space<vmem>>
      %gather3A_1235 = tpu.memref_squeeze %gather3A_1234 : memref<1x16x128xf32, #tpu.memory_space<vmem>> -> memref<16x128xf32, #tpu.memory_space<vmem>>
      %gather3A_1236 = tpu.vector_load_idx %gather3A_1235[%iota3A, %broadcast_in_dim3A_1230] : memref<16x128xf32, #tpu.memory_space<vmem>>[vector<16xi32>, vector<16xi32>], vector<16xf32>,
      %broadcast_in_dim3A_1237 = vector.broadcast %sub3A_1229 : i32 to vector<16xi32>
      %gather3A_1238 = arith.constant 7 : i32
      %gather3A_1239 = arith.constant 0 : i32
      %gather3A_1240 = arith.constant 0 : i32
      %gather3A_1241 = tpu.memref_slice %arg11[%gather3A_1238, %gather3A_1239, %gather3A_1240] : memref<16x16x128xf32, #tpu.memory_space<vmem>> -> memref<1x16x128xf32, #tpu.memory_space<vmem>>
      %gather3A_1242 = tpu.memref_squeeze %gather3A_1241 : memref<1x16x128xf32, #tpu.memory_space<vmem>> -> memref<16x128xf32, #tpu.memory_space<vmem>>
      %gather3A_1243 = tpu.vector_load_idx %gather3A_1242[%iota3A, %broadcast_in_dim3A_1237] : memref<16x128xf32, #tpu.memory_space<vmem>>[vector<16xi32>, vector<16xi32>], vector<16xf32>,
      %mul3A_1244 = arith.mulf %gather3A_1236, %gather3A_1243 : vector<16xf32>
      %reduce_sum3A_1245 = arith.constant true
      %reduce_sum3A_1246 = vector.broadcast %reduce_sum3A_1245 : i1 to vector<16xi1>
      %reduce_sum3A_1247 = tpu.scan <sum>, %mul3A_1244 masked %reduce_sum3A_1246 : vector<16xf32>, vector<16xi1> -> vector<16xf32>
      %reduce_sum3A_1248 = vector.extract %reduce_sum3A_1247[15] : f32 from vector<16xf32>
      %eq3A_1249 = arith.constant 7 : i32
      %eq3A_1250 = vector.broadcast %eq3A_1249 : i32 to vector<16xi32>
      %eq3A_1251 = arith.cmpi eq, %iota3A, %eq3A_1250 : vector<16xi32>
      %broadcast_in_dim3A_1252 = vector.broadcast %reduce_sum3A_1248 : f32 to vector<16xf32>
      %select_n3A_1253 = arith.select %eq3A_1251, %broadcast_in_dim3A_1252, %select_n3A_1209 : vector<16xi1>, vector<16xf32>
      %add3A_1254 = arith.constant 1 : i32
      %add3A_1255 = arith.addi %scan3A_335, %add3A_1254 : i32
      %lt3A = arith.constant 32 : i32
      %lt3A_1256 = arith.cmpi slt, %add3A_1255, %lt3A : i32
      %convert_element_type3A = arith.extui %lt3A_1256 : i1 to i32
      %cond3A = arith.constant 0 : i32
      %cond3A_1257 = arith.cmpi ne, %convert_element_type3A, %cond3A : i32
      scf.if %cond3A_1257 {
        %add3A_1827 = arith.constant 16 : i32
        %add3A_1828 = arith.addi %mul3A_338, %add3A_1827 : i32
        %get3A_1829 = arith.index_cast %add3A_1828 : i32 to index
        %get3A_1830 = tpu.vector_load %arg7[%get3A_1829] {strides = array<i32>} : memref<512xi32, #tpu.memory_space<vmem>>, vector<16xi32>,
        %get3A_1831 = arith.index_cast %add3A_1828 : i32 to index
        %get3A_1832 = tpu.vector_load %arg8[%get3A_1831] {strides = array<i32>} : memref<512xi32, #tpu.memory_space<vmem>>, vector<16xi32>,
        %slice3A_1833 = vector.extract_strided_slice %get3A_1830 {offsets = [0], sizes = [1], strides = [1]} : vector<16xi32> to vector<1xi32>
        %squeeze3A_1834 = vector.extract %slice3A_1833[0] : i32 from vector<1xi32>
        %shift_right_arithmetic3A_1835 = arith.constant 7 : i32
        %shift_right_arithmetic3A_1836 = arith.shrsi %squeeze3A_1834, %shift_right_arithmetic3A_1835 : i32
        %shift_left3A_1837 = arith.constant 7 : i32
        %shift_left3A_1838 = arith.shli %shift_right_arithmetic3A_1836, %shift_left3A_1837 : i32
        %multiple_of3A_1839 = tpu.assume_multiple %shift_left3A_1838, 128 : i32
        %slice3A_1840 = vector.extract_strided_slice %get3A_1832 {offsets = [0], sizes = [1], strides = [1]} : vector<16xi32> to vector<1xi32>
        %squeeze3A_1841 = vector.extract %slice3A_1840[0] : i32 from vector<1xi32>
        %shift_right_arithmetic3A_1842 = arith.constant 7 : i32
        %shift_right_arithmetic3A_1843 = arith.shrsi %squeeze3A_1841, %shift_right_arithmetic3A_1842 : i32
        %shift_left3A_1844 = arith.constant 7 : i32
        %shift_left3A_1845 = arith.shli %shift_right_arithmetic3A_1843, %shift_left3A_1844 : i32
        %multiple_of3A_1846 = tpu.assume_multiple %shift_left3A_1845, 128 : i32
        %dma_start3A_1847 = arith.constant 0 : i32
        %dma_start3A_1848 = arith.constant 0 : i32
        %dma_start3A_1849 = arith.constant 0 : i32
        %dma_start3A_1850 = tpu.memref_slice %arg10[%dma_start3A_1847, %dma_start3A_1848, %dma_start3A_1849] : memref<16x16x128xf32, #tpu.memory_space<vmem>> -> memref<1x16x128xf32, #tpu.memory_space<vmem>>
        %dma_start3A_1851 = tpu.memref_squeeze %dma_start3A_1850 : memref<1x16x128xf32, #tpu.memory_space<vmem>> -> memref<16x128xf32, #tpu.memory_space<vmem>>
        %dma_start3A_1852 = arith.constant 0 : i32
        %dma_start3A_1853 = tpu.memref_slice %arg3[%dma_start3A_1852, %multiple_of3A_1839] : memref<16x1000000xf32, #tpu.memory_space<hbm>> -> memref<16x128xf32, #tpu.memory_space<hbm>>
        %dma_start3A_1854 = arith.constant 0 : i32
        %dma_start3A_1855 = arith.constant 0 : i32
        %dma_start3A_1856 = tpu.memref_slice %arg10[%dma_start3A_1847, %dma_start3A_1854, %dma_start3A_1855] : memref<16x16x128xf32, #tpu.memory_space<vmem>> -> memref<1x16x128xf32, #tpu.memory_space<vmem>>
        %dma_start3A_1857 = tpu.memref_squeeze %dma_start3A_1856 : memref<1x16x128xf32, #tpu.memory_space<vmem>> -> memref<16x128xf32, #tpu.memory_space<vmem>>
        %dma_start3A_1858 = arith.constant 0 : i32
        %dma_start3A_1859 = tpu.memref_slice %arg3[%dma_start3A_1858, %multiple_of3A_1839] : memref<16x1000000xf32, #tpu.memory_space<hbm>> -> memref<16x128xf32, #tpu.memory_space<hbm>>
        tpu.enqueue_dma source(%dma_start3A_1859 : memref<16x128xf32, #tpu.memory_space<hbm>>) target(%dma_start3A_1857 : memref<16x128xf32, #tpu.memory_space<vmem>>) target_semaphore(%arg12 : memref<!tpu.dma_semaphore, #tpu.memory_space<semaphore_mem>>)
        %dma_start3A_1860 = arith.constant 0 : i32
        %dma_start3A_1861 = arith.constant 0 : i32
        %dma_start3A_1862 = arith.constant 0 : i32
        %dma_start3A_1863 = tpu.memref_slice %arg11[%dma_start3A_1860, %dma_start3A_1861, %dma_start3A_1862] : memref<16x16x128xf32, #tpu.memory_space<vmem>> -> memref<1x16x128xf32, #tpu.memory_space<vmem>>
        %dma_start3A_1864 = tpu.memref_squeeze %dma_start3A_1863 : memref<1x16x128xf32, #tpu.memory_space<vmem>> -> memref<16x128xf32, #tpu.memory_space<vmem>>
        %dma_start3A_1865 = arith.constant 0 : i32
        %dma_start3A_1866 = tpu.memref_slice %arg4[%dma_start3A_1865, %multiple_of3A_1846] : memref<16x1000000xf32, #tpu.memory_space<hbm>> -> memref<16x128xf32, #tpu.memory_space<hbm>>
        %dma_start3A_1867 = arith.constant 0 : i32
        %dma_start3A_1868 = arith.constant 0 : i32
        %dma_start3A_1869 = tpu.memref_slice %arg11[%dma_start3A_1860, %dma_start3A_1867, %dma_start3A_1868] : memref<16x16x128xf32, #tpu.memory_space<vmem>> -> memref<1x16x128xf32, #tpu.memory_space<vmem>>
        %dma_start3A_1870 = tpu.memref_squeeze %dma_start3A_1869 : memref<1x16x128xf32, #tpu.memory_space<vmem>> -> memref<16x128xf32, #tpu.memory_space<vmem>>
        %dma_start3A_1871 = arith.constant 0 : i32
        %dma_start3A_1872 = tpu.memref_slice %arg4[%dma_start3A_1871, %multiple_of3A_1846] : memref<16x1000000xf32, #tpu.memory_space<hbm>> -> memref<16x128xf32, #tpu.memory_space<hbm>>
        tpu.enqueue_dma source(%dma_start3A_1872 : memref<16x128xf32, #tpu.memory_space<hbm>>) target(%dma_start3A_1870 : memref<16x128xf32, #tpu.memory_space<vmem>>) target_semaphore(%arg13 : memref<!tpu.dma_semaphore, #tpu.memory_space<semaphore_mem>>)
        %slice3A_1873 = vector.extract_strided_slice %get3A_1830 {offsets = [1], sizes = [1], strides = [1]} : vector<16xi32> to vector<1xi32>
        %squeeze3A_1874 = vector.extract %slice3A_1873[0] : i32 from vector<1xi32>
        %shift_right_arithmetic3A_1875 = arith.constant 7 : i32
        %shift_right_arithmetic3A_1876 = arith.shrsi %squeeze3A_1874, %shift_right_arithmetic3A_1875 : i32
        %shift_left3A_1877 = arith.constant 7 : i32
        %shift_left3A_1878 = arith.shli %shift_right_arithmetic3A_1876, %shift_left3A_1877 : i32
        %multiple_of3A_1879 = tpu.assume_multiple %shift_left3A_1878, 128 : i32
        %slice3A_1880 = vector.extract_strided_slice %get3A_1832 {offsets = [1], sizes = [1], strides = [1]} : vector<16xi32> to vector<1xi32>
        %squeeze3A_1881 = vector.extract %slice3A_1880[0] : i32 from vector<1xi32>
        %shift_right_arithmetic3A_1882 = arith.constant 7 : i32
        %shift_right_arithmetic3A_1883 = arith.shrsi %squeeze3A_1881, %shift_right_arithmetic3A_1882 : i32
        %shift_left3A_1884 = arith.constant 7 : i32
        %shift_left3A_1885 = arith.shli %shift_right_arithmetic3A_1883, %shift_left3A_1884 : i32
        %multiple_of3A_1886 = tpu.assume_multiple %shift_left3A_1885, 128 : i32
        %dma_start3A_1887 = arith.constant 1 : i32
        %dma_start3A_1888 = arith.constant 0 : i32
        %dma_start3A_1889 = arith.constant 0 : i32
        %dma_start3A_1890 = tpu.memref_slice %arg10[%dma_start3A_1887, %dma_start3A_1888, %dma_start3A_1889] : memref<16x16x128xf32, #tpu.memory_space<vmem>> -> memref<1x16x128xf32, #tpu.memory_space<vmem>>
        %dma_start3A_1891 = tpu.memref_squeeze %dma_start3A_1890 : memref<1x16x128xf32, #tpu.memory_space<vmem>> -> memref<16x128xf32, #tpu.memory_space<vmem>>
        %dma_start3A_1892 = arith.constant 0 : i32
        %dma_start3A_1893 = tpu.memref_slice %arg3[%dma_start3A_1892, %multiple_of3A_1879] : memref<16x1000000xf32, #tpu.memory_space<hbm>> -> memref<16x128xf32, #tpu.memory_space<hbm>>
        %dma_start3A_1894 = arith.constant 0 : i32
        %dma_start3A_1895 = arith.constant 0 : i32
        %dma_start3A_1896 = tpu.memref_slice %arg10[%dma_start3A_1887, %dma_start3A_1894, %dma_start3A_1895] : memref<16x16x128xf32, #tpu.memory_space<vmem>> -> memref<1x16x128xf32, #tpu.memory_space<vmem>>
        %dma_start3A_1897 = tpu.memref_squeeze %dma_start3A_1896 : memref<1x16x128xf32, #tpu.memory_space<vmem>> -> memref<16x128xf32, #tpu.memory_space<vmem>>
        %dma_start3A_1898 = arith.constant 0 : i32
        %dma_start3A_1899 = tpu.memref_slice %arg3[%dma_start3A_1898, %multiple_of3A_1879] : memref<16x1000000xf32, #tpu.memory_space<hbm>> -> memref<16x128xf32, #tpu.memory_space<hbm>>
        tpu.enqueue_dma source(%dma_start3A_1899 : memref<16x128xf32, #tpu.memory_space<hbm>>) target(%dma_start3A_1897 : memref<16x128xf32, #tpu.memory_space<vmem>>) target_semaphore(%arg12 : memref<!tpu.dma_semaphore, #tpu.memory_space<semaphore_mem>>)
        %dma_start3A_1900 = arith.constant 1 : i32
        %dma_start3A_1901 = arith.constant 0 : i32
        %dma_start3A_1902 = arith.constant 0 : i32
        %dma_start3A_1903 = tpu.memref_slice %arg11[%dma_start3A_1900, %dma_start3A_1901, %dma_start3A_1902] : memref<16x16x128xf32, #tpu.memory_space<vmem>> -> memref<1x16x128xf32, #tpu.memory_space<vmem>>
        %dma_start3A_1904 = tpu.memref_squeeze %dma_start3A_1903 : memref<1x16x128xf32, #tpu.memory_space<vmem>> -> memref<16x128xf32, #tpu.memory_space<vmem>>
        %dma_start3A_1905 = arith.constant 0 : i32
        %dma_start3A_1906 = tpu.memref_slice %arg4[%dma_start3A_1905, %multiple_of3A_1886] : memref<16x1000000xf32, #tpu.memory_space<hbm>> -> memref<16x128xf32, #tpu.memory_space<hbm>>
        %dma_start3A_1907 = arith.constant 0 : i32
        %dma_start3A_1908 = arith.constant 0 : i32
        %dma_start3A_1909 = tpu.memref_slice %arg11[%dma_start3A_1900, %dma_start3A_1907, %dma_start3A_1908] : memref<16x16x128xf32, #tpu.memory_space<vmem>> -> memref<1x16x128xf32, #tpu.memory_space<vmem>>
        %dma_start3A_1910 = tpu.memref_squeeze %dma_start3A_1909 : memref<1x16x128xf32, #tpu.memory_space<vmem>> -> memref<16x128xf32, #tpu.memory_space<vmem>>
        %dma_start3A_1911 = arith.constant 0 : i32
        %dma_start3A_1912 = tpu.memref_slice %arg4[%dma_start3A_1911, %multiple_of3A_1886] : memref<16x1000000xf32, #tpu.memory_space<hbm>> -> memref<16x128xf32, #tpu.memory_space<hbm>>
        tpu.enqueue_dma source(%dma_start3A_1912 : memref<16x128xf32, #tpu.memory_space<hbm>>) target(%dma_start3A_1910 : memref<16x128xf32, #tpu.memory_space<vmem>>) target_semaphore(%arg13 : memref<!tpu.dma_semaphore, #tpu.memory_space<semaphore_mem>>)
        %slice3A_1913 = vector.extract_strided_slice %get3A_1830 {offsets = [2], sizes = [1], strides = [1]} : vector<16xi32> to vector<1xi32>
        %squeeze3A_1914 = vector.extract %slice3A_1913[0] : i32 from vector<1xi32>
        %shift_right_arithmetic3A_1915 = arith.constant 7 : i32
        %shift_right_arithmetic3A_1916 = arith.shrsi %squeeze3A_1914, %shift_right_arithmetic3A_1915 : i32
        %shift_left3A_1917 = arith.constant 7 : i32
        %shift_left3A_1918 = arith.shli %shift_right_arithmetic3A_1916, %shift_left3A_1917 : i32
        %multiple_of3A_1919 = tpu.assume_multiple %shift_left3A_1918, 128 : i32
        %slice3A_1920 = vector.extract_strided_slice %get3A_1832 {offsets = [2], sizes = [1], strides = [1]} : vector<16xi32> to vector<1xi32>
        %squeeze3A_1921 = vector.extract %slice3A_1920[0] : i32 from vector<1xi32>
        %shift_right_arithmetic3A_1922 = arith.constant 7 : i32
        %shift_right_arithmetic3A_1923 = arith.shrsi %squeeze3A_1921, %shift_right_arithmetic3A_1922 : i32
        %shift_left3A_1924 = arith.constant 7 : i32
        %shift_left3A_1925 = arith.shli %shift_right_arithmetic3A_1923, %shift_left3A_1924 : i32
        %multiple_of3A_1926 = tpu.assume_multiple %shift_left3A_1925, 128 : i32
        %dma_start3A_1927 = arith.constant 2 : i32
        %dma_start3A_1928 = arith.constant 0 : i32
        %dma_start3A_1929 = arith.constant 0 : i32
        %dma_start3A_1930 = tpu.memref_slice %arg10[%dma_start3A_1927, %dma_start3A_1928, %dma_start3A_1929] : memref<16x16x128xf32, #tpu.memory_space<vmem>> -> memref<1x16x128xf32, #tpu.memory_space<vmem>>
        %dma_start3A_1931 = tpu.memref_squeeze %dma_start3A_1930 : memref<1x16x128xf32, #tpu.memory_space<vmem>> -> memref<16x128xf32, #tpu.memory_space<vmem>>
        %dma_start3A_1932 = arith.constant 0 : i32
        %dma_start3A_1933 = tpu.memref_slice %arg3[%dma_start3A_1932, %multiple_of3A_1919] : memref<16x1000000xf32, #tpu.memory_space<hbm>> -> memref<16x128xf32, #tpu.memory_space<hbm>>
        %dma_start3A_1934 = arith.constant 0 : i32
        %dma_start3A_1935 = arith.constant 0 : i32
        %dma_start3A_1936 = tpu.memref_slice %arg10[%dma_start3A_1927, %dma_start3A_1934, %dma_start3A_1935] : memref<16x16x128xf32, #tpu.memory_space<vmem>> -> memref<1x16x128xf32, #tpu.memory_space<vmem>>
        %dma_start3A_1937 = tpu.memref_squeeze %dma_start3A_1936 : memref<1x16x128xf32, #tpu.memory_space<vmem>> -> memref<16x128xf32, #tpu.memory_space<vmem>>
        %dma_start3A_1938 = arith.constant 0 : i32
        %dma_start3A_1939 = tpu.memref_slice %arg3[%dma_start3A_1938, %multiple_of3A_1919] : memref<16x1000000xf32, #tpu.memory_space<hbm>> -> memref<16x128xf32, #tpu.memory_space<hbm>>
        tpu.enqueue_dma source(%dma_start3A_1939 : memref<16x128xf32, #tpu.memory_space<hbm>>) target(%dma_start3A_1937 : memref<16x128xf32, #tpu.memory_space<vmem>>) target_semaphore(%arg12 : memref<!tpu.dma_semaphore, #tpu.memory_space<semaphore_mem>>)
        %dma_start3A_1940 = arith.constant 2 : i32
        %dma_start3A_1941 = arith.constant 0 : i32
        %dma_start3A_1942 = arith.constant 0 : i32
        %dma_start3A_1943 = tpu.memref_slice %arg11[%dma_start3A_1940, %dma_start3A_1941, %dma_start3A_1942] : memref<16x16x128xf32, #tpu.memory_space<vmem>> -> memref<1x16x128xf32, #tpu.memory_space<vmem>>
        %dma_start3A_1944 = tpu.memref_squeeze %dma_start3A_1943 : memref<1x16x128xf32, #tpu.memory_space<vmem>> -> memref<16x128xf32, #tpu.memory_space<vmem>>
        %dma_start3A_1945 = arith.constant 0 : i32
        %dma_start3A_1946 = tpu.memref_slice %arg4[%dma_start3A_1945, %multiple_of3A_1926] : memref<16x1000000xf32, #tpu.memory_space<hbm>> -> memref<16x128xf32, #tpu.memory_space<hbm>>
        %dma_start3A_1947 = arith.constant 0 : i32
        %dma_start3A_1948 = arith.constant 0 : i32
        %dma_start3A_1949 = tpu.memref_slice %arg11[%dma_start3A_1940, %dma_start3A_1947, %dma_start3A_1948] : memref<16x16x128xf32, #tpu.memory_space<vmem>> -> memref<1x16x128xf32, #tpu.memory_space<vmem>>
        %dma_start3A_1950 = tpu.memref_squeeze %dma_start3A_1949 : memref<1x16x128xf32, #tpu.memory_space<vmem>> -> memref<16x128xf32, #tpu.memory_space<vmem>>
        %dma_start3A_1951 = arith.constant 0 : i32
        %dma_start3A_1952 = tpu.memref_slice %arg4[%dma_start3A_1951, %multiple_of3A_1926] : memref<16x1000000xf32, #tpu.memory_space<hbm>> -> memref<16x128xf32, #tpu.memory_space<hbm>>
        tpu.enqueue_dma source(%dma_start3A_1952 : memref<16x128xf32, #tpu.memory_space<hbm>>) target(%dma_start3A_1950 : memref<16x128xf32, #tpu.memory_space<vmem>>) target_semaphore(%arg13 : memref<!tpu.dma_semaphore, #tpu.memory_space<semaphore_mem>>)
        %slice3A_1953 = vector.extract_strided_slice %get3A_1830 {offsets = [3], sizes = [1], strides = [1]} : vector<16xi32> to vector<1xi32>
        %squeeze3A_1954 = vector.extract %slice3A_1953[0] : i32 from vector<1xi32>
        %shift_right_arithmetic3A_1955 = arith.constant 7 : i32
        %shift_right_arithmetic3A_1956 = arith.shrsi %squeeze3A_1954, %shift_right_arithmetic3A_1955 : i32
        %shift_left3A_1957 = arith.constant 7 : i32
        %shift_left3A_1958 = arith.shli %shift_right_arithmetic3A_1956, %shift_left3A_1957 : i32
        %multiple_of3A_1959 = tpu.assume_multiple %shift_left3A_1958, 128 : i32
        %slice3A_1960 = vector.extract_strided_slice %get3A_1832 {offsets = [3], sizes = [1], strides = [1]} : vector<16xi32> to vector<1xi32>
        %squeeze3A_1961 = vector.extract %slice3A_1960[0] : i32 from vector<1xi32>
        %shift_right_arithmetic3A_1962 = arith.constant 7 : i32
        %shift_right_arithmetic3A_1963 = arith.shrsi %squeeze3A_1961, %shift_right_arithmetic3A_1962 : i32
        %shift_left3A_1964 = arith.constant 7 : i32
        %shift_left3A_1965 = arith.shli %shift_right_arithmetic3A_1963, %shift_left3A_1964 : i32
        %multiple_of3A_1966 = tpu.assume_multiple %shift_left3A_1965, 128 : i32
        %dma_start3A_1967 = arith.constant 3 : i32
        %dma_start3A_1968 = arith.constant 0 : i32
        %dma_start3A_1969 = arith.constant 0 : i32
        %dma_start3A_1970 = tpu.memref_slice %arg10[%dma_start3A_1967, %dma_start3A_1968, %dma_start3A_1969] : memref<16x16x128xf32, #tpu.memory_space<vmem>> -> memref<1x16x128xf32, #tpu.memory_space<vmem>>
        %dma_start3A_1971 = tpu.memref_squeeze %dma_start3A_1970 : memref<1x16x128xf32, #tpu.memory_space<vmem>> -> memref<16x128xf32, #tpu.memory_space<vmem>>
        %dma_start3A_1972 = arith.constant 0 : i32
        %dma_start3A_1973 = tpu.memref_slice %arg3[%dma_start3A_1972, %multiple_of3A_1959] : memref<16x1000000xf32, #tpu.memory_space<hbm>> -> memref<16x128xf32, #tpu.memory_space<hbm>>
        %dma_start3A_1974 = arith.constant 0 : i32
        %dma_start3A_1975 = arith.constant 0 : i32
        %dma_start3A_1976 = tpu.memref_slice %arg10[%dma_start3A_1967, %dma_start3A_1974, %dma_start3A_1975] : memref<16x16x128xf32, #tpu.memory_space<vmem>> -> memref<1x16x128xf32, #tpu.memory_space<vmem>>
        %dma_start3A_1977 = tpu.memref_squeeze %dma_start3A_1976 : memref<1x16x128xf32, #tpu.memory_space<vmem>> -> memref<16x128xf32, #tpu.memory_space<vmem>>
        %dma_start3A_1978 = arith.constant 0 : i32
        %dma_start3A_1979 = tpu.memref_slice %arg3[%dma_start3A_1978, %multiple_of3A_1959] : memref<16x1000000xf32, #tpu.memory_space<hbm>> -> memref<16x128xf32, #tpu.memory_space<hbm>>
        tpu.enqueue_dma source(%dma_start3A_1979 : memref<16x128xf32, #tpu.memory_space<hbm>>) target(%dma_start3A_1977 : memref<16x128xf32, #tpu.memory_space<vmem>>) target_semaphore(%arg12 : memref<!tpu.dma_semaphore, #tpu.memory_space<semaphore_mem>>)
        %dma_start3A_1980 = arith.constant 3 : i32
        %dma_start3A_1981 = arith.constant 0 : i32
        %dma_start3A_1982 = arith.constant 0 : i32
        %dma_start3A_1983 = tpu.memref_slice %arg11[%dma_start3A_1980, %dma_start3A_1981, %dma_start3A_1982] : memref<16x16x128xf32, #tpu.memory_space<vmem>> -> memref<1x16x128xf32, #tpu.memory_space<vmem>>
        %dma_start3A_1984 = tpu.memref_squeeze %dma_start3A_1983 : memref<1x16x128xf32, #tpu.memory_space<vmem>> -> memref<16x128xf32, #tpu.memory_space<vmem>>
        %dma_start3A_1985 = arith.constant 0 : i32
        %dma_start3A_1986 = tpu.memref_slice %arg4[%dma_start3A_1985, %multiple_of3A_1966] : memref<16x1000000xf32, #tpu.memory_space<hbm>> -> memref<16x128xf32, #tpu.memory_space<hbm>>
        %dma_start3A_1987 = arith.constant 0 : i32
        %dma_start3A_1988 = arith.constant 0 : i32
        %dma_start3A_1989 = tpu.memref_slice %arg11[%dma_start3A_1980, %dma_start3A_1987, %dma_start3A_1988] : memref<16x16x128xf32, #tpu.memory_space<vmem>> -> memref<1x16x128xf32, #tpu.memory_space<vmem>>
        %dma_start3A_1990 = tpu.memref_squeeze %dma_start3A_1989 : memref<1x16x128xf32, #tpu.memory_space<vmem>> -> memref<16x128xf32, #tpu.memory_space<vmem>>
        %dma_start3A_1991 = arith.constant 0 : i32
        %dma_start3A_1992 = tpu.memref_slice %arg4[%dma_start3A_1991, %multiple_of3A_1966] : memref<16x1000000xf32, #tpu.memory_space<hbm>> -> memref<16x128xf32, #tpu.memory_space<hbm>>
        tpu.enqueue_dma source(%dma_start3A_1992 : memref<16x128xf32, #tpu.memory_space<hbm>>) target(%dma_start3A_1990 : memref<16x128xf32, #tpu.memory_space<vmem>>) target_semaphore(%arg13 : memref<!tpu.dma_semaphore, #tpu.memory_space<semaphore_mem>>)
        %slice3A_1993 = vector.extract_strided_slice %get3A_1830 {offsets = [4], sizes = [1], strides = [1]} : vector<16xi32> to vector<1xi32>
        %squeeze3A_1994 = vector.extract %slice3A_1993[0] : i32 from vector<1xi32>
        %shift_right_arithmetic3A_1995 = arith.constant 7 : i32
        %shift_right_arithmetic3A_1996 = arith.shrsi %squeeze3A_1994, %shift_right_arithmetic3A_1995 : i32
        %shift_left3A_1997 = arith.constant 7 : i32
        %shift_left3A_1998 = arith.shli %shift_right_arithmetic3A_1996, %shift_left3A_1997 : i32
        %multiple_of3A_1999 = tpu.assume_multiple %shift_left3A_1998, 128 : i32
        %slice3A_2000 = vector.extract_strided_slice %get3A_1832 {offsets = [4], sizes = [1], strides = [1]} : vector<16xi32> to vector<1xi32>
        %squeeze3A_2001 = vector.extract %slice3A_2000[0] : i32 from vector<1xi32>
        %shift_right_arithmetic3A_2002 = arith.constant 7 : i32
        %shift_right_arithmetic3A_2003 = arith.shrsi %squeeze3A_2001, %shift_right_arithmetic3A_2002 : i32
        %shift_left3A_2004 = arith.constant 7 : i32
        %shift_left3A_2005 = arith.shli %shift_right_arithmetic3A_2003, %shift_left3A_2004 : i32
        %multiple_of3A_2006 = tpu.assume_multiple %shift_left3A_2005, 128 : i32
        %dma_start3A_2007 = arith.constant 4 : i32
        %dma_start3A_2008 = arith.constant 0 : i32
        %dma_start3A_2009 = arith.constant 0 : i32
        %dma_start3A_2010 = tpu.memref_slice %arg10[%dma_start3A_2007, %dma_start3A_2008, %dma_start3A_2009] : memref<16x16x128xf32, #tpu.memory_space<vmem>> -> memref<1x16x128xf32, #tpu.memory_space<vmem>>
        %dma_start3A_2011 = tpu.memref_squeeze %dma_start3A_2010 : memref<1x16x128xf32, #tpu.memory_space<vmem>> -> memref<16x128xf32, #tpu.memory_space<vmem>>
        %dma_start3A_2012 = arith.constant 0 : i32
        %dma_start3A_2013 = tpu.memref_slice %arg3[%dma_start3A_2012, %multiple_of3A_1999] : memref<16x1000000xf32, #tpu.memory_space<hbm>> -> memref<16x128xf32, #tpu.memory_space<hbm>>
        %dma_start3A_2014 = arith.constant 0 : i32
        %dma_start3A_2015 = arith.constant 0 : i32
        %dma_start3A_2016 = tpu.memref_slice %arg10[%dma_start3A_2007, %dma_start3A_2014, %dma_start3A_2015] : memref<16x16x128xf32, #tpu.memory_space<vmem>> -> memref<1x16x128xf32, #tpu.memory_space<vmem>>
        %dma_start3A_2017 = tpu.memref_squeeze %dma_start3A_2016 : memref<1x16x128xf32, #tpu.memory_space<vmem>> -> memref<16x128xf32, #tpu.memory_space<vmem>>
        %dma_start3A_2018 = arith.constant 0 : i32
        %dma_start3A_2019 = tpu.memref_slice %arg3[%dma_start3A_2018, %multiple_of3A_1999] : memref<16x1000000xf32, #tpu.memory_space<hbm>> -> memref<16x128xf32, #tpu.memory_space<hbm>>
        tpu.enqueue_dma source(%dma_start3A_2019 : memref<16x128xf32, #tpu.memory_space<hbm>>) target(%dma_start3A_2017 : memref<16x128xf32, #tpu.memory_space<vmem>>) target_semaphore(%arg12 : memref<!tpu.dma_semaphore, #tpu.memory_space<semaphore_mem>>)
        %dma_start3A_2020 = arith.constant 4 : i32
        %dma_start3A_2021 = arith.constant 0 : i32
        %dma_start3A_2022 = arith.constant 0 : i32
        %dma_start3A_2023 = tpu.memref_slice %arg11[%dma_start3A_2020, %dma_start3A_2021, %dma_start3A_2022] : memref<16x16x128xf32, #tpu.memory_space<vmem>> -> memref<1x16x128xf32, #tpu.memory_space<vmem>>
        %dma_start3A_2024 = tpu.memref_squeeze %dma_start3A_2023 : memref<1x16x128xf32, #tpu.memory_space<vmem>> -> memref<16x128xf32, #tpu.memory_space<vmem>>
        %dma_start3A_2025 = arith.constant 0 : i32
        %dma_start3A_2026 = tpu.memref_slice %arg4[%dma_start3A_2025, %multiple_of3A_2006] : memref<16x1000000xf32, #tpu.memory_space<hbm>> -> memref<16x128xf32, #tpu.memory_space<hbm>>
        %dma_start3A_2027 = arith.constant 0 : i32
        %dma_start3A_2028 = arith.constant 0 : i32
        %dma_start3A_2029 = tpu.memref_slice %arg11[%dma_start3A_2020, %dma_start3A_2027, %dma_start3A_2028] : memref<16x16x128xf32, #tpu.memory_space<vmem>> -> memref<1x16x128xf32, #tpu.memory_space<vmem>>
        %dma_start3A_2030 = tpu.memref_squeeze %dma_start3A_2029 : memref<1x16x128xf32, #tpu.memory_space<vmem>> -> memref<16x128xf32, #tpu.memory_space<vmem>>
        %dma_start3A_2031 = arith.constant 0 : i32
        %dma_start3A_2032 = tpu.memref_slice %arg4[%dma_start3A_2031, %multiple_of3A_2006] : memref<16x1000000xf32, #tpu.memory_space<hbm>> -> memref<16x128xf32, #tpu.memory_space<hbm>>
        tpu.enqueue_dma source(%dma_start3A_2032 : memref<16x128xf32, #tpu.memory_space<hbm>>) target(%dma_start3A_2030 : memref<16x128xf32, #tpu.memory_space<vmem>>) target_semaphore(%arg13 : memref<!tpu.dma_semaphore, #tpu.memory_space<semaphore_mem>>)
        %slice3A_2033 = vector.extract_strided_slice %get3A_1830 {offsets = [5], sizes = [1], strides = [1]} : vector<16xi32> to vector<1xi32>
        %squeeze3A_2034 = vector.extract %slice3A_2033[0] : i32 from vector<1xi32>
        %shift_right_arithmetic3A_2035 = arith.constant 7 : i32
        %shift_right_arithmetic3A_2036 = arith.shrsi %squeeze3A_2034, %shift_right_arithmetic3A_2035 : i32
        %shift_left3A_2037 = arith.constant 7 : i32
        %shift_left3A_2038 = arith.shli %shift_right_arithmetic3A_2036, %shift_left3A_2037 : i32
        %multiple_of3A_2039 = tpu.assume_multiple %shift_left3A_2038, 128 : i32
        %slice3A_2040 = vector.extract_strided_slice %get3A_1832 {offsets = [5], sizes = [1], strides = [1]} : vector<16xi32> to vector<1xi32>
        %squeeze3A_2041 = vector.extract %slice3A_2040[0] : i32 from vector<1xi32>
        %shift_right_arithmetic3A_2042 = arith.constant 7 : i32
        %shift_right_arithmetic3A_2043 = arith.shrsi %squeeze3A_2041, %shift_right_arithmetic3A_2042 : i32
        %shift_left3A_2044 = arith.constant 7 : i32
        %shift_left3A_2045 = arith.shli %shift_right_arithmetic3A_2043, %shift_left3A_2044 : i32
        %multiple_of3A_2046 = tpu.assume_multiple %shift_left3A_2045, 128 : i32
        %dma_start3A_2047 = arith.constant 5 : i32
        %dma_start3A_2048 = arith.constant 0 : i32
        %dma_start3A_2049 = arith.constant 0 : i32
        %dma_start3A_2050 = tpu.memref_slice %arg10[%dma_start3A_2047, %dma_start3A_2048, %dma_start3A_2049] : memref<16x16x128xf32, #tpu.memory_space<vmem>> -> memref<1x16x128xf32, #tpu.memory_space<vmem>>
        %dma_start3A_2051 = tpu.memref_squeeze %dma_start3A_2050 : memref<1x16x128xf32, #tpu.memory_space<vmem>> -> memref<16x128xf32, #tpu.memory_space<vmem>>
        %dma_start3A_2052 = arith.constant 0 : i32
        %dma_start3A_2053 = tpu.memref_slice %arg3[%dma_start3A_2052, %multiple_of3A_2039] : memref<16x1000000xf32, #tpu.memory_space<hbm>> -> memref<16x128xf32, #tpu.memory_space<hbm>>
        %dma_start3A_2054 = arith.constant 0 : i32
        %dma_start3A_2055 = arith.constant 0 : i32
        %dma_start3A_2056 = tpu.memref_slice %arg10[%dma_start3A_2047, %dma_start3A_2054, %dma_start3A_2055] : memref<16x16x128xf32, #tpu.memory_space<vmem>> -> memref<1x16x128xf32, #tpu.memory_space<vmem>>
        %dma_start3A_2057 = tpu.memref_squeeze %dma_start3A_2056 : memref<1x16x128xf32, #tpu.memory_space<vmem>> -> memref<16x128xf32, #tpu.memory_space<vmem>>
        %dma_start3A_2058 = arith.constant 0 : i32
        %dma_start3A_2059 = tpu.memref_slice %arg3[%dma_start3A_2058, %multiple_of3A_2039] : memref<16x1000000xf32, #tpu.memory_space<hbm>> -> memref<16x128xf32, #tpu.memory_space<hbm>>
        tpu.enqueue_dma source(%dma_start3A_2059 : memref<16x128xf32, #tpu.memory_space<hbm>>) target(%dma_start3A_2057 : memref<16x128xf32, #tpu.memory_space<vmem>>) target_semaphore(%arg12 : memref<!tpu.dma_semaphore, #tpu.memory_space<semaphore_mem>>)
        %dma_start3A_2060 = arith.constant 5 : i32
        %dma_start3A_2061 = arith.constant 0 : i32
        %dma_start3A_2062 = arith.constant 0 : i32
        %dma_start3A_2063 = tpu.memref_slice %arg11[%dma_start3A_2060, %dma_start3A_2061, %dma_start3A_2062] : memref<16x16x128xf32, #tpu.memory_space<vmem>> -> memref<1x16x128xf32, #tpu.memory_space<vmem>>
        %dma_start3A_2064 = tpu.memref_squeeze %dma_start3A_2063 : memref<1x16x128xf32, #tpu.memory_space<vmem>> -> memref<16x128xf32, #tpu.memory_space<vmem>>
        %dma_start3A_2065 = arith.constant 0 : i32
        %dma_start3A_2066 = tpu.memref_slice %arg4[%dma_start3A_2065, %multiple_of3A_2046] : memref<16x1000000xf32, #tpu.memory_space<hbm>> -> memref<16x128xf32, #tpu.memory_space<hbm>>
        %dma_start3A_2067 = arith.constant 0 : i32
        %dma_start3A_2068 = arith.constant 0 : i32
        %dma_start3A_2069 = tpu.memref_slice %arg11[%dma_start3A_2060, %dma_start3A_2067, %dma_start3A_2068] : memref<16x16x128xf32, #tpu.memory_space<vmem>> -> memref<1x16x128xf32, #tpu.memory_space<vmem>>
        %dma_start3A_2070 = tpu.memref_squeeze %dma_start3A_2069 : memref<1x16x128xf32, #tpu.memory_space<vmem>> -> memref<16x128xf32, #tpu.memory_space<vmem>>
        %dma_start3A_2071 = arith.constant 0 : i32
        %dma_start3A_2072 = tpu.memref_slice %arg4[%dma_start3A_2071, %multiple_of3A_2046] : memref<16x1000000xf32, #tpu.memory_space<hbm>> -> memref<16x128xf32, #tpu.memory_space<hbm>>
        tpu.enqueue_dma source(%dma_start3A_2072 : memref<16x128xf32, #tpu.memory_space<hbm>>) target(%dma_start3A_2070 : memref<16x128xf32, #tpu.memory_space<vmem>>) target_semaphore(%arg13 : memref<!tpu.dma_semaphore, #tpu.memory_space<semaphore_mem>>)
        %slice3A_2073 = vector.extract_strided_slice %get3A_1830 {offsets = [6], sizes = [1], strides = [1]} : vector<16xi32> to vector<1xi32>
        %squeeze3A_2074 = vector.extract %slice3A_2073[0] : i32 from vector<1xi32>
        %shift_right_arithmetic3A_2075 = arith.constant 7 : i32
        %shift_right_arithmetic3A_2076 = arith.shrsi %squeeze3A_2074, %shift_right_arithmetic3A_2075 : i32
        %shift_left3A_2077 = arith.constant 7 : i32
        %shift_left3A_2078 = arith.shli %shift_right_arithmetic3A_2076, %shift_left3A_2077 : i32
        %multiple_of3A_2079 = tpu.assume_multiple %shift_left3A_2078, 128 : i32
        %slice3A_2080 = vector.extract_strided_slice %get3A_1832 {offsets = [6], sizes = [1], strides = [1]} : vector<16xi32> to vector<1xi32>
        %squeeze3A_2081 = vector.extract %slice3A_2080[0] : i32 from vector<1xi32>
        %shift_right_arithmetic3A_2082 = arith.constant 7 : i32
        %shift_right_arithmetic3A_2083 = arith.shrsi %squeeze3A_2081, %shift_right_arithmetic3A_2082 : i32
        %shift_left3A_2084 = arith.constant 7 : i32
        %shift_left3A_2085 = arith.shli %shift_right_arithmetic3A_2083, %shift_left3A_2084 : i32
        %multiple_of3A_2086 = tpu.assume_multiple %shift_left3A_2085, 128 : i32
        %dma_start3A_2087 = arith.constant 6 : i32
        %dma_start3A_2088 = arith.constant 0 : i32
        %dma_start3A_2089 = arith.constant 0 : i32
        %dma_start3A_2090 = tpu.memref_slice %arg10[%dma_start3A_2087, %dma_start3A_2088, %dma_start3A_2089] : memref<16x16x128xf32, #tpu.memory_space<vmem>> -> memref<1x16x128xf32, #tpu.memory_space<vmem>>
        %dma_start3A_2091 = tpu.memref_squeeze %dma_start3A_2090 : memref<1x16x128xf32, #tpu.memory_space<vmem>> -> memref<16x128xf32, #tpu.memory_space<vmem>>
        %dma_start3A_2092 = arith.constant 0 : i32
        %dma_start3A_2093 = tpu.memref_slice %arg3[%dma_start3A_2092, %multiple_of3A_2079] : memref<16x1000000xf32, #tpu.memory_space<hbm>> -> memref<16x128xf32, #tpu.memory_space<hbm>>
        %dma_start3A_2094 = arith.constant 0 : i32
        %dma_start3A_2095 = arith.constant 0 : i32
        %dma_start3A_2096 = tpu.memref_slice %arg10[%dma_start3A_2087, %dma_start3A_2094, %dma_start3A_2095] : memref<16x16x128xf32, #tpu.memory_space<vmem>> -> memref<1x16x128xf32, #tpu.memory_space<vmem>>
        %dma_start3A_2097 = tpu.memref_squeeze %dma_start3A_2096 : memref<1x16x128xf32, #tpu.memory_space<vmem>> -> memref<16x128xf32, #tpu.memory_space<vmem>>
        %dma_start3A_2098 = arith.constant 0 : i32
        %dma_start3A_2099 = tpu.memref_slice %arg3[%dma_start3A_2098, %multiple_of3A_2079] : memref<16x1000000xf32, #tpu.memory_space<hbm>> -> memref<16x128xf32, #tpu.memory_space<hbm>>
        tpu.enqueue_dma source(%dma_start3A_2099 : memref<16x128xf32, #tpu.memory_space<hbm>>) target(%dma_start3A_2097 : memref<16x128xf32, #tpu.memory_space<vmem>>) target_semaphore(%arg12 : memref<!tpu.dma_semaphore, #tpu.memory_space<semaphore_mem>>)
        %dma_start3A_2100 = arith.constant 6 : i32
        %dma_start3A_2101 = arith.constant 0 : i32
        %dma_start3A_2102 = arith.constant 0 : i32
        %dma_start3A_2103 = tpu.memref_slice %arg11[%dma_start3A_2100, %dma_start3A_2101, %dma_start3A_2102] : memref<16x16x128xf32, #tpu.memory_space<vmem>> -> memref<1x16x128xf32, #tpu.memory_space<vmem>>
        %dma_start3A_2104 = tpu.memref_squeeze %dma_start3A_2103 : memref<1x16x128xf32, #tpu.memory_space<vmem>> -> memref<16x128xf32, #tpu.memory_space<vmem>>
        %dma_start3A_2105 = arith.constant 0 : i32
        %dma_start3A_2106 = tpu.memref_slice %arg4[%dma_start3A_2105, %multiple_of3A_2086] : memref<16x1000000xf32, #tpu.memory_space<hbm>> -> memref<16x128xf32, #tpu.memory_space<hbm>>
        %dma_start3A_2107 = arith.constant 0 : i32
        %dma_start3A_2108 = arith.constant 0 : i32
        %dma_start3A_2109 = tpu.memref_slice %arg11[%dma_start3A_2100, %dma_start3A_2107, %dma_start3A_2108] : memref<16x16x128xf32, #tpu.memory_space<vmem>> -> memref<1x16x128xf32, #tpu.memory_space<vmem>>
        %dma_start3A_2110 = tpu.memref_squeeze %dma_start3A_2109 : memref<1x16x128xf32, #tpu.memory_space<vmem>> -> memref<16x128xf32, #tpu.memory_space<vmem>>
        %dma_start3A_2111 = arith.constant 0 : i32
        %dma_start3A_2112 = tpu.memref_slice %arg4[%dma_start3A_2111, %multiple_of3A_2086] : memref<16x1000000xf32, #tpu.memory_space<hbm>> -> memref<16x128xf32, #tpu.memory_space<hbm>>
        tpu.enqueue_dma source(%dma_start3A_2112 : memref<16x128xf32, #tpu.memory_space<hbm>>) target(%dma_start3A_2110 : memref<16x128xf32, #tpu.memory_space<vmem>>) target_semaphore(%arg13 : memref<!tpu.dma_semaphore, #tpu.memory_space<semaphore_mem>>)
        %slice3A_2113 = vector.extract_strided_slice %get3A_1830 {offsets = [7], sizes = [1], strides = [1]} : vector<16xi32> to vector<1xi32>
        %squeeze3A_2114 = vector.extract %slice3A_2113[0] : i32 from vector<1xi32>
        %shift_right_arithmetic3A_2115 = arith.constant 7 : i32
        %shift_right_arithmetic3A_2116 = arith.shrsi %squeeze3A_2114, %shift_right_arithmetic3A_2115 : i32
        %shift_left3A_2117 = arith.constant 7 : i32
        %shift_left3A_2118 = arith.shli %shift_right_arithmetic3A_2116, %shift_left3A_2117 : i32
        %multiple_of3A_2119 = tpu.assume_multiple %shift_left3A_2118, 128 : i32
        %slice3A_2120 = vector.extract_strided_slice %get3A_1832 {offsets = [7], sizes = [1], strides = [1]} : vector<16xi32> to vector<1xi32>
        %squeeze3A_2121 = vector.extract %slice3A_2120[0] : i32 from vector<1xi32>
        %shift_right_arithmetic3A_2122 = arith.constant 7 : i32
        %shift_right_arithmetic3A_2123 = arith.shrsi %squeeze3A_2121, %shift_right_arithmetic3A_2122 : i32
        %shift_left3A_2124 = arith.constant 7 : i32
        %shift_left3A_2125 = arith.shli %shift_right_arithmetic3A_2123, %shift_left3A_2124 : i32
        %multiple_of3A_2126 = tpu.assume_multiple %shift_left3A_2125, 128 : i32
        %dma_start3A_2127 = arith.constant 7 : i32
        %dma_start3A_2128 = arith.constant 0 : i32
        %dma_start3A_2129 = arith.constant 0 : i32
        %dma_start3A_2130 = tpu.memref_slice %arg10[%dma_start3A_2127, %dma_start3A_2128, %dma_start3A_2129] : memref<16x16x128xf32, #tpu.memory_space<vmem>> -> memref<1x16x128xf32, #tpu.memory_space<vmem>>
        %dma_start3A_2131 = tpu.memref_squeeze %dma_start3A_2130 : memref<1x16x128xf32, #tpu.memory_space<vmem>> -> memref<16x128xf32, #tpu.memory_space<vmem>>
        %dma_start3A_2132 = arith.constant 0 : i32
        %dma_start3A_2133 = tpu.memref_slice %arg3[%dma_start3A_2132, %multiple_of3A_2119] : memref<16x1000000xf32, #tpu.memory_space<hbm>> -> memref<16x128xf32, #tpu.memory_space<hbm>>
        %dma_start3A_2134 = arith.constant 0 : i32
        %dma_start3A_2135 = arith.constant 0 : i32
        %dma_start3A_2136 = tpu.memref_slice %arg10[%dma_start3A_2127, %dma_start3A_2134, %dma_start3A_2135] : memref<16x16x128xf32, #tpu.memory_space<vmem>> -> memref<1x16x128xf32, #tpu.memory_space<vmem>>
        %dma_start3A_2137 = tpu.memref_squeeze %dma_start3A_2136 : memref<1x16x128xf32, #tpu.memory_space<vmem>> -> memref<16x128xf32, #tpu.memory_space<vmem>>
        %dma_start3A_2138 = arith.constant 0 : i32
        %dma_start3A_2139 = tpu.memref_slice %arg3[%dma_start3A_2138, %multiple_of3A_2119] : memref<16x1000000xf32, #tpu.memory_space<hbm>> -> memref<16x128xf32, #tpu.memory_space<hbm>>
        tpu.enqueue_dma source(%dma_start3A_2139 : memref<16x128xf32, #tpu.memory_space<hbm>>) target(%dma_start3A_2137 : memref<16x128xf32, #tpu.memory_space<vmem>>) target_semaphore(%arg12 : memref<!tpu.dma_semaphore, #tpu.memory_space<semaphore_mem>>)
        %dma_start3A_2140 = arith.constant 7 : i32
        %dma_start3A_2141 = arith.constant 0 : i32
        %dma_start3A_2142 = arith.constant 0 : i32
        %dma_start3A_2143 = tpu.memref_slice %arg11[%dma_start3A_2140, %dma_start3A_2141, %dma_start3A_2142] : memref<16x16x128xf32, #tpu.memory_space<vmem>> -> memref<1x16x128xf32, #tpu.memory_space<vmem>>
        %dma_start3A_2144 = tpu.memref_squeeze %dma_start3A_2143 : memref<1x16x128xf32, #tpu.memory_space<vmem>> -> memref<16x128xf32, #tpu.memory_space<vmem>>
        %dma_start3A_2145 = arith.constant 0 : i32
        %dma_start3A_2146 = tpu.memref_slice %arg4[%dma_start3A_2145, %multiple_of3A_2126] : memref<16x1000000xf32, #tpu.memory_space<hbm>> -> memref<16x128xf32, #tpu.memory_space<hbm>>
        %dma_start3A_2147 = arith.constant 0 : i32
        %dma_start3A_2148 = arith.constant 0 : i32
        %dma_start3A_2149 = tpu.memref_slice %arg11[%dma_start3A_2140, %dma_start3A_2147, %dma_start3A_2148] : memref<16x16x128xf32, #tpu.memory_space<vmem>> -> memref<1x16x128xf32, #tpu.memory_space<vmem>>
        %dma_start3A_2150 = tpu.memref_squeeze %dma_start3A_2149 : memref<1x16x128xf32, #tpu.memory_space<vmem>> -> memref<16x128xf32, #tpu.memory_space<vmem>>
        %dma_start3A_2151 = arith.constant 0 : i32
        %dma_start3A_2152 = tpu.memref_slice %arg4[%dma_start3A_2151, %multiple_of3A_2126] : memref<16x1000000xf32, #tpu.memory_space<hbm>> -> memref<16x128xf32, #tpu.memory_space<hbm>>
        tpu.enqueue_dma source(%dma_start3A_2152 : memref<16x128xf32, #tpu.memory_space<hbm>>) target(%dma_start3A_2150 : memref<16x128xf32, #tpu.memory_space<vmem>>) target_semaphore(%arg13 : memref<!tpu.dma_semaphore, #tpu.memory_space<semaphore_mem>>)
      } else {
      }
      %dma_wait3A_1258 = arith.constant 8 : i32
      %dma_wait3A_1259 = arith.constant 0 : i32
      %dma_wait3A_1260 = arith.constant 0 : i32
      %dma_wait3A_1261 = tpu.memref_slice %arg10[%dma_wait3A_1258, %dma_wait3A_1259, %dma_wait3A_1260] : memref<16x16x128xf32, #tpu.memory_space<vmem>> -> memref<1x16x128xf32, #tpu.memory_space<vmem>>
      %dma_wait3A_1262 = tpu.memref_squeeze %dma_wait3A_1261 : memref<1x16x128xf32, #tpu.memory_space<vmem>> -> memref<16x128xf32, #tpu.memory_space<vmem>>
      %dma_wait3A_1263 = arith.constant 0 : i32
      %dma_wait3A_1264 = tpu.memref_slice %arg3[%dma_wait3A_1263, %multiple_of3A_349] : memref<16x1000000xf32, #tpu.memory_space<hbm>> -> memref<16x128xf32, #tpu.memory_space<hbm>>
      %dma_wait3A_1265 = arith.constant 0 : i32
      %dma_wait3A_1266 = arith.constant 0 : i32
      %dma_wait3A_1267 = tpu.memref_slice %arg10[%dma_wait3A_1258, %dma_wait3A_1265, %dma_wait3A_1266] : memref<16x16x128xf32, #tpu.memory_space<vmem>> -> memref<1x16x128xf32, #tpu.memory_space<vmem>>
      %dma_wait3A_1268 = tpu.memref_squeeze %dma_wait3A_1267 : memref<1x16x128xf32, #tpu.memory_space<vmem>> -> memref<16x128xf32, #tpu.memory_space<vmem>>
      %dma_wait3A_1269 = arith.constant 0 : i32
      %dma_wait3A_1270 = tpu.memref_slice %arg3[%dma_wait3A_1269, %multiple_of3A_349] : memref<16x1000000xf32, #tpu.memory_space<hbm>> -> memref<16x128xf32, #tpu.memory_space<hbm>>
      tpu.wait_dma2 semaphore(%arg14 : memref<!tpu.dma_semaphore, #tpu.memory_space<semaphore_mem>>) src(%dma_wait3A_1270 : memref<16x128xf32, #tpu.memory_space<hbm>>) dst(%dma_wait3A_1268 : memref<16x128xf32, #tpu.memory_space<vmem>>)
      %dma_wait3A_1271 = arith.constant 8 : i32
      %dma_wait3A_1272 = arith.constant 0 : i32
      %dma_wait3A_1273 = arith.constant 0 : i32
      %dma_wait3A_1274 = tpu.memref_slice %arg11[%dma_wait3A_1271, %dma_wait3A_1272, %dma_wait3A_1273] : memref<16x16x128xf32, #tpu.memory_space<vmem>> -> memref<1x16x128xf32, #tpu.memory_space<vmem>>
      %dma_wait3A_1275 = tpu.memref_squeeze %dma_wait3A_1274 : memref<1x16x128xf32, #tpu.memory_space<vmem>> -> memref<16x128xf32, #tpu.memory_space<vmem>>
      %dma_wait3A_1276 = arith.constant 0 : i32
      %dma_wait3A_1277 = tpu.memref_slice %arg4[%dma_wait3A_1276, %multiple_of3A_356] : memref<16x1000000xf32, #tpu.memory_space<hbm>> -> memref<16x128xf32, #tpu.memory_space<hbm>>
      %dma_wait3A_1278 = arith.constant 0 : i32
      %dma_wait3A_1279 = arith.constant 0 : i32
      %dma_wait3A_1280 = tpu.memref_slice %arg11[%dma_wait3A_1271, %dma_wait3A_1278, %dma_wait3A_1279] : memref<16x16x128xf32, #tpu.memory_space<vmem>> -> memref<1x16x128xf32, #tpu.memory_space<vmem>>
      %dma_wait3A_1281 = tpu.memref_squeeze %dma_wait3A_1280 : memref<1x16x128xf32, #tpu.memory_space<vmem>> -> memref<16x128xf32, #tpu.memory_space<vmem>>
      %dma_wait3A_1282 = arith.constant 0 : i32
      %dma_wait3A_1283 = tpu.memref_slice %arg4[%dma_wait3A_1282, %multiple_of3A_356] : memref<16x1000000xf32, #tpu.memory_space<hbm>> -> memref<16x128xf32, #tpu.memory_space<hbm>>
      tpu.wait_dma2 semaphore(%arg15 : memref<!tpu.dma_semaphore, #tpu.memory_space<semaphore_mem>>) src(%dma_wait3A_1283 : memref<16x128xf32, #tpu.memory_space<hbm>>) dst(%dma_wait3A_1281 : memref<16x128xf32, #tpu.memory_space<vmem>>)
      %dma_wait3A_1284 = arith.constant 9 : i32
      %dma_wait3A_1285 = arith.constant 0 : i32
      %dma_wait3A_1286 = arith.constant 0 : i32
      %dma_wait3A_1287 = tpu.memref_slice %arg10[%dma_wait3A_1284, %dma_wait3A_1285, %dma_wait3A_1286] : memref<16x16x128xf32, #tpu.memory_space<vmem>> -> memref<1x16x128xf32, #tpu.memory_space<vmem>>
      %dma_wait3A_1288 = tpu.memref_squeeze %dma_wait3A_1287 : memref<1x16x128xf32, #tpu.memory_space<vmem>> -> memref<16x128xf32, #tpu.memory_space<vmem>>
      %dma_wait3A_1289 = arith.constant 0 : i32
      %dma_wait3A_1290 = tpu.memref_slice %arg3[%dma_wait3A_1289, %multiple_of3A_389] : memref<16x1000000xf32, #tpu.memory_space<hbm>> -> memref<16x128xf32, #tpu.memory_space<hbm>>
      %dma_wait3A_1291 = arith.constant 0 : i32
      %dma_wait3A_1292 = arith.constant 0 : i32
      %dma_wait3A_1293 = tpu.memref_slice %arg10[%dma_wait3A_1284, %dma_wait3A_1291, %dma_wait3A_1292] : memref<16x16x128xf32, #tpu.memory_space<vmem>> -> memref<1x16x128xf32, #tpu.memory_space<vmem>>
      %dma_wait3A_1294 = tpu.memref_squeeze %dma_wait3A_1293 : memref<1x16x128xf32, #tpu.memory_space<vmem>> -> memref<16x128xf32, #tpu.memory_space<vmem>>
      %dma_wait3A_1295 = arith.constant 0 : i32
      %dma_wait3A_1296 = tpu.memref_slice %arg3[%dma_wait3A_1295, %multiple_of3A_389] : memref<16x1000000xf32, #tpu.memory_space<hbm>> -> memref<16x128xf32, #tpu.memory_space<hbm>>
      tpu.wait_dma2 semaphore(%arg14 : memref<!tpu.dma_semaphore, #tpu.memory_space<semaphore_mem>>) src(%dma_wait3A_1296 : memref<16x128xf32, #tpu.memory_space<hbm>>) dst(%dma_wait3A_1294 : memref<16x128xf32, #tpu.memory_space<vmem>>)
      %dma_wait3A_1297 = arith.constant 9 : i32
      %dma_wait3A_1298 = arith.constant 0 : i32
      %dma_wait3A_1299 = arith.constant 0 : i32
      %dma_wait3A_1300 = tpu.memref_slice %arg11[%dma_wait3A_1297, %dma_wait3A_1298, %dma_wait3A_1299] : memref<16x16x128xf32, #tpu.memory_space<vmem>> -> memref<1x16x128xf32, #tpu.memory_space<vmem>>
      %dma_wait3A_1301 = tpu.memref_squeeze %dma_wait3A_1300 : memref<1x16x128xf32, #tpu.memory_space<vmem>> -> memref<16x128xf32, #tpu.memory_space<vmem>>
      %dma_wait3A_1302 = arith.constant 0 : i32
      %dma_wait3A_1303 = tpu.memref_slice %arg4[%dma_wait3A_1302, %multiple_of3A_396] : memref<16x1000000xf32, #tpu.memory_space<hbm>> -> memref<16x128xf32, #tpu.memory_space<hbm>>
      %dma_wait3A_1304 = arith.constant 0 : i32
      %dma_wait3A_1305 = arith.constant 0 : i32
      %dma_wait3A_1306 = tpu.memref_slice %arg11[%dma_wait3A_1297, %dma_wait3A_1304, %dma_wait3A_1305] : memref<16x16x128xf32, #tpu.memory_space<vmem>> -> memref<1x16x128xf32, #tpu.memory_space<vmem>>
      %dma_wait3A_1307 = tpu.memref_squeeze %dma_wait3A_1306 : memref<1x16x128xf32, #tpu.memory_space<vmem>> -> memref<16x128xf32, #tpu.memory_space<vmem>>
      %dma_wait3A_1308 = arith.constant 0 : i32
      %dma_wait3A_1309 = tpu.memref_slice %arg4[%dma_wait3A_1308, %multiple_of3A_396] : memref<16x1000000xf32, #tpu.memory_space<hbm>> -> memref<16x128xf32, #tpu.memory_space<hbm>>
      tpu.wait_dma2 semaphore(%arg15 : memref<!tpu.dma_semaphore, #tpu.memory_space<semaphore_mem>>) src(%dma_wait3A_1309 : memref<16x128xf32, #tpu.memory_space<hbm>>) dst(%dma_wait3A_1307 : memref<16x128xf32, #tpu.memory_space<vmem>>)
      %dma_wait3A_1310 = arith.constant 10 : i32
      %dma_wait3A_1311 = arith.constant 0 : i32
      %dma_wait3A_1312 = arith.constant 0 : i32
      %dma_wait3A_1313 = tpu.memref_slice %arg10[%dma_wait3A_1310, %dma_wait3A_1311, %dma_wait3A_1312] : memref<16x16x128xf32, #tpu.memory_space<vmem>> -> memref<1x16x128xf32, #tpu.memory_space<vmem>>
      %dma_wait3A_1314 = tpu.memref_squeeze %dma_wait3A_1313 : memref<1x16x128xf32, #tpu.memory_space<vmem>> -> memref<16x128xf32, #tpu.memory_space<vmem>>
      %dma_wait3A_1315 = arith.constant 0 : i32
      %dma_wait3A_1316 = tpu.memref_slice %arg3[%dma_wait3A_1315, %multiple_of3A_429] : memref<16x1000000xf32, #tpu.memory_space<hbm>> -> memref<16x128xf32, #tpu.memory_space<hbm>>
      %dma_wait3A_1317 = arith.constant 0 : i32
      %dma_wait3A_1318 = arith.constant 0 : i32
      %dma_wait3A_1319 = tpu.memref_slice %arg10[%dma_wait3A_1310, %dma_wait3A_1317, %dma_wait3A_1318] : memref<16x16x128xf32, #tpu.memory_space<vmem>> -> memref<1x16x128xf32, #tpu.memory_space<vmem>>
      %dma_wait3A_1320 = tpu.memref_squeeze %dma_wait3A_1319 : memref<1x16x128xf32, #tpu.memory_space<vmem>> -> memref<16x128xf32, #tpu.memory_space<vmem>>
      %dma_wait3A_1321 = arith.constant 0 : i32
      %dma_wait3A_1322 = tpu.memref_slice %arg3[%dma_wait3A_1321, %multiple_of3A_429] : memref<16x1000000xf32, #tpu.memory_space<hbm>> -> memref<16x128xf32, #tpu.memory_space<hbm>>
      tpu.wait_dma2 semaphore(%arg14 : memref<!tpu.dma_semaphore, #tpu.memory_space<semaphore_mem>>) src(%dma_wait3A_1322 : memref<16x128xf32, #tpu.memory_space<hbm>>) dst(%dma_wait3A_1320 : memref<16x128xf32, #tpu.memory_space<vmem>>)
      %dma_wait3A_1323 = arith.constant 10 : i32
      %dma_wait3A_1324 = arith.constant 0 : i32
      %dma_wait3A_1325 = arith.constant 0 : i32
      %dma_wait3A_1326 = tpu.memref_slice %arg11[%dma_wait3A_1323, %dma_wait3A_1324, %dma_wait3A_1325] : memref<16x16x128xf32, #tpu.memory_space<vmem>> -> memref<1x16x128xf32, #tpu.memory_space<vmem>>
      %dma_wait3A_1327 = tpu.memref_squeeze %dma_wait3A_1326 : memref<1x16x128xf32, #tpu.memory_space<vmem>> -> memref<16x128xf32, #tpu.memory_space<vmem>>
      %dma_wait3A_1328 = arith.constant 0 : i32
      %dma_wait3A_1329 = tpu.memref_slice %arg4[%dma_wait3A_1328, %multiple_of3A_436] : memref<16x1000000xf32, #tpu.memory_space<hbm>> -> memref<16x128xf32, #tpu.memory_space<hbm>>
      %dma_wait3A_1330 = arith.constant 0 : i32
      %dma_wait3A_1331 = arith.constant 0 : i32
      %dma_wait3A_1332 = tpu.memref_slice %arg11[%dma_wait3A_1323, %dma_wait3A_1330, %dma_wait3A_1331] : memref<16x16x128xf32, #tpu.memory_space<vmem>> -> memref<1x16x128xf32, #tpu.memory_space<vmem>>
      %dma_wait3A_1333 = tpu.memref_squeeze %dma_wait3A_1332 : memref<1x16x128xf32, #tpu.memory_space<vmem>> -> memref<16x128xf32, #tpu.memory_space<vmem>>
      %dma_wait3A_1334 = arith.constant 0 : i32
      %dma_wait3A_1335 = tpu.memref_slice %arg4[%dma_wait3A_1334, %multiple_of3A_436] : memref<16x1000000xf32, #tpu.memory_space<hbm>> -> memref<16x128xf32, #tpu.memory_space<hbm>>
      tpu.wait_dma2 semaphore(%arg15 : memref<!tpu.dma_semaphore, #tpu.memory_space<semaphore_mem>>) src(%dma_wait3A_1335 : memref<16x128xf32, #tpu.memory_space<hbm>>) dst(%dma_wait3A_1333 : memref<16x128xf32, #tpu.memory_space<vmem>>)
      %dma_wait3A_1336 = arith.constant 11 : i32
      %dma_wait3A_1337 = arith.constant 0 : i32
      %dma_wait3A_1338 = arith.constant 0 : i32
      %dma_wait3A_1339 = tpu.memref_slice %arg10[%dma_wait3A_1336, %dma_wait3A_1337, %dma_wait3A_1338] : memref<16x16x128xf32, #tpu.memory_space<vmem>> -> memref<1x16x128xf32, #tpu.memory_space<vmem>>
      %dma_wait3A_1340 = tpu.memref_squeeze %dma_wait3A_1339 : memref<1x16x128xf32, #tpu.memory_space<vmem>> -> memref<16x128xf32, #tpu.memory_space<vmem>>
      %dma_wait3A_1341 = arith.constant 0 : i32
      %dma_wait3A_1342 = tpu.memref_slice %arg3[%dma_wait3A_1341, %multiple_of3A_469] : memref<16x1000000xf32, #tpu.memory_space<hbm>> -> memref<16x128xf32, #tpu.memory_space<hbm>>
      %dma_wait3A_1343 = arith.constant 0 : i32
      %dma_wait3A_1344 = arith.constant 0 : i32
      %dma_wait3A_1345 = tpu.memref_slice %arg10[%dma_wait3A_1336, %dma_wait3A_1343, %dma_wait3A_1344] : memref<16x16x128xf32, #tpu.memory_space<vmem>> -> memref<1x16x128xf32, #tpu.memory_space<vmem>>
      %dma_wait3A_1346 = tpu.memref_squeeze %dma_wait3A_1345 : memref<1x16x128xf32, #tpu.memory_space<vmem>> -> memref<16x128xf32, #tpu.memory_space<vmem>>
      %dma_wait3A_1347 = arith.constant 0 : i32
      %dma_wait3A_1348 = tpu.memref_slice %arg3[%dma_wait3A_1347, %multiple_of3A_469] : memref<16x1000000xf32, #tpu.memory_space<hbm>> -> memref<16x128xf32, #tpu.memory_space<hbm>>
      tpu.wait_dma2 semaphore(%arg14 : memref<!tpu.dma_semaphore, #tpu.memory_space<semaphore_mem>>) src(%dma_wait3A_1348 : memref<16x128xf32, #tpu.memory_space<hbm>>) dst(%dma_wait3A_1346 : memref<16x128xf32, #tpu.memory_space<vmem>>)
      %dma_wait3A_1349 = arith.constant 11 : i32
      %dma_wait3A_1350 = arith.constant 0 : i32
      %dma_wait3A_1351 = arith.constant 0 : i32
      %dma_wait3A_1352 = tpu.memref_slice %arg11[%dma_wait3A_1349, %dma_wait3A_1350, %dma_wait3A_1351] : memref<16x16x128xf32, #tpu.memory_space<vmem>> -> memref<1x16x128xf32, #tpu.memory_space<vmem>>
      %dma_wait3A_1353 = tpu.memref_squeeze %dma_wait3A_1352 : memref<1x16x128xf32, #tpu.memory_space<vmem>> -> memref<16x128xf32, #tpu.memory_space<vmem>>
      %dma_wait3A_1354 = arith.constant 0 : i32
      %dma_wait3A_1355 = tpu.memref_slice %arg4[%dma_wait3A_1354, %multiple_of3A_476] : memref<16x1000000xf32, #tpu.memory_space<hbm>> -> memref<16x128xf32, #tpu.memory_space<hbm>>
      %dma_wait3A_1356 = arith.constant 0 : i32
      %dma_wait3A_1357 = arith.constant 0 : i32
      %dma_wait3A_1358 = tpu.memref_slice %arg11[%dma_wait3A_1349, %dma_wait3A_1356, %dma_wait3A_1357] : memref<16x16x128xf32, #tpu.memory_space<vmem>> -> memref<1x16x128xf32, #tpu.memory_space<vmem>>
      %dma_wait3A_1359 = tpu.memref_squeeze %dma_wait3A_1358 : memref<1x16x128xf32, #tpu.memory_space<vmem>> -> memref<16x128xf32, #tpu.memory_space<vmem>>
      %dma_wait3A_1360 = arith.constant 0 : i32
      %dma_wait3A_1361 = tpu.memref_slice %arg4[%dma_wait3A_1360, %multiple_of3A_476] : memref<16x1000000xf32, #tpu.memory_space<hbm>> -> memref<16x128xf32, #tpu.memory_space<hbm>>
      tpu.wait_dma2 semaphore(%arg15 : memref<!tpu.dma_semaphore, #tpu.memory_space<semaphore_mem>>) src(%dma_wait3A_1361 : memref<16x128xf32, #tpu.memory_space<hbm>>) dst(%dma_wait3A_1359 : memref<16x128xf32, #tpu.memory_space<vmem>>)
      %dma_wait3A_1362 = arith.constant 12 : i32
      %dma_wait3A_1363 = arith.constant 0 : i32
      %dma_wait3A_1364 = arith.constant 0 : i32
      %dma_wait3A_1365 = tpu.memref_slice %arg10[%dma_wait3A_1362, %dma_wait3A_1363, %dma_wait3A_1364] : memref<16x16x128xf32, #tpu.memory_space<vmem>> -> memref<1x16x128xf32, #tpu.memory_space<vmem>>
      %dma_wait3A_1366 = tpu.memref_squeeze %dma_wait3A_1365 : memref<1x16x128xf32, #tpu.memory_space<vmem>> -> memref<16x128xf32, #tpu.memory_space<vmem>>
      %dma_wait3A_1367 = arith.constant 0 : i32
      %dma_wait3A_1368 = tpu.memref_slice %arg3[%dma_wait3A_1367, %multiple_of3A_509] : memref<16x1000000xf32, #tpu.memory_space<hbm>> -> memref<16x128xf32, #tpu.memory_space<hbm>>
      %dma_wait3A_1369 = arith.constant 0 : i32
      %dma_wait3A_1370 = arith.constant 0 : i32
      %dma_wait3A_1371 = tpu.memref_slice %arg10[%dma_wait3A_1362, %dma_wait3A_1369, %dma_wait3A_1370] : memref<16x16x128xf32, #tpu.memory_space<vmem>> -> memref<1x16x128xf32, #tpu.memory_space<vmem>>
      %dma_wait3A_1372 = tpu.memref_squeeze %dma_wait3A_1371 : memref<1x16x128xf32, #tpu.memory_space<vmem>> -> memref<16x128xf32, #tpu.memory_space<vmem>>
      %dma_wait3A_1373 = arith.constant 0 : i32
      %dma_wait3A_1374 = tpu.memref_slice %arg3[%dma_wait3A_1373, %multiple_of3A_509] : memref<16x1000000xf32, #tpu.memory_space<hbm>> -> memref<16x128xf32, #tpu.memory_space<hbm>>
      tpu.wait_dma2 semaphore(%arg14 : memref<!tpu.dma_semaphore, #tpu.memory_space<semaphore_mem>>) src(%dma_wait3A_1374 : memref<16x128xf32, #tpu.memory_space<hbm>>) dst(%dma_wait3A_1372 : memref<16x128xf32, #tpu.memory_space<vmem>>)
      %dma_wait3A_1375 = arith.constant 12 : i32
      %dma_wait3A_1376 = arith.constant 0 : i32
      %dma_wait3A_1377 = arith.constant 0 : i32
      %dma_wait3A_1378 = tpu.memref_slice %arg11[%dma_wait3A_1375, %dma_wait3A_1376, %dma_wait3A_1377] : memref<16x16x128xf32, #tpu.memory_space<vmem>> -> memref<1x16x128xf32, #tpu.memory_space<vmem>>
      %dma_wait3A_1379 = tpu.memref_squeeze %dma_wait3A_1378 : memref<1x16x128xf32, #tpu.memory_space<vmem>> -> memref<16x128xf32, #tpu.memory_space<vmem>>
      %dma_wait3A_1380 = arith.constant 0 : i32
      %dma_wait3A_1381 = tpu.memref_slice %arg4[%dma_wait3A_1380, %multiple_of3A_516] : memref<16x1000000xf32, #tpu.memory_space<hbm>> -> memref<16x128xf32, #tpu.memory_space<hbm>>
      %dma_wait3A_1382 = arith.constant 0 : i32
      %dma_wait3A_1383 = arith.constant 0 : i32
      %dma_wait3A_1384 = tpu.memref_slice %arg11[%dma_wait3A_1375, %dma_wait3A_1382, %dma_wait3A_1383] : memref<16x16x128xf32, #tpu.memory_space<vmem>> -> memref<1x16x128xf32, #tpu.memory_space<vmem>>
      %dma_wait3A_1385 = tpu.memref_squeeze %dma_wait3A_1384 : memref<1x16x128xf32, #tpu.memory_space<vmem>> -> memref<16x128xf32, #tpu.memory_space<vmem>>
      %dma_wait3A_1386 = arith.constant 0 : i32
      %dma_wait3A_1387 = tpu.memref_slice %arg4[%dma_wait3A_1386, %multiple_of3A_516] : memref<16x1000000xf32, #tpu.memory_space<hbm>> -> memref<16x128xf32, #tpu.memory_space<hbm>>
      tpu.wait_dma2 semaphore(%arg15 : memref<!tpu.dma_semaphore, #tpu.memory_space<semaphore_mem>>) src(%dma_wait3A_1387 : memref<16x128xf32, #tpu.memory_space<hbm>>) dst(%dma_wait3A_1385 : memref<16x128xf32, #tpu.memory_space<vmem>>)
      %dma_wait3A_1388 = arith.constant 13 : i32
      %dma_wait3A_1389 = arith.constant 0 : i32
      %dma_wait3A_1390 = arith.constant 0 : i32
      %dma_wait3A_1391 = tpu.memref_slice %arg10[%dma_wait3A_1388, %dma_wait3A_1389, %dma_wait3A_1390] : memref<16x16x128xf32, #tpu.memory_space<vmem>> -> memref<1x16x128xf32, #tpu.memory_space<vmem>>
      %dma_wait3A_1392 = tpu.memref_squeeze %dma_wait3A_1391 : memref<1x16x128xf32, #tpu.memory_space<vmem>> -> memref<16x128xf32, #tpu.memory_space<vmem>>
      %dma_wait3A_1393 = arith.constant 0 : i32
      %dma_wait3A_1394 = tpu.memref_slice %arg3[%dma_wait3A_1393, %multiple_of3A_549] : memref<16x1000000xf32, #tpu.memory_space<hbm>> -> memref<16x128xf32, #tpu.memory_space<hbm>>
      %dma_wait3A_1395 = arith.constant 0 : i32
      %dma_wait3A_1396 = arith.constant 0 : i32
      %dma_wait3A_1397 = tpu.memref_slice %arg10[%dma_wait3A_1388, %dma_wait3A_1395, %dma_wait3A_1396] : memref<16x16x128xf32, #tpu.memory_space<vmem>> -> memref<1x16x128xf32, #tpu.memory_space<vmem>>
      %dma_wait3A_1398 = tpu.memref_squeeze %dma_wait3A_1397 : memref<1x16x128xf32, #tpu.memory_space<vmem>> -> memref<16x128xf32, #tpu.memory_space<vmem>>
      %dma_wait3A_1399 = arith.constant 0 : i32
      %dma_wait3A_1400 = tpu.memref_slice %arg3[%dma_wait3A_1399, %multiple_of3A_549] : memref<16x1000000xf32, #tpu.memory_space<hbm>> -> memref<16x128xf32, #tpu.memory_space<hbm>>
      tpu.wait_dma2 semaphore(%arg14 : memref<!tpu.dma_semaphore, #tpu.memory_space<semaphore_mem>>) src(%dma_wait3A_1400 : memref<16x128xf32, #tpu.memory_space<hbm>>) dst(%dma_wait3A_1398 : memref<16x128xf32, #tpu.memory_space<vmem>>)
      %dma_wait3A_1401 = arith.constant 13 : i32
      %dma_wait3A_1402 = arith.constant 0 : i32
      %dma_wait3A_1403 = arith.constant 0 : i32
      %dma_wait3A_1404 = tpu.memref_slice %arg11[%dma_wait3A_1401, %dma_wait3A_1402, %dma_wait3A_1403] : memref<16x16x128xf32, #tpu.memory_space<vmem>> -> memref<1x16x128xf32, #tpu.memory_space<vmem>>
      %dma_wait3A_1405 = tpu.memref_squeeze %dma_wait3A_1404 : memref<1x16x128xf32, #tpu.memory_space<vmem>> -> memref<16x128xf32, #tpu.memory_space<vmem>>
      %dma_wait3A_1406 = arith.constant 0 : i32
      %dma_wait3A_1407 = tpu.memref_slice %arg4[%dma_wait3A_1406, %multiple_of3A_556] : memref<16x1000000xf32, #tpu.memory_space<hbm>> -> memref<16x128xf32, #tpu.memory_space<hbm>>
      %dma_wait3A_1408 = arith.constant 0 : i32
      %dma_wait3A_1409 = arith.constant 0 : i32
      %dma_wait3A_1410 = tpu.memref_slice %arg11[%dma_wait3A_1401, %dma_wait3A_1408, %dma_wait3A_1409] : memref<16x16x128xf32, #tpu.memory_space<vmem>> -> memref<1x16x128xf32, #tpu.memory_space<vmem>>
      %dma_wait3A_1411 = tpu.memref_squeeze %dma_wait3A_1410 : memref<1x16x128xf32, #tpu.memory_space<vmem>> -> memref<16x128xf32, #tpu.memory_space<vmem>>
      %dma_wait3A_1412 = arith.constant 0 : i32
      %dma_wait3A_1413 = tpu.memref_slice %arg4[%dma_wait3A_1412, %multiple_of3A_556] : memref<16x1000000xf32, #tpu.memory_space<hbm>> -> memref<16x128xf32, #tpu.memory_space<hbm>>
      tpu.wait_dma2 semaphore(%arg15 : memref<!tpu.dma_semaphore, #tpu.memory_space<semaphore_mem>>) src(%dma_wait3A_1413 : memref<16x128xf32, #tpu.memory_space<hbm>>) dst(%dma_wait3A_1411 : memref<16x128xf32, #tpu.memory_space<vmem>>)
      %dma_wait3A_1414 = arith.constant 14 : i32
      %dma_wait3A_1415 = arith.constant 0 : i32
      %dma_wait3A_1416 = arith.constant 0 : i32
      %dma_wait3A_1417 = tpu.memref_slice %arg10[%dma_wait3A_1414, %dma_wait3A_1415, %dma_wait3A_1416] : memref<16x16x128xf32, #tpu.memory_space<vmem>> -> memref<1x16x128xf32, #tpu.memory_space<vmem>>
      %dma_wait3A_1418 = tpu.memref_squeeze %dma_wait3A_1417 : memref<1x16x128xf32, #tpu.memory_space<vmem>> -> memref<16x128xf32, #tpu.memory_space<vmem>>
      %dma_wait3A_1419 = arith.constant 0 : i32
      %dma_wait3A_1420 = tpu.memref_slice %arg3[%dma_wait3A_1419, %multiple_of3A_589] : memref<16x1000000xf32, #tpu.memory_space<hbm>> -> memref<16x128xf32, #tpu.memory_space<hbm>>
      %dma_wait3A_1421 = arith.constant 0 : i32
      %dma_wait3A_1422 = arith.constant 0 : i32
      %dma_wait3A_1423 = tpu.memref_slice %arg10[%dma_wait3A_1414, %dma_wait3A_1421, %dma_wait3A_1422] : memref<16x16x128xf32, #tpu.memory_space<vmem>> -> memref<1x16x128xf32, #tpu.memory_space<vmem>>
      %dma_wait3A_1424 = tpu.memref_squeeze %dma_wait3A_1423 : memref<1x16x128xf32, #tpu.memory_space<vmem>> -> memref<16x128xf32, #tpu.memory_space<vmem>>
      %dma_wait3A_1425 = arith.constant 0 : i32
      %dma_wait3A_1426 = tpu.memref_slice %arg3[%dma_wait3A_1425, %multiple_of3A_589] : memref<16x1000000xf32, #tpu.memory_space<hbm>> -> memref<16x128xf32, #tpu.memory_space<hbm>>
      tpu.wait_dma2 semaphore(%arg14 : memref<!tpu.dma_semaphore, #tpu.memory_space<semaphore_mem>>) src(%dma_wait3A_1426 : memref<16x128xf32, #tpu.memory_space<hbm>>) dst(%dma_wait3A_1424 : memref<16x128xf32, #tpu.memory_space<vmem>>)
      %dma_wait3A_1427 = arith.constant 14 : i32
      %dma_wait3A_1428 = arith.constant 0 : i32
      %dma_wait3A_1429 = arith.constant 0 : i32
      %dma_wait3A_1430 = tpu.memref_slice %arg11[%dma_wait3A_1427, %dma_wait3A_1428, %dma_wait3A_1429] : memref<16x16x128xf32, #tpu.memory_space<vmem>> -> memref<1x16x128xf32, #tpu.memory_space<vmem>>
      %dma_wait3A_1431 = tpu.memref_squeeze %dma_wait3A_1430 : memref<1x16x128xf32, #tpu.memory_space<vmem>> -> memref<16x128xf32, #tpu.memory_space<vmem>>
      %dma_wait3A_1432 = arith.constant 0 : i32
      %dma_wait3A_1433 = tpu.memref_slice %arg4[%dma_wait3A_1432, %multiple_of3A_596] : memref<16x1000000xf32, #tpu.memory_space<hbm>> -> memref<16x128xf32, #tpu.memory_space<hbm>>
      %dma_wait3A_1434 = arith.constant 0 : i32
      %dma_wait3A_1435 = arith.constant 0 : i32
      %dma_wait3A_1436 = tpu.memref_slice %arg11[%dma_wait3A_1427, %dma_wait3A_1434, %dma_wait3A_1435] : memref<16x16x128xf32, #tpu.memory_space<vmem>> -> memref<1x16x128xf32, #tpu.memory_space<vmem>>
      %dma_wait3A_1437 = tpu.memref_squeeze %dma_wait3A_1436 : memref<1x16x128xf32, #tpu.memory_space<vmem>> -> memref<16x128xf32, #tpu.memory_space<vmem>>
      %dma_wait3A_1438 = arith.constant 0 : i32
      %dma_wait3A_1439 = tpu.memref_slice %arg4[%dma_wait3A_1438, %multiple_of3A_596] : memref<16x1000000xf32, #tpu.memory_space<hbm>> -> memref<16x128xf32, #tpu.memory_space<hbm>>
      tpu.wait_dma2 semaphore(%arg15 : memref<!tpu.dma_semaphore, #tpu.memory_space<semaphore_mem>>) src(%dma_wait3A_1439 : memref<16x128xf32, #tpu.memory_space<hbm>>) dst(%dma_wait3A_1437 : memref<16x128xf32, #tpu.memory_space<vmem>>)
      %dma_wait3A_1440 = arith.constant 15 : i32
      %dma_wait3A_1441 = arith.constant 0 : i32
      %dma_wait3A_1442 = arith.constant 0 : i32
      %dma_wait3A_1443 = tpu.memref_slice %arg10[%dma_wait3A_1440, %dma_wait3A_1441, %dma_wait3A_1442] : memref<16x16x128xf32, #tpu.memory_space<vmem>> -> memref<1x16x128xf32, #tpu.memory_space<vmem>>
      %dma_wait3A_1444 = tpu.memref_squeeze %dma_wait3A_1443 : memref<1x16x128xf32, #tpu.memory_space<vmem>> -> memref<16x128xf32, #tpu.memory_space<vmem>>
      %dma_wait3A_1445 = arith.constant 0 : i32
      %dma_wait3A_1446 = tpu.memref_slice %arg3[%dma_wait3A_1445, %multiple_of3A_629] : memref<16x1000000xf32, #tpu.memory_space<hbm>> -> memref<16x128xf32, #tpu.memory_space<hbm>>
      %dma_wait3A_1447 = arith.constant 0 : i32
      %dma_wait3A_1448 = arith.constant 0 : i32
      %dma_wait3A_1449 = tpu.memref_slice %arg10[%dma_wait3A_1440, %dma_wait3A_1447, %dma_wait3A_1448] : memref<16x16x128xf32, #tpu.memory_space<vmem>> -> memref<1x16x128xf32, #tpu.memory_space<vmem>>
      %dma_wait3A_1450 = tpu.memref_squeeze %dma_wait3A_1449 : memref<1x16x128xf32, #tpu.memory_space<vmem>> -> memref<16x128xf32, #tpu.memory_space<vmem>>
      %dma_wait3A_1451 = arith.constant 0 : i32
      %dma_wait3A_1452 = tpu.memref_slice %arg3[%dma_wait3A_1451, %multiple_of3A_629] : memref<16x1000000xf32, #tpu.memory_space<hbm>> -> memref<16x128xf32, #tpu.memory_space<hbm>>
      tpu.wait_dma2 semaphore(%arg14 : memref<!tpu.dma_semaphore, #tpu.memory_space<semaphore_mem>>) src(%dma_wait3A_1452 : memref<16x128xf32, #tpu.memory_space<hbm>>) dst(%dma_wait3A_1450 : memref<16x128xf32, #tpu.memory_space<vmem>>)
      %dma_wait3A_1453 = arith.constant 15 : i32
      %dma_wait3A_1454 = arith.constant 0 : i32
      %dma_wait3A_1455 = arith.constant 0 : i32
      %dma_wait3A_1456 = tpu.memref_slice %arg11[%dma_wait3A_1453, %dma_wait3A_1454, %dma_wait3A_1455] : memref<16x16x128xf32, #tpu.memory_space<vmem>> -> memref<1x16x128xf32, #tpu.memory_space<vmem>>
      %dma_wait3A_1457 = tpu.memref_squeeze %dma_wait3A_1456 : memref<1x16x128xf32, #tpu.memory_space<vmem>> -> memref<16x128xf32, #tpu.memory_space<vmem>>
      %dma_wait3A_1458 = arith.constant 0 : i32
      %dma_wait3A_1459 = tpu.memref_slice %arg4[%dma_wait3A_1458, %multiple_of3A_636] : memref<16x1000000xf32, #tpu.memory_space<hbm>> -> memref<16x128xf32, #tpu.memory_space<hbm>>
      %dma_wait3A_1460 = arith.constant 0 : i32
      %dma_wait3A_1461 = arith.constant 0 : i32
      %dma_wait3A_1462 = tpu.memref_slice %arg11[%dma_wait3A_1453, %dma_wait3A_1460, %dma_wait3A_1461] : memref<16x16x128xf32, #tpu.memory_space<vmem>> -> memref<1x16x128xf32, #tpu.memory_space<vmem>>
      %dma_wait3A_1463 = tpu.memref_squeeze %dma_wait3A_1462 : memref<1x16x128xf32, #tpu.memory_space<vmem>> -> memref<16x128xf32, #tpu.memory_space<vmem>>
      %dma_wait3A_1464 = arith.constant 0 : i32
      %dma_wait3A_1465 = tpu.memref_slice %arg4[%dma_wait3A_1464, %multiple_of3A_636] : memref<16x1000000xf32, #tpu.memory_space<hbm>> -> memref<16x128xf32, #tpu.memory_space<hbm>>
      tpu.wait_dma2 semaphore(%arg15 : memref<!tpu.dma_semaphore, #tpu.memory_space<semaphore_mem>>) src(%dma_wait3A_1465 : memref<16x128xf32, #tpu.memory_space<hbm>>) dst(%dma_wait3A_1463 : memref<16x128xf32, #tpu.memory_space<vmem>>)
      %get3A_1466 = arith.index_cast %mul3A_338 : i32 to index
      %get3A_1467 = tpu.vector_load %arg7[%get3A_1466] {strides = array<i32>} : memref<512xi32, #tpu.memory_space<vmem>>, vector<16xi32>,
      %get3A_1468 = arith.index_cast %mul3A_338 : i32 to index
      %get3A_1469 = tpu.vector_load %arg8[%get3A_1468] {strides = array<i32>} : memref<512xi32, #tpu.memory_space<vmem>>, vector<16xi32>,
      %slice3A_1470 = vector.extract_strided_slice %get3A_1467 {offsets = [8], sizes = [1], strides = [1]} : vector<16xi32> to vector<1xi32>
      %squeeze3A_1471 = vector.extract %slice3A_1470[0] : i32 from vector<1xi32>
      %slice3A_1472 = vector.extract_strided_slice %get3A_1467 {offsets = [8], sizes = [1], strides = [1]} : vector<16xi32> to vector<1xi32>
      %squeeze3A_1473 = vector.extract %slice3A_1472[0] : i32 from vector<1xi32>
      %shift_right_arithmetic3A_1474 = arith.constant 7 : i32
      %shift_right_arithmetic3A_1475 = arith.shrsi %squeeze3A_1473, %shift_right_arithmetic3A_1474 : i32
      %shift_left3A_1476 = arith.constant 7 : i32
      %shift_left3A_1477 = arith.shli %shift_right_arithmetic3A_1475, %shift_left3A_1476 : i32
      %multiple_of3A_1478 = tpu.assume_multiple %shift_left3A_1477, 128 : i32
      %sub3A_1479 = arith.subi %squeeze3A_1471, %multiple_of3A_1478 : i32
      %slice3A_1480 = vector.extract_strided_slice %get3A_1469 {offsets = [8], sizes = [1], strides = [1]} : vector<16xi32> to vector<1xi32>
      %squeeze3A_1481 = vector.extract %slice3A_1480[0] : i32 from vector<1xi32>
      %slice3A_1482 = vector.extract_strided_slice %get3A_1469 {offsets = [8], sizes = [1], strides = [1]} : vector<16xi32> to vector<1xi32>
      %squeeze3A_1483 = vector.extract %slice3A_1482[0] : i32 from vector<1xi32>
      %shift_right_arithmetic3A_1484 = arith.constant 7 : i32
      %shift_right_arithmetic3A_1485 = arith.shrsi %squeeze3A_1483, %shift_right_arithmetic3A_1484 : i32
      %shift_left3A_1486 = arith.constant 7 : i32
      %shift_left3A_1487 = arith.shli %shift_right_arithmetic3A_1485, %shift_left3A_1486 : i32
      %multiple_of3A_1488 = tpu.assume_multiple %shift_left3A_1487, 128 : i32
      %sub3A_1489 = arith.subi %squeeze3A_1481, %multiple_of3A_1488 : i32
      %broadcast_in_dim3A_1490 = vector.broadcast %sub3A_1479 : i32 to vector<16xi32>
      %gather3A_1491 = arith.constant 8 : i32
      %gather3A_1492 = arith.constant 0 : i32
      %gather3A_1493 = arith.constant 0 : i32
      %gather3A_1494 = tpu.memref_slice %arg10[%gather3A_1491, %gather3A_1492, %gather3A_1493] : memref<16x16x128xf32, #tpu.memory_space<vmem>> -> memref<1x16x128xf32, #tpu.memory_space<vmem>>
      %gather3A_1495 = tpu.memref_squeeze %gather3A_1494 : memref<1x16x128xf32, #tpu.memory_space<vmem>> -> memref<16x128xf32, #tpu.memory_space<vmem>>
      %gather3A_1496 = tpu.vector_load_idx %gather3A_1495[%iota3A, %broadcast_in_dim3A_1490] : memref<16x128xf32, #tpu.memory_space<vmem>>[vector<16xi32>, vector<16xi32>], vector<16xf32>,
      %broadcast_in_dim3A_1497 = vector.broadcast %sub3A_1489 : i32 to vector<16xi32>
      %gather3A_1498 = arith.constant 8 : i32
      %gather3A_1499 = arith.constant 0 : i32
      %gather3A_1500 = arith.constant 0 : i32
      %gather3A_1501 = tpu.memref_slice %arg11[%gather3A_1498, %gather3A_1499, %gather3A_1500] : memref<16x16x128xf32, #tpu.memory_space<vmem>> -> memref<1x16x128xf32, #tpu.memory_space<vmem>>
      %gather3A_1502 = tpu.memref_squeeze %gather3A_1501 : memref<1x16x128xf32, #tpu.memory_space<vmem>> -> memref<16x128xf32, #tpu.memory_space<vmem>>
      %gather3A_1503 = tpu.vector_load_idx %gather3A_1502[%iota3A, %broadcast_in_dim3A_1497] : memref<16x128xf32, #tpu.memory_space<vmem>>[vector<16xi32>, vector<16xi32>], vector<16xf32>,
      %mul3A_1504 = arith.mulf %gather3A_1496, %gather3A_1503 : vector<16xf32>
      %reduce_sum3A_1505 = arith.constant true
      %reduce_sum3A_1506 = vector.broadcast %reduce_sum3A_1505 : i1 to vector<16xi1>
      %reduce_sum3A_1507 = tpu.scan <sum>, %mul3A_1504 masked %reduce_sum3A_1506 : vector<16xf32>, vector<16xi1> -> vector<16xf32>
      %reduce_sum3A_1508 = vector.extract %reduce_sum3A_1507[15] : f32 from vector<16xf32>
      %eq3A_1509 = arith.constant 8 : i32
      %eq3A_1510 = vector.broadcast %eq3A_1509 : i32 to vector<16xi32>
      %eq3A_1511 = arith.cmpi eq, %iota3A, %eq3A_1510 : vector<16xi32>
      %broadcast_in_dim3A_1512 = vector.broadcast %reduce_sum3A_1508 : f32 to vector<16xf32>
      %select_n3A_1513 = arith.select %eq3A_1511, %broadcast_in_dim3A_1512, %select_n3A_1253 : vector<16xi1>, vector<16xf32>
      %slice3A_1514 = vector.extract_strided_slice %get3A_1467 {offsets = [9], sizes = [1], strides = [1]} : vector<16xi32> to vector<1xi32>
      %squeeze3A_1515 = vector.extract %slice3A_1514[0] : i32 from vector<1xi32>
      %slice3A_1516 = vector.extract_strided_slice %get3A_1467 {offsets = [9], sizes = [1], strides = [1]} : vector<16xi32> to vector<1xi32>
      %squeeze3A_1517 = vector.extract %slice3A_1516[0] : i32 from vector<1xi32>
      %shift_right_arithmetic3A_1518 = arith.constant 7 : i32
      %shift_right_arithmetic3A_1519 = arith.shrsi %squeeze3A_1517, %shift_right_arithmetic3A_1518 : i32
      %shift_left3A_1520 = arith.constant 7 : i32
      %shift_left3A_1521 = arith.shli %shift_right_arithmetic3A_1519, %shift_left3A_1520 : i32
      %multiple_of3A_1522 = tpu.assume_multiple %shift_left3A_1521, 128 : i32
      %sub3A_1523 = arith.subi %squeeze3A_1515, %multiple_of3A_1522 : i32
      %slice3A_1524 = vector.extract_strided_slice %get3A_1469 {offsets = [9], sizes = [1], strides = [1]} : vector<16xi32> to vector<1xi32>
      %squeeze3A_1525 = vector.extract %slice3A_1524[0] : i32 from vector<1xi32>
      %slice3A_1526 = vector.extract_strided_slice %get3A_1469 {offsets = [9], sizes = [1], strides = [1]} : vector<16xi32> to vector<1xi32>
      %squeeze3A_1527 = vector.extract %slice3A_1526[0] : i32 from vector<1xi32>
      %shift_right_arithmetic3A_1528 = arith.constant 7 : i32
      %shift_right_arithmetic3A_1529 = arith.shrsi %squeeze3A_1527, %shift_right_arithmetic3A_1528 : i32
      %shift_left3A_1530 = arith.constant 7 : i32
      %shift_left3A_1531 = arith.shli %shift_right_arithmetic3A_1529, %shift_left3A_1530 : i32
      %multiple_of3A_1532 = tpu.assume_multiple %shift_left3A_1531, 128 : i32
      %sub3A_1533 = arith.subi %squeeze3A_1525, %multiple_of3A_1532 : i32
      %broadcast_in_dim3A_1534 = vector.broadcast %sub3A_1523 : i32 to vector<16xi32>
      %gather3A_1535 = arith.constant 9 : i32
      %gather3A_1536 = arith.constant 0 : i32
      %gather3A_1537 = arith.constant 0 : i32
      %gather3A_1538 = tpu.memref_slice %arg10[%gather3A_1535, %gather3A_1536, %gather3A_1537] : memref<16x16x128xf32, #tpu.memory_space<vmem>> -> memref<1x16x128xf32, #tpu.memory_space<vmem>>
      %gather3A_1539 = tpu.memref_squeeze %gather3A_1538 : memref<1x16x128xf32, #tpu.memory_space<vmem>> -> memref<16x128xf32, #tpu.memory_space<vmem>>
      %gather3A_1540 = tpu.vector_load_idx %gather3A_1539[%iota3A, %broadcast_in_dim3A_1534] : memref<16x128xf32, #tpu.memory_space<vmem>>[vector<16xi32>, vector<16xi32>], vector<16xf32>,
      %broadcast_in_dim3A_1541 = vector.broadcast %sub3A_1533 : i32 to vector<16xi32>
      %gather3A_1542 = arith.constant 9 : i32
      %gather3A_1543 = arith.constant 0 : i32
      %gather3A_1544 = arith.constant 0 : i32
      %gather3A_1545 = tpu.memref_slice %arg11[%gather3A_1542, %gather3A_1543, %gather3A_1544] : memref<16x16x128xf32, #tpu.memory_space<vmem>> -> memref<1x16x128xf32, #tpu.memory_space<vmem>>
      %gather3A_1546 = tpu.memref_squeeze %gather3A_1545 : memref<1x16x128xf32, #tpu.memory_space<vmem>> -> memref<16x128xf32, #tpu.memory_space<vmem>>
      %gather3A_1547 = tpu.vector_load_idx %gather3A_1546[%iota3A, %broadcast_in_dim3A_1541] : memref<16x128xf32, #tpu.memory_space<vmem>>[vector<16xi32>, vector<16xi32>], vector<16xf32>,
      %mul3A_1548 = arith.mulf %gather3A_1540, %gather3A_1547 : vector<16xf32>
      %reduce_sum3A_1549 = arith.constant true
      %reduce_sum3A_1550 = vector.broadcast %reduce_sum3A_1549 : i1 to vector<16xi1>
      %reduce_sum3A_1551 = tpu.scan <sum>, %mul3A_1548 masked %reduce_sum3A_1550 : vector<16xf32>, vector<16xi1> -> vector<16xf32>
      %reduce_sum3A_1552 = vector.extract %reduce_sum3A_1551[15] : f32 from vector<16xf32>
      %eq3A_1553 = arith.constant 9 : i32
      %eq3A_1554 = vector.broadcast %eq3A_1553 : i32 to vector<16xi32>
      %eq3A_1555 = arith.cmpi eq, %iota3A, %eq3A_1554 : vector<16xi32>
      %broadcast_in_dim3A_1556 = vector.broadcast %reduce_sum3A_1552 : f32 to vector<16xf32>
      %select_n3A_1557 = arith.select %eq3A_1555, %broadcast_in_dim3A_1556, %select_n3A_1513 : vector<16xi1>, vector<16xf32>
      %slice3A_1558 = vector.extract_strided_slice %get3A_1467 {offsets = [10], sizes = [1], strides = [1]} : vector<16xi32> to vector<1xi32>
      %squeeze3A_1559 = vector.extract %slice3A_1558[0] : i32 from vector<1xi32>
      %slice3A_1560 = vector.extract_strided_slice %get3A_1467 {offsets = [10], sizes = [1], strides = [1]} : vector<16xi32> to vector<1xi32>
      %squeeze3A_1561 = vector.extract %slice3A_1560[0] : i32 from vector<1xi32>
      %shift_right_arithmetic3A_1562 = arith.constant 7 : i32
      %shift_right_arithmetic3A_1563 = arith.shrsi %squeeze3A_1561, %shift_right_arithmetic3A_1562 : i32
      %shift_left3A_1564 = arith.constant 7 : i32
      %shift_left3A_1565 = arith.shli %shift_right_arithmetic3A_1563, %shift_left3A_1564 : i32
      %multiple_of3A_1566 = tpu.assume_multiple %shift_left3A_1565, 128 : i32
      %sub3A_1567 = arith.subi %squeeze3A_1559, %multiple_of3A_1566 : i32
      %slice3A_1568 = vector.extract_strided_slice %get3A_1469 {offsets = [10], sizes = [1], strides = [1]} : vector<16xi32> to vector<1xi32>
      %squeeze3A_1569 = vector.extract %slice3A_1568[0] : i32 from vector<1xi32>
      %slice3A_1570 = vector.extract_strided_slice %get3A_1469 {offsets = [10], sizes = [1], strides = [1]} : vector<16xi32> to vector<1xi32>
      %squeeze3A_1571 = vector.extract %slice3A_1570[0] : i32 from vector<1xi32>
      %shift_right_arithmetic3A_1572 = arith.constant 7 : i32
      %shift_right_arithmetic3A_1573 = arith.shrsi %squeeze3A_1571, %shift_right_arithmetic3A_1572 : i32
      %shift_left3A_1574 = arith.constant 7 : i32
      %shift_left3A_1575 = arith.shli %shift_right_arithmetic3A_1573, %shift_left3A_1574 : i32
      %multiple_of3A_1576 = tpu.assume_multiple %shift_left3A_1575, 128 : i32
      %sub3A_1577 = arith.subi %squeeze3A_1569, %multiple_of3A_1576 : i32
      %broadcast_in_dim3A_1578 = vector.broadcast %sub3A_1567 : i32 to vector<16xi32>
      %gather3A_1579 = arith.constant 10 : i32
      %gather3A_1580 = arith.constant 0 : i32
      %gather3A_1581 = arith.constant 0 : i32
      %gather3A_1582 = tpu.memref_slice %arg10[%gather3A_1579, %gather3A_1580, %gather3A_1581] : memref<16x16x128xf32, #tpu.memory_space<vmem>> -> memref<1x16x128xf32, #tpu.memory_space<vmem>>
      %gather3A_1583 = tpu.memref_squeeze %gather3A_1582 : memref<1x16x128xf32, #tpu.memory_space<vmem>> -> memref<16x128xf32, #tpu.memory_space<vmem>>
      %gather3A_1584 = tpu.vector_load_idx %gather3A_1583[%iota3A, %broadcast_in_dim3A_1578] : memref<16x128xf32, #tpu.memory_space<vmem>>[vector<16xi32>, vector<16xi32>], vector<16xf32>,
      %broadcast_in_dim3A_1585 = vector.broadcast %sub3A_1577 : i32 to vector<16xi32>
      %gather3A_1586 = arith.constant 10 : i32
      %gather3A_1587 = arith.constant 0 : i32
      %gather3A_1588 = arith.constant 0 : i32
      %gather3A_1589 = tpu.memref_slice %arg11[%gather3A_1586, %gather3A_1587, %gather3A_1588] : memref<16x16x128xf32, #tpu.memory_space<vmem>> -> memref<1x16x128xf32, #tpu.memory_space<vmem>>
      %gather3A_1590 = tpu.memref_squeeze %gather3A_1589 : memref<1x16x128xf32, #tpu.memory_space<vmem>> -> memref<16x128xf32, #tpu.memory_space<vmem>>
      %gather3A_1591 = tpu.vector_load_idx %gather3A_1590[%iota3A, %broadcast_in_dim3A_1585] : memref<16x128xf32, #tpu.memory_space<vmem>>[vector<16xi32>, vector<16xi32>], vector<16xf32>,
      %mul3A_1592 = arith.mulf %gather3A_1584, %gather3A_1591 : vector<16xf32>
      %reduce_sum3A_1593 = arith.constant true
      %reduce_sum3A_1594 = vector.broadcast %reduce_sum3A_1593 : i1 to vector<16xi1>
      %reduce_sum3A_1595 = tpu.scan <sum>, %mul3A_1592 masked %reduce_sum3A_1594 : vector<16xf32>, vector<16xi1> -> vector<16xf32>
      %reduce_sum3A_1596 = vector.extract %reduce_sum3A_1595[15] : f32 from vector<16xf32>
      %eq3A_1597 = arith.constant 10 : i32
      %eq3A_1598 = vector.broadcast %eq3A_1597 : i32 to vector<16xi32>
      %eq3A_1599 = arith.cmpi eq, %iota3A, %eq3A_1598 : vector<16xi32>
      %broadcast_in_dim3A_1600 = vector.broadcast %reduce_sum3A_1596 : f32 to vector<16xf32>
      %select_n3A_1601 = arith.select %eq3A_1599, %broadcast_in_dim3A_1600, %select_n3A_1557 : vector<16xi1>, vector<16xf32>
      %slice3A_1602 = vector.extract_strided_slice %get3A_1467 {offsets = [11], sizes = [1], strides = [1]} : vector<16xi32> to vector<1xi32>
      %squeeze3A_1603 = vector.extract %slice3A_1602[0] : i32 from vector<1xi32>
      %slice3A_1604 = vector.extract_strided_slice %get3A_1467 {offsets = [11], sizes = [1], strides = [1]} : vector<16xi32> to vector<1xi32>
      %squeeze3A_1605 = vector.extract %slice3A_1604[0] : i32 from vector<1xi32>
      %shift_right_arithmetic3A_1606 = arith.constant 7 : i32
      %shift_right_arithmetic3A_1607 = arith.shrsi %squeeze3A_1605, %shift_right_arithmetic3A_1606 : i32
      %shift_left3A_1608 = arith.constant 7 : i32
      %shift_left3A_1609 = arith.shli %shift_right_arithmetic3A_1607, %shift_left3A_1608 : i32
      %multiple_of3A_1610 = tpu.assume_multiple %shift_left3A_1609, 128 : i32
      %sub3A_1611 = arith.subi %squeeze3A_1603, %multiple_of3A_1610 : i32
      %slice3A_1612 = vector.extract_strided_slice %get3A_1469 {offsets = [11], sizes = [1], strides = [1]} : vector<16xi32> to vector<1xi32>
      %squeeze3A_1613 = vector.extract %slice3A_1612[0] : i32 from vector<1xi32>
      %slice3A_1614 = vector.extract_strided_slice %get3A_1469 {offsets = [11], sizes = [1], strides = [1]} : vector<16xi32> to vector<1xi32>
      %squeeze3A_1615 = vector.extract %slice3A_1614[0] : i32 from vector<1xi32>
      %shift_right_arithmetic3A_1616 = arith.constant 7 : i32
      %shift_right_arithmetic3A_1617 = arith.shrsi %squeeze3A_1615, %shift_right_arithmetic3A_1616 : i32
      %shift_left3A_1618 = arith.constant 7 : i32
      %shift_left3A_1619 = arith.shli %shift_right_arithmetic3A_1617, %shift_left3A_1618 : i32
      %multiple_of3A_1620 = tpu.assume_multiple %shift_left3A_1619, 128 : i32
      %sub3A_1621 = arith.subi %squeeze3A_1613, %multiple_of3A_1620 : i32
      %broadcast_in_dim3A_1622 = vector.broadcast %sub3A_1611 : i32 to vector<16xi32>
      %gather3A_1623 = arith.constant 11 : i32
      %gather3A_1624 = arith.constant 0 : i32
      %gather3A_1625 = arith.constant 0 : i32
      %gather3A_1626 = tpu.memref_slice %arg10[%gather3A_1623, %gather3A_1624, %gather3A_1625] : memref<16x16x128xf32, #tpu.memory_space<vmem>> -> memref<1x16x128xf32, #tpu.memory_space<vmem>>
      %gather3A_1627 = tpu.memref_squeeze %gather3A_1626 : memref<1x16x128xf32, #tpu.memory_space<vmem>> -> memref<16x128xf32, #tpu.memory_space<vmem>>
      %gather3A_1628 = tpu.vector_load_idx %gather3A_1627[%iota3A, %broadcast_in_dim3A_1622] : memref<16x128xf32, #tpu.memory_space<vmem>>[vector<16xi32>, vector<16xi32>], vector<16xf32>,
      %broadcast_in_dim3A_1629 = vector.broadcast %sub3A_1621 : i32 to vector<16xi32>
      %gather3A_1630 = arith.constant 11 : i32
      %gather3A_1631 = arith.constant 0 : i32
      %gather3A_1632 = arith.constant 0 : i32
      %gather3A_1633 = tpu.memref_slice %arg11[%gather3A_1630, %gather3A_1631, %gather3A_1632] : memref<16x16x128xf32, #tpu.memory_space<vmem>> -> memref<1x16x128xf32, #tpu.memory_space<vmem>>
      %gather3A_1634 = tpu.memref_squeeze %gather3A_1633 : memref<1x16x128xf32, #tpu.memory_space<vmem>> -> memref<16x128xf32, #tpu.memory_space<vmem>>
      %gather3A_1635 = tpu.vector_load_idx %gather3A_1634[%iota3A, %broadcast_in_dim3A_1629] : memref<16x128xf32, #tpu.memory_space<vmem>>[vector<16xi32>, vector<16xi32>], vector<16xf32>,
      %mul3A_1636 = arith.mulf %gather3A_1628, %gather3A_1635 : vector<16xf32>
      %reduce_sum3A_1637 = arith.constant true
      %reduce_sum3A_1638 = vector.broadcast %reduce_sum3A_1637 : i1 to vector<16xi1>
      %reduce_sum3A_1639 = tpu.scan <sum>, %mul3A_1636 masked %reduce_sum3A_1638 : vector<16xf32>, vector<16xi1> -> vector<16xf32>
      %reduce_sum3A_1640 = vector.extract %reduce_sum3A_1639[15] : f32 from vector<16xf32>
      %eq3A_1641 = arith.constant 11 : i32
      %eq3A_1642 = vector.broadcast %eq3A_1641 : i32 to vector<16xi32>
      %eq3A_1643 = arith.cmpi eq, %iota3A, %eq3A_1642 : vector<16xi32>
      %broadcast_in_dim3A_1644 = vector.broadcast %reduce_sum3A_1640 : f32 to vector<16xf32>
      %select_n3A_1645 = arith.select %eq3A_1643, %broadcast_in_dim3A_1644, %select_n3A_1601 : vector<16xi1>, vector<16xf32>
      %slice3A_1646 = vector.extract_strided_slice %get3A_1467 {offsets = [12], sizes = [1], strides = [1]} : vector<16xi32> to vector<1xi32>
      %squeeze3A_1647 = vector.extract %slice3A_1646[0] : i32 from vector<1xi32>
      %slice3A_1648 = vector.extract_strided_slice %get3A_1467 {offsets = [12], sizes = [1], strides = [1]} : vector<16xi32> to vector<1xi32>
      %squeeze3A_1649 = vector.extract %slice3A_1648[0] : i32 from vector<1xi32>
      %shift_right_arithmetic3A_1650 = arith.constant 7 : i32
      %shift_right_arithmetic3A_1651 = arith.shrsi %squeeze3A_1649, %shift_right_arithmetic3A_1650 : i32
      %shift_left3A_1652 = arith.constant 7 : i32
      %shift_left3A_1653 = arith.shli %shift_right_arithmetic3A_1651, %shift_left3A_1652 : i32
      %multiple_of3A_1654 = tpu.assume_multiple %shift_left3A_1653, 128 : i32
      %sub3A_1655 = arith.subi %squeeze3A_1647, %multiple_of3A_1654 : i32
      %slice3A_1656 = vector.extract_strided_slice %get3A_1469 {offsets = [12], sizes = [1], strides = [1]} : vector<16xi32> to vector<1xi32>
      %squeeze3A_1657 = vector.extract %slice3A_1656[0] : i32 from vector<1xi32>
      %slice3A_1658 = vector.extract_strided_slice %get3A_1469 {offsets = [12], sizes = [1], strides = [1]} : vector<16xi32> to vector<1xi32>
      %squeeze3A_1659 = vector.extract %slice3A_1658[0] : i32 from vector<1xi32>
      %shift_right_arithmetic3A_1660 = arith.constant 7 : i32
      %shift_right_arithmetic3A_1661 = arith.shrsi %squeeze3A_1659, %shift_right_arithmetic3A_1660 : i32
      %shift_left3A_1662 = arith.constant 7 : i32
      %shift_left3A_1663 = arith.shli %shift_right_arithmetic3A_1661, %shift_left3A_1662 : i32
      %multiple_of3A_1664 = tpu.assume_multiple %shift_left3A_1663, 128 : i32
      %sub3A_1665 = arith.subi %squeeze3A_1657, %multiple_of3A_1664 : i32
      %broadcast_in_dim3A_1666 = vector.broadcast %sub3A_1655 : i32 to vector<16xi32>
      %gather3A_1667 = arith.constant 12 : i32
      %gather3A_1668 = arith.constant 0 : i32
      %gather3A_1669 = arith.constant 0 : i32
      %gather3A_1670 = tpu.memref_slice %arg10[%gather3A_1667, %gather3A_1668, %gather3A_1669] : memref<16x16x128xf32, #tpu.memory_space<vmem>> -> memref<1x16x128xf32, #tpu.memory_space<vmem>>
      %gather3A_1671 = tpu.memref_squeeze %gather3A_1670 : memref<1x16x128xf32, #tpu.memory_space<vmem>> -> memref<16x128xf32, #tpu.memory_space<vmem>>
      %gather3A_1672 = tpu.vector_load_idx %gather3A_1671[%iota3A, %broadcast_in_dim3A_1666] : memref<16x128xf32, #tpu.memory_space<vmem>>[vector<16xi32>, vector<16xi32>], vector<16xf32>,
      %broadcast_in_dim3A_1673 = vector.broadcast %sub3A_1665 : i32 to vector<16xi32>
      %gather3A_1674 = arith.constant 12 : i32
      %gather3A_1675 = arith.constant 0 : i32
      %gather3A_1676 = arith.constant 0 : i32
      %gather3A_1677 = tpu.memref_slice %arg11[%gather3A_1674, %gather3A_1675, %gather3A_1676] : memref<16x16x128xf32, #tpu.memory_space<vmem>> -> memref<1x16x128xf32, #tpu.memory_space<vmem>>
      %gather3A_1678 = tpu.memref_squeeze %gather3A_1677 : memref<1x16x128xf32, #tpu.memory_space<vmem>> -> memref<16x128xf32, #tpu.memory_space<vmem>>
      %gather3A_1679 = tpu.vector_load_idx %gather3A_1678[%iota3A, %broadcast_in_dim3A_1673] : memref<16x128xf32, #tpu.memory_space<vmem>>[vector<16xi32>, vector<16xi32>], vector<16xf32>,
      %mul3A_1680 = arith.mulf %gather3A_1672, %gather3A_1679 : vector<16xf32>
      %reduce_sum3A_1681 = arith.constant true
      %reduce_sum3A_1682 = vector.broadcast %reduce_sum3A_1681 : i1 to vector<16xi1>
      %reduce_sum3A_1683 = tpu.scan <sum>, %mul3A_1680 masked %reduce_sum3A_1682 : vector<16xf32>, vector<16xi1> -> vector<16xf32>
      %reduce_sum3A_1684 = vector.extract %reduce_sum3A_1683[15] : f32 from vector<16xf32>
      %eq3A_1685 = arith.constant 12 : i32
      %eq3A_1686 = vector.broadcast %eq3A_1685 : i32 to vector<16xi32>
      %eq3A_1687 = arith.cmpi eq, %iota3A, %eq3A_1686 : vector<16xi32>
      %broadcast_in_dim3A_1688 = vector.broadcast %reduce_sum3A_1684 : f32 to vector<16xf32>
      %select_n3A_1689 = arith.select %eq3A_1687, %broadcast_in_dim3A_1688, %select_n3A_1645 : vector<16xi1>, vector<16xf32>
      %slice3A_1690 = vector.extract_strided_slice %get3A_1467 {offsets = [13], sizes = [1], strides = [1]} : vector<16xi32> to vector<1xi32>
      %squeeze3A_1691 = vector.extract %slice3A_1690[0] : i32 from vector<1xi32>
      %slice3A_1692 = vector.extract_strided_slice %get3A_1467 {offsets = [13], sizes = [1], strides = [1]} : vector<16xi32> to vector<1xi32>
      %squeeze3A_1693 = vector.extract %slice3A_1692[0] : i32 from vector<1xi32>
      %shift_right_arithmetic3A_1694 = arith.constant 7 : i32
      %shift_right_arithmetic3A_1695 = arith.shrsi %squeeze3A_1693, %shift_right_arithmetic3A_1694 : i32
      %shift_left3A_1696 = arith.constant 7 : i32
      %shift_left3A_1697 = arith.shli %shift_right_arithmetic3A_1695, %shift_left3A_1696 : i32
      %multiple_of3A_1698 = tpu.assume_multiple %shift_left3A_1697, 128 : i32
      %sub3A_1699 = arith.subi %squeeze3A_1691, %multiple_of3A_1698 : i32
      %slice3A_1700 = vector.extract_strided_slice %get3A_1469 {offsets = [13], sizes = [1], strides = [1]} : vector<16xi32> to vector<1xi32>
      %squeeze3A_1701 = vector.extract %slice3A_1700[0] : i32 from vector<1xi32>
      %slice3A_1702 = vector.extract_strided_slice %get3A_1469 {offsets = [13], sizes = [1], strides = [1]} : vector<16xi32> to vector<1xi32>
      %squeeze3A_1703 = vector.extract %slice3A_1702[0] : i32 from vector<1xi32>
      %shift_right_arithmetic3A_1704 = arith.constant 7 : i32
      %shift_right_arithmetic3A_1705 = arith.shrsi %squeeze3A_1703, %shift_right_arithmetic3A_1704 : i32
      %shift_left3A_1706 = arith.constant 7 : i32
      %shift_left3A_1707 = arith.shli %shift_right_arithmetic3A_1705, %shift_left3A_1706 : i32
      %multiple_of3A_1708 = tpu.assume_multiple %shift_left3A_1707, 128 : i32
      %sub3A_1709 = arith.subi %squeeze3A_1701, %multiple_of3A_1708 : i32
      %broadcast_in_dim3A_1710 = vector.broadcast %sub3A_1699 : i32 to vector<16xi32>
      %gather3A_1711 = arith.constant 13 : i32
      %gather3A_1712 = arith.constant 0 : i32
      %gather3A_1713 = arith.constant 0 : i32
      %gather3A_1714 = tpu.memref_slice %arg10[%gather3A_1711, %gather3A_1712, %gather3A_1713] : memref<16x16x128xf32, #tpu.memory_space<vmem>> -> memref<1x16x128xf32, #tpu.memory_space<vmem>>
      %gather3A_1715 = tpu.memref_squeeze %gather3A_1714 : memref<1x16x128xf32, #tpu.memory_space<vmem>> -> memref<16x128xf32, #tpu.memory_space<vmem>>
      %gather3A_1716 = tpu.vector_load_idx %gather3A_1715[%iota3A, %broadcast_in_dim3A_1710] : memref<16x128xf32, #tpu.memory_space<vmem>>[vector<16xi32>, vector<16xi32>], vector<16xf32>,
      %broadcast_in_dim3A_1717 = vector.broadcast %sub3A_1709 : i32 to vector<16xi32>
      %gather3A_1718 = arith.constant 13 : i32
      %gather3A_1719 = arith.constant 0 : i32
      %gather3A_1720 = arith.constant 0 : i32
      %gather3A_1721 = tpu.memref_slice %arg11[%gather3A_1718, %gather3A_1719, %gather3A_1720] : memref<16x16x128xf32, #tpu.memory_space<vmem>> -> memref<1x16x128xf32, #tpu.memory_space<vmem>>
      %gather3A_1722 = tpu.memref_squeeze %gather3A_1721 : memref<1x16x128xf32, #tpu.memory_space<vmem>> -> memref<16x128xf32, #tpu.memory_space<vmem>>
      %gather3A_1723 = tpu.vector_load_idx %gather3A_1722[%iota3A, %broadcast_in_dim3A_1717] : memref<16x128xf32, #tpu.memory_space<vmem>>[vector<16xi32>, vector<16xi32>], vector<16xf32>,
      %mul3A_1724 = arith.mulf %gather3A_1716, %gather3A_1723 : vector<16xf32>
      %reduce_sum3A_1725 = arith.constant true
      %reduce_sum3A_1726 = vector.broadcast %reduce_sum3A_1725 : i1 to vector<16xi1>
      %reduce_sum3A_1727 = tpu.scan <sum>, %mul3A_1724 masked %reduce_sum3A_1726 : vector<16xf32>, vector<16xi1> -> vector<16xf32>
      %reduce_sum3A_1728 = vector.extract %reduce_sum3A_1727[15] : f32 from vector<16xf32>
      %eq3A_1729 = arith.constant 13 : i32
      %eq3A_1730 = vector.broadcast %eq3A_1729 : i32 to vector<16xi32>
      %eq3A_1731 = arith.cmpi eq, %iota3A, %eq3A_1730 : vector<16xi32>
      %broadcast_in_dim3A_1732 = vector.broadcast %reduce_sum3A_1728 : f32 to vector<16xf32>
      %select_n3A_1733 = arith.select %eq3A_1731, %broadcast_in_dim3A_1732, %select_n3A_1689 : vector<16xi1>, vector<16xf32>
      %slice3A_1734 = vector.extract_strided_slice %get3A_1467 {offsets = [14], sizes = [1], strides = [1]} : vector<16xi32> to vector<1xi32>
      %squeeze3A_1735 = vector.extract %slice3A_1734[0] : i32 from vector<1xi32>
      %slice3A_1736 = vector.extract_strided_slice %get3A_1467 {offsets = [14], sizes = [1], strides = [1]} : vector<16xi32> to vector<1xi32>
      %squeeze3A_1737 = vector.extract %slice3A_1736[0] : i32 from vector<1xi32>
      %shift_right_arithmetic3A_1738 = arith.constant 7 : i32
      %shift_right_arithmetic3A_1739 = arith.shrsi %squeeze3A_1737, %shift_right_arithmetic3A_1738 : i32
      %shift_left3A_1740 = arith.constant 7 : i32
      %shift_left3A_1741 = arith.shli %shift_right_arithmetic3A_1739, %shift_left3A_1740 : i32
      %multiple_of3A_1742 = tpu.assume_multiple %shift_left3A_1741, 128 : i32
      %sub3A_1743 = arith.subi %squeeze3A_1735, %multiple_of3A_1742 : i32
      %slice3A_1744 = vector.extract_strided_slice %get3A_1469 {offsets = [14], sizes = [1], strides = [1]} : vector<16xi32> to vector<1xi32>
      %squeeze3A_1745 = vector.extract %slice3A_1744[0] : i32 from vector<1xi32>
      %slice3A_1746 = vector.extract_strided_slice %get3A_1469 {offsets = [14], sizes = [1], strides = [1]} : vector<16xi32> to vector<1xi32>
      %squeeze3A_1747 = vector.extract %slice3A_1746[0] : i32 from vector<1xi32>
      %shift_right_arithmetic3A_1748 = arith.constant 7 : i32
      %shift_right_arithmetic3A_1749 = arith.shrsi %squeeze3A_1747, %shift_right_arithmetic3A_1748 : i32
      %shift_left3A_1750 = arith.constant 7 : i32
      %shift_left3A_1751 = arith.shli %shift_right_arithmetic3A_1749, %shift_left3A_1750 : i32
      %multiple_of3A_1752 = tpu.assume_multiple %shift_left3A_1751, 128 : i32
      %sub3A_1753 = arith.subi %squeeze3A_1745, %multiple_of3A_1752 : i32
      %broadcast_in_dim3A_1754 = vector.broadcast %sub3A_1743 : i32 to vector<16xi32>
      %gather3A_1755 = arith.constant 14 : i32
      %gather3A_1756 = arith.constant 0 : i32
      %gather3A_1757 = arith.constant 0 : i32
      %gather3A_1758 = tpu.memref_slice %arg10[%gather3A_1755, %gather3A_1756, %gather3A_1757] : memref<16x16x128xf32, #tpu.memory_space<vmem>> -> memref<1x16x128xf32, #tpu.memory_space<vmem>>
      %gather3A_1759 = tpu.memref_squeeze %gather3A_1758 : memref<1x16x128xf32, #tpu.memory_space<vmem>> -> memref<16x128xf32, #tpu.memory_space<vmem>>
      %gather3A_1760 = tpu.vector_load_idx %gather3A_1759[%iota3A, %broadcast_in_dim3A_1754] : memref<16x128xf32, #tpu.memory_space<vmem>>[vector<16xi32>, vector<16xi32>], vector<16xf32>,
      %broadcast_in_dim3A_1761 = vector.broadcast %sub3A_1753 : i32 to vector<16xi32>
      %gather3A_1762 = arith.constant 14 : i32
      %gather3A_1763 = arith.constant 0 : i32
      %gather3A_1764 = arith.constant 0 : i32
      %gather3A_1765 = tpu.memref_slice %arg11[%gather3A_1762, %gather3A_1763, %gather3A_1764] : memref<16x16x128xf32, #tpu.memory_space<vmem>> -> memref<1x16x128xf32, #tpu.memory_space<vmem>>
      %gather3A_1766 = tpu.memref_squeeze %gather3A_1765 : memref<1x16x128xf32, #tpu.memory_space<vmem>> -> memref<16x128xf32, #tpu.memory_space<vmem>>
      %gather3A_1767 = tpu.vector_load_idx %gather3A_1766[%iota3A, %broadcast_in_dim3A_1761] : memref<16x128xf32, #tpu.memory_space<vmem>>[vector<16xi32>, vector<16xi32>], vector<16xf32>,
      %mul3A_1768 = arith.mulf %gather3A_1760, %gather3A_1767 : vector<16xf32>
      %reduce_sum3A_1769 = arith.constant true
      %reduce_sum3A_1770 = vector.broadcast %reduce_sum3A_1769 : i1 to vector<16xi1>
      %reduce_sum3A_1771 = tpu.scan <sum>, %mul3A_1768 masked %reduce_sum3A_1770 : vector<16xf32>, vector<16xi1> -> vector<16xf32>
      %reduce_sum3A_1772 = vector.extract %reduce_sum3A_1771[15] : f32 from vector<16xf32>
      %eq3A_1773 = arith.constant 14 : i32
      %eq3A_1774 = vector.broadcast %eq3A_1773 : i32 to vector<16xi32>
      %eq3A_1775 = arith.cmpi eq, %iota3A, %eq3A_1774 : vector<16xi32>
      %broadcast_in_dim3A_1776 = vector.broadcast %reduce_sum3A_1772 : f32 to vector<16xf32>
      %select_n3A_1777 = arith.select %eq3A_1775, %broadcast_in_dim3A_1776, %select_n3A_1733 : vector<16xi1>, vector<16xf32>
      %slice3A_1778 = vector.extract_strided_slice %get3A_1467 {offsets = [15], sizes = [1], strides = [1]} : vector<16xi32> to vector<1xi32>
      %squeeze3A_1779 = vector.extract %slice3A_1778[0] : i32 from vector<1xi32>
      %slice3A_1780 = vector.extract_strided_slice %get3A_1467 {offsets = [15], sizes = [1], strides = [1]} : vector<16xi32> to vector<1xi32>
      %squeeze3A_1781 = vector.extract %slice3A_1780[0] : i32 from vector<1xi32>
      %shift_right_arithmetic3A_1782 = arith.constant 7 : i32
      %shift_right_arithmetic3A_1783 = arith.shrsi %squeeze3A_1781, %shift_right_arithmetic3A_1782 : i32
      %shift_left3A_1784 = arith.constant 7 : i32
      %shift_left3A_1785 = arith.shli %shift_right_arithmetic3A_1783, %shift_left3A_1784 : i32
      %multiple_of3A_1786 = tpu.assume_multiple %shift_left3A_1785, 128 : i32
      %sub3A_1787 = arith.subi %squeeze3A_1779, %multiple_of3A_1786 : i32
      %slice3A_1788 = vector.extract_strided_slice %get3A_1469 {offsets = [15], sizes = [1], strides = [1]} : vector<16xi32> to vector<1xi32>
      %squeeze3A_1789 = vector.extract %slice3A_1788[0] : i32 from vector<1xi32>
      %slice3A_1790 = vector.extract_strided_slice %get3A_1469 {offsets = [15], sizes = [1], strides = [1]} : vector<16xi32> to vector<1xi32>
      %squeeze3A_1791 = vector.extract %slice3A_1790[0] : i32 from vector<1xi32>
      %shift_right_arithmetic3A_1792 = arith.constant 7 : i32
      %shift_right_arithmetic3A_1793 = arith.shrsi %squeeze3A_1791, %shift_right_arithmetic3A_1792 : i32
      %shift_left3A_1794 = arith.constant 7 : i32
      %shift_left3A_1795 = arith.shli %shift_right_arithmetic3A_1793, %shift_left3A_1794 : i32
      %multiple_of3A_1796 = tpu.assume_multiple %shift_left3A_1795, 128 : i32
      %sub3A_1797 = arith.subi %squeeze3A_1789, %multiple_of3A_1796 : i32
      %broadcast_in_dim3A_1798 = vector.broadcast %sub3A_1787 : i32 to vector<16xi32>
      %gather3A_1799 = arith.constant 15 : i32
      %gather3A_1800 = arith.constant 0 : i32
      %gather3A_1801 = arith.constant 0 : i32
      %gather3A_1802 = tpu.memref_slice %arg10[%gather3A_1799, %gather3A_1800, %gather3A_1801] : memref<16x16x128xf32, #tpu.memory_space<vmem>> -> memref<1x16x128xf32, #tpu.memory_space<vmem>>
      %gather3A_1803 = tpu.memref_squeeze %gather3A_1802 : memref<1x16x128xf32, #tpu.memory_space<vmem>> -> memref<16x128xf32, #tpu.memory_space<vmem>>
      %gather3A_1804 = tpu.vector_load_idx %gather3A_1803[%iota3A, %broadcast_in_dim3A_1798] : memref<16x128xf32, #tpu.memory_space<vmem>>[vector<16xi32>, vector<16xi32>], vector<16xf32>,
      %broadcast_in_dim3A_1805 = vector.broadcast %sub3A_1797 : i32 to vector<16xi32>
      %gather3A_1806 = arith.constant 15 : i32
      %gather3A_1807 = arith.constant 0 : i32
      %gather3A_1808 = arith.constant 0 : i32
      %gather3A_1809 = tpu.memref_slice %arg11[%gather3A_1806, %gather3A_1807, %gather3A_1808] : memref<16x16x128xf32, #tpu.memory_space<vmem>> -> memref<1x16x128xf32, #tpu.memory_space<vmem>>
      %gather3A_1810 = tpu.memref_squeeze %gather3A_1809 : memref<1x16x128xf32, #tpu.memory_space<vmem>> -> memref<16x128xf32, #tpu.memory_space<vmem>>
      %gather3A_1811 = tpu.vector_load_idx %gather3A_1810[%iota3A, %broadcast_in_dim3A_1805] : memref<16x128xf32, #tpu.memory_space<vmem>>[vector<16xi32>, vector<16xi32>], vector<16xf32>,
      %mul3A_1812 = arith.mulf %gather3A_1804, %gather3A_1811 : vector<16xf32>
      %reduce_sum3A_1813 = arith.constant true
      %reduce_sum3A_1814 = vector.broadcast %reduce_sum3A_1813 : i1 to vector<16xi1>
      %reduce_sum3A_1815 = tpu.scan <sum>, %mul3A_1812 masked %reduce_sum3A_1814 : vector<16xf32>, vector<16xi1> -> vector<16xf32>
      %reduce_sum3A_1816 = vector.extract %reduce_sum3A_1815[15] : f32 from vector<16xf32>
      %eq3A_1817 = arith.constant 15 : i32
      %eq3A_1818 = vector.broadcast %eq3A_1817 : i32 to vector<16xi32>
      %eq3A_1819 = arith.cmpi eq, %iota3A, %eq3A_1818 : vector<16xi32>
      %broadcast_in_dim3A_1820 = vector.broadcast %reduce_sum3A_1816 : f32 to vector<16xf32>
      %select_n3A_1821 = arith.select %eq3A_1819, %broadcast_in_dim3A_1820, %select_n3A_1777 : vector<16xi1>, vector<16xf32>
      %mul3A_1822 = arith.constant 1.000000e-03 : f32
      %mul3A_1823 = vector.broadcast %mul3A_1822 : f32 to vector<16xf32>
      %mul3A_1824 = arith.mulf %select_n3A_1821, %mul3A_1823 : vector<16xf32>
      %swap3A = arith.index_cast %mul3A_338 : i32 to index
      %swap3A_1825 = tpu.vector_load %arg9[%swap3A] {strides = array<i32>} : memref<512xf32, #tpu.memory_space<vmem>>, vector<16xf32>,
      tpu.vector_store %arg9[%swap3A], %mul3A_1824 {strides = array<i32>} : memref<512xf32, #tpu.memory_space<vmem>>, vector<16xf32>,
      %scan3A_1826 = arith.constant 0 : i32
      scf.yield %scan3A_1826 : i32
    }
    %scan3A_334 = arith.constant 32 : i32
    "tpu.region"() ({
      %run_scoped3A = tpu.sem_alloc : memref<!tpu.dma_semaphore, #tpu.memory_space<semaphore_mem>>
      %dma_start3A_335 = tpu.memref_slice %arg5[%mul3A_2] : memref<16384xf32, #tpu.memory_space<hbm>> -> memref<512xf32, #tpu.memory_space<hbm>>
      %dma_start3A_336 = tpu.memref_slice %arg5[%mul3A_2] : memref<16384xf32, #tpu.memory_space<hbm>> -> memref<512xf32, #tpu.memory_space<hbm>>
      tpu.enqueue_dma source(%arg9 : memref<512xf32, #tpu.memory_space<vmem>>) target(%dma_start3A_336 : memref<512xf32, #tpu.memory_space<hbm>>) target_semaphore(%run_scoped3A : memref<!tpu.dma_semaphore, #tpu.memory_space<semaphore_mem>>)
      %dma_wait3A = tpu.memref_slice %arg5[%mul3A_2] : memref<16384xf32, #tpu.memory_space<hbm>> -> memref<512xf32, #tpu.memory_space<hbm>>
      %dma_wait3A_337 = tpu.memref_slice %arg5[%mul3A_2] : memref<16384xf32, #tpu.memory_space<hbm>> -> memref<512xf32, #tpu.memory_space<hbm>>
      tpu.wait_dma2 semaphore(%run_scoped3A : memref<!tpu.dma_semaphore, #tpu.memory_space<semaphore_mem>>) src(%arg9 : memref<512xf32, #tpu.memory_space<vmem>>) dst(%dma_wait3A_337 : memref<512xf32, #tpu.memory_space<hbm>>)
      tpu.yield
    }) : () -> ()
    return
  }
}

</mosaic_0001>

<sc_bundles>
// kernel: kernel.3.cloned.1.call-start
scs
__scs_entry_jumppad:
0x0: {  	(pc) =	sbr.rel $0x88, $3  }
0x1: {  	(tag) =	ssettag $0x0;
	lr =	simm.s32 $0x1  }
0x2: {  	[smem:$0x3F9E] =	sst lr;
	_ =	strace $0xD0000000  }
0x3: {  	_ = 	snop  }
0x4: {  	_ = 	snop  }
0x5: {  	_ = 	snop  }
0x6: {  	_ = 	snop  }
0x7: {  	_ = 	snop  }
__scs_overlays_trampoline_lowered:
0x8: {  	[smem:$0x3FAD] =	sst s0  }
0x9: {  	[smem:$0x3FAE] =	sst s1  }
0xa: {  	[smem:$0x3FAF] =	sst s2  }
0xb: {  	[smem:$0x3FB0] =	sst s3  }
0xc: {  	[smem:$0x3FB1] =	sst s4  }
0xd: {  	[smem:$0x3FB2] =	sst s5  }
0xe: {  	[smem:$0x3FB3] =	sst s6  }
0xf: {  	[smem:$0x3FB4] =	sst s7  }
0x10: {  	[smem:$0x3FB5] =	sst s8  }
0x11: {  	[smem:$0x3FB6] =	sst s9;
	s0 =	simm.s32 @!p0 $0x0  }
0x12: {  	s1 =	sld [smem:$0x3F9C];
	s0 =	simm.s32 @p0 $0x1  }
0x13: {  	[smem:$0x3FB7] =	sst s0;
	s0 =	simm.s32 @!p1 $0x0  }
0x14: {  	s2 =	sld [smem:$0x3F9B];
	s0 =	simm.s32 @p1 $0x1  }
0x15: {  	[smem:$0x3FB8] =	sst s0;
	s0 =	simm.s32 @!p2 $0x0  }
0x16: {  	s3 =	sld [smem:$0x3FDB];
	s0 =	simm.s32 @p2 $0x1  }
0x17: {  	s4 =	simm.s32 $0x1BF5;
	[smem:$0x3FBA] =	sst s0  }
0x18: {  	s0 =	sld [smem:$0x3F9D];
	_ =	swait.ge [sflag:s4], $0x0  }
0x19: {  	s7 =	sld [smem:$0x3F9E]  }
0x1a: {  	s8 =	sadd.s32 $0xFFFFE003, lr  }
0x1b: {  	s9 =	sadd.s32 $0xFFFFFEF7, lr;
	s5 =	simm.s32 $0xFFFFFFFF;
	p2 =	slt.u32 s8, $0xFFFFF086  }
0x1c: {  	p1 =	slt.u32 s9, $0xF7A;
	s5 =	simm.s32 @!p2 $0x0  }
0x1d: {  	s5 =	simm.s32 @p1 $0x1;
	p0 =	seq.s32 s7, s2  }
0x1e: {  	s7 =	smul.u32 @!p0 $0xF7A, s2;
	p2 =	seq.s32 @!p0 s5, $0x0  }
0x1f: {  	s9 =	smul.u32 $0xF7A, s1;
	s8 =	simm.s32 @!p0 $0x1BF5;
	p2 =	por !p2, p0  }
0x20: {  	[sflag:s8] =	ssyncset.s32 @!p0 $0xFFFFF086;
	s6 =	sadd.s32 @!p0 s3, s7;
	s7 =	simm.s32 @!p0 $0x108  }
0x21: {  	s3 =	sadd.s32 s3, s9;
	s6 =	sadd.s32 @!p0 $0x88, s6;
	s7 =	simm.s32 @p2 $0x1082  }
0x22: {  	[simem:s7], [sflag:s8] =	dma.local @!p0 [hbm:s6], $0xF7A  }
0x23: {  	s9 =	sor.u32 $0xD0000000, s2;
	s6 =	simm.s32 $0x108;
	_ =	swait.ge @!p0 [sflag:s8], $0x0  }
0x24: {  	s3 =	sadd.s32 $0x88, s3;
	s6 =	simm.s32 @!p1 $0x1082;
	[sflag:s4] =	ssyncset.s32 $0xFFFFF086  }
0x25: {  	[simem:s6], [sflag:s4] =	dma.local [hbm:s3], $0xF7A  }
0x26: {  	[smem:$0x3F9E] =	sst s1;
	(tag) =	ssettag s2;
	_ =	strace s9  }
0x27: {  	s1 =	sld [smem:$0x3FAE]  }
0x28: {  	s2 =	sld [smem:$0x3FAF]  }
0x29: {  	s4 =	sld [smem:$0x3FB1]  }
0x2a: {  	p0 =	seq.s32 s5, $0x0;
	s5 =	sld [smem:$0x3FB2]  }
0x2b: {  	s6 =	sld [smem:$0x3FB3]  }
0x2c: {  	s7 =	sld [smem:$0x3FB4]  }
0x2d: {  	s3 =	simm.s32 $0x108;
	s8 =	sld [smem:$0x3FB5]  }
0x2e: {  	s3 =	simm.s32 @!p0 $0x1082;
	s9 =	sld [smem:$0x3FB6]  }
0x2f: {  	lr =	sadd.s32 s0, s3;
	s0 =	sld [smem:$0x3FAD]  }
0x30: {  	s3 =	sld [smem:$0x3FB0]  }
0x31: {  	[smem:$0x3FB9] =	sst s10  }
0x32: {  	s10 =	sld [smem:$0x3FB7];
	_ =	sdelay $0x3  }
0x33: {  	p0 =	seq.s32 s10, $0x1;
	s10 =	sld [smem:$0x3FB9];
	_ =	sdelay $0x3  }
0x34: {  	[smem:$0x3FB9] =	sst s10  }
0x35: {  	s10 =	sld [smem:$0x3FB8];
	_ =	sdelay $0x3  }
0x36: {  	p1 =	seq.s32 s10, $0x1;
	s10 =	sld [smem:$0x3FB9];
	_ =	sdelay $0x3  }
0x37: {  	[smem:$0x3FB9] =	sst s10  }
0x38: {  	s10 =	sld [smem:$0x3FBA]  }
0x39: {  	_ = 	snop;
	(pc) =	sbr.ind lr, $3  }
0x3a: {  	_ = 	snop  }
0x3b: {  	_ = 	snop  }
0x3c: {  	p2 =	seq.s32 s10, $0x1;
	s10 =	sld [smem:$0x3FB9]  }
0x3d: {  	_ =	shalt  }
0x3e: {  	_ =	shalt  }
0x3f: {  	_ =	shalt  }
0x40: {  	_ =	shalt  }
0x41: {  	_ =	shalt  }
0x42: {  	_ =	shalt  }
0x43: {  	_ =	shalt  }
0x44: {  	_ =	shalt  }
0x45: {  	_ =	shalt  }
0x46: {  	_ =	shalt  }
0x47: {  	_ =	shalt  }
0x48: {  	_ =	shalt  }
0x49: {  	_ =	shalt  }
0x4a: {  	_ =	shalt  }
0x4b: {  	_ =	shalt  }
0x4c: {  	_ =	shalt  }
0x4d: {  	_ =	shalt  }
0x4e: {  	_ =	shalt  }
0x4f: {  	_ =	shalt  }
0x50: {  	_ =	shalt  }
0x51: {  	_ =	shalt  }
0x52: {  	_ =	shalt  }
0x53: {  	_ =	shalt  }
0x54: {  	_ =	shalt  }
0x55: {  	_ =	shalt  }
0x56: {  	_ =	shalt  }
0x57: {  	_ =	shalt  }
0x58: {  	_ =	shalt  }
0x59: {  	_ =	shalt  }
0x5a: {  	_ =	shalt  }
0x5b: {  	_ =	shalt  }
0x5c: {  	_ =	shalt  }
0x5d: {  	_ =	shalt  }
0x5e: {  	_ =	shalt  }
0x5f: {  	_ =	shalt  }
0x60: {  	_ =	shalt  }
0x61: {  	_ =	shalt  }
0x62: {  	_ =	shalt  }
0x63: {  	_ =	shalt  }
0x64: {  	_ =	shalt  }
0x65: {  	_ =	shalt  }
0x66: {  	_ =	shalt  }
0x67: {  	_ =	shalt  }
0x68: {  	_ =	shalt  }
0x69: {  	_ =	shalt  }
0x6a: {  	_ =	shalt  }
0x6b: {  	_ =	shalt  }
0x6c: {  	_ =	shalt  }
0x6d: {  	_ =	shalt  }
0x6e: {  	_ =	shalt  }
0x6f: {  	_ =	shalt  }
0x70: {  	_ =	shalt  }
0x71: {  	_ =	shalt  }
0x72: {  	_ =	shalt  }
0x73: {  	_ =	shalt  }
0x74: {  	_ =	shalt  }
0x75: {  	_ =	shalt  }
0x76: {  	_ =	shalt  }
0x77: {  	_ =	shalt  }
0x78: {  	_ =	shalt  }
0x79: {  	_ =	shalt  }
0x7a: {  	_ =	shalt  }
0x7b: {  	_ =	shalt  }
0x7c: {  	_ =	shalt  }
0x7d: {  	_ =	shalt  }
0x7e: {  	_ =	shalt  }
0x7f: {  	_ =	shalt  }
0x80: {  	_ =	shalt  }
0x81: {  	_ =	shalt  }
0x82: {  	_ =	shalt  }
0x83: {  	_ =	shalt  }
0x84: {  	_ =	shalt  }
0x85: {  	_ =	shalt  }
0x86: {  	_ =	shalt  }
0x87: {  	_ =	shalt  }
.Lfunc_end0:
.L_simem_size_0:
called_computation_lowered:
.L_overlay_start_0:
0x88: {  	s2 =	sld [smem:$0x3FD9]  }
0x89: {  	s3 =	sld [smem:$0x3FFE];
	_ =	sdelay $0x1  }
0x8a: {  	s1 =	srdreg.scid  }
0x8b: {  	s0 =	sand.u32 $0x1, s1  }
0x8c: {  	s17 =	sshll.u32 s0, $0xA;
	s2 =	sadd.s32 s3, s2  }
0x8d: {  	s2 =	sadd.s32 s2, s17  }
0x8e: {  	[smem:$0x3FC5] =	sst s2  }
0x8f: {  	_ = 	snop  }
0x90: {  	s2 =	sld [smem:$0x3FC8]  }
0x91: {  	s18 =	sld [smem:$0x3FC7]  }
0x92: {  	s4 =	sld [smem:$0x3FD0];
	(tm) =	ssettm $0x1  }
0x93: {  	s5 =	sld [smem:$0x3FFB];
	_ =	sdelay $0x3  }
0x94: {  	_ =	strace s5  }
0x95: {  	s5 =	sld [smem:$0x3FFC];
	_ =	sdelay $0x3  }
0x96: {  	_ =	strace s5  }
0x97: {  	s5 =	sld [smem:$0x3FFD];
	_ =	sdelay $0x3  }
0x98: {  	_ =	strace s5  }
0x99: {  	_ =	strace $0x8FFFFFFF  }
0x9a: {  	s19 =	sld [smem:$0x3FDB];
	_ =	sdelay $0x1  }
0x9b: {  	s6 =	simm.s32 $_scs_section_size  }
0x9c: {  	s7 =	simm.s32 $_size__tile_overlayer_lowered;
	s8 =	simm.s32 $_tile_overlayer_lowered  }
0x9d: {  	s22 =	simm.s32 $0x1BFF;
	s21 =	sshll.u32 s8, $0x1;
	s5 =	sadd.s32 s6, s19  }
0x9e: {  	s9 =	simm.s32 $0x0;
	s20 =	sshll.u32 s7, $0x1;
	s7 =	sadd.s32 s21, s5  }
0x9f: {  	[timem:s9], [sflag:s22] =	dma.local [hbm:s7], s20  }
0xa0: {  	_ =	swait.ge [sflag:s22], s20  }
0xa1: {  	s6 =	ssub.s32 $0x0, s20;
	[sflag:s22] =	ssyncset.done $0x0  }
0xa2: {  	[sflag:s22] =	ssyncadd.s32 s6;
	_ =	sdelay $0x1  }
0xa3: {  	s23 =	simm.s32 $0x1B8B  }
0xa4: {  	_ =	swait.ge [sflag:s23], $0x1  }
0xa5: {  	[sflag:s23] =	ssyncset.done $0x0  }
0xa6: {  	s25 =	simm.s32 $0x1B8E;
	s24 =	sld [smem:$0x3FFE];
	[sflag:s23] =	ssyncadd.s32 $0xFFFFFFFF  }
0xa7: {  	s26 =	simm.s32 $execute0_lowered;
	[smem:$0x3FD2] =	sst s25  }
0xa8: {  	s7 =	sshll.u32 s26, $0x1;
	_ =	strace $0x80000046;
	[dreg:$0x1] =	wrdreg $0xFFFFFFFF  }
0xa9: {  	s28 =	simm.s32 $_size_execute0_lowered;
	s5 =	sadd.s32 s5, s7;
	[dreg:$0x0] =	wrdreg $0x0  }
0xaa: {  	s7 =	sshll.u32 s28, $0x1;
	[dreg:$0x2] =	wrdreg s5  }
0xab: {  	[dreg:$0x3] =	wrdreg s7  }
0xac: {  	[dreg:$0x4] =	wrdreg $0xC0  }
0xad: {  	_ =	task [dreg:s9], $0x5FFFF  }
0xae: {  	[dreg:$0x1] =	wrdreg $0xFFFFFFFF  }
0xaf: {  	[dreg:$0x0] =	wrdreg $0x60  }
0xb0: {  	[dreg:$0x2] =	wrdreg s24  }
0xb1: {  	[dreg:$0x3] =	wrdreg s2  }
0xb2: {  	[dreg:$0x4] =	wrdreg s18  }
0xb3: {  	[dreg:$0x5] =	wrdreg s4  }
0xb4: {  	[dreg:$0x6] =	wrdreg $0x9  }
0xb5: {  	_ =	task.clear_ibuf [dreg:s9], $0x7FFFF;
	_ =	strace $0x90000046  }
0xb6: {  	s29 =	simm.s32 $0x9;
	_ =	strace $0x80000048  }
0xb7: {  	_ =	swait.ge [sflag:s29], $0x1  }
0xb8: {  	[sflag:s29] =	ssyncadd.s32 $0xFFFFFFFF  }
0xb9: {  	_ =	strace $0x90000048  }
0xba: {  	_ =	sfence  }
0xbb: {  	s30 =	sld [smem:$0x0];
	_ =	sdelay $0x2  }
0xbc: {  	s31 =	sshll.u32 s1, $0xD;
	s1 =	sshrl.u32 s1, $0x2  }
0xbd: {  	s3 =	sand.u32 $0x4000, s31;
	s1 =	sadd.s32 s1, s30  }
0xbe: {  	s0 =	sor.u32 s3, s0;
	s1 =	sshll.u32 s1, $0x11  }
0xbf: {  	s0 =	sor.u32 s1, s0  }
0xc0: {  	s0 =	sadd.s32 $0x8F2B, s0  }
0xc1: {  	[sflag:s0] =	ssyncadd.remote.s32 $0x1  }
0xc2: {  	_ =	sfence.sel $0xFFFF  }
0xc3: {  	[dreg:$0x0] =	wrdreg $0xFFFFFFFF;
	(pc) =	sbr.abs _section_cstart, $3  }
0xc4: {  	[dreg:$0x1] =	wrdreg $0xFFFFFFFF  }
0xc5: {  	_ =	task.clear_ibuf [dreg:s9], $0x2FFFF;
	_ =	strace $0x9FFFFFFF  }
0xc6: {  	(tm) =	ssettm $0x7FFFFFFF  }
0xc7: {  	_ =	shalt  }
tec
execute0_lowered:
.L_overlay_start_1:
0x0: {  	(tag) =	ssettag $0x1  }
0x1: {  	s0 =	rddreg [dreg:$0x0]  }
0x2: {  	s1 =	rddreg [dreg:$0x1]  }
0x3: {  	s3 =	rddreg [dreg:$0x2]  }
0x4: {  	s2 =	rddreg [dreg:$0x3]  }
0x5: {  	s5 =	srdreg.scid;
	s6 =	stileid.u32;
	s4 =	simm.s32 $0x0  }
0x6: {  	s22 =	simm.s32 $0x5;
	s9 =	simm.s32 $0x400;
	s10 =	simm.s32 $0x7A1400  }
0x7: {  	s28 =	simm.s32 $0x4A00;
	s29 =	simm.s32 $0xCA00;
	s30 =	simm.s32 $0x5200  }
0x8: {  	s31 =	simm.s32 $0xD200;
	s8 =	simm.s32 $0xEA00;
	s11 =	simm.s32 $0x7200  }
0x9: {  	s12 =	simm.s32 $0xF200;
	s13 =	simm.s32 $0x7A00;
	s14 =	simm.s32 $0xFA00  }
0xa: {  	s15 =	simm.s32 $0x8200;
	s16 =	simm.s32 $0x10200;
	s17 =	simm.s32 $0x1  }
0xb: {  	s18 =	simm.s32 $0x2;
	s19 =	simm.s32 $0x3;
	s20 =	simm.s32 $0x4  }
0xc: {  	s23 =	simm.s32 $0x0;
	s5 =	sand.u32 $0x1, s5;
	s6 =	sshll.u32 s6, $0x1  }
0xd: {  	[smem:$0x7FF] =	sst s4;
	s6 =	sor.u32 s5, s6;
	s5 =	ssub.s32 $0x2, s5  }
0xe: {  	v1 =	vlaneseq.u32;
	vm0 =	vmmov $0x1;
	vm1 =	vmmov $0x3;
	_ =	strace $0x80000047;
	s7 =	sshll.u32 s6, $0x7;
	s24 =	sshrl.u32 s5, $0x1  }
.Ltmp0:
0xf: {  	vm2 =	vmmov $0x7;
	vm3 =	vmmov $0xf;
	vm4 =	vmmov $0x1f;
	s6 =	sshll.u32 s6, $0x6;
	s0 =	sadd.s32 s7, s0;
	(pc) =	sbr.rel .LBB2_1-.Ltmp0, $4  }
0x10: {  	vm5 =	vmmov $0x3f;
	vm6 =	vmmov $0x7f;
	vm7 =	vcmask $0x2320;
	s5 =	ssub.s32 s5, s24;
	s25 =	sadd.s32 s2, s6;
	s2 =	simm.s32 $0xDA00  }
0x11: {  	vm8 =	vmmov $0x1ff;
	vm9 =	vmmov $0x3ff;
	vm10 =	vmmov $0x7ff;
	s6 =	simm.s32 $0xE200;
	s0 =	sadd.s32 $0x400, s0;
	[dreg:$0x6] =	wrdreg s25  }
0x12: {  	vm11 =	vmmov $0xfff;
	vm12 =	vmmov $0x1fff;
	vm13 =	vmmov $0x3fff;
	s7 =	simm.s32 $0x6A00;
	s26 =	smax.u32 s5, $0x1;
	[dreg:$0x5] =	wrdreg s0  }
0x13: {  	vm14 =	vmmov $0x7fff;
	v0 =	vmul.u32 $0x2, v1;
	v1 =	vmul.u32 $0x80, v1;
	s5 =	simm.s32 $0x6200;
	[dreg:$0x7] =	wrdreg s26;
	s0 =	simm.s32 $0x5A00  }
.LBB2_7:
0x14: {  	s21 =	rddreg [dreg:$0x6];
	s22 =	simm.s32 $0x800  }
0x15: {  	[hbm4b:s21+s4] =	stream.linear.scatter [tilespmem:s22], [sflag:$0x5], $0x200, $0x38;
	[tilespmem:$0x10A00] =	vst v63  }
0x16: {  	s22 =	simm.s32 $0x5  }
0x17: {  	_ =	swait.ge [sflag:s22], $0x200  }
0x18: {  	s23 =	rddreg [dreg:$0x8]  }
0x19: {  	s26 =	rddreg [dreg:$0x7];
	s23 =	sadd.s32 $0x1, s23  }
0x1a: {  	p0 =	sne.s32 s23, s26  }
.Ltmp1:
0x1b: {  	_ = 	snop;
	(pc) =	sbr.rel @!p0 .LBB2_8-.Ltmp1, $3  }
0x1c: {  	_ =	sdelay $0x1  }
0x1d: {  	[sflag:s22] =	ssyncset.done $0x0  }
0x1e: {  	[sflag:s22] =	ssyncadd.s32 $0xFFFFFE00  }
.LBB2_1:
0x1f: {  	v2 =	vmov s4  }
0x20: {  	[dreg:$0x8] =	wrdreg s23;
	v2 =	vshll.u32 v2, $0x1  }
0x21: {  	s21 =	rddreg [dreg:$0x5];
	v2 =	vor.u32 v0, v2  }
0x22: {  	[tilespmem:s4], [sflag:$0x5] =	stream.linear.gather [hbm4b:s21+s4], $0x400, $0x38;
	[tilespmem:$0x10A00] =	vst v63  }
0x23: {  	_ =	swait.ge [sflag:s22], $0x400  }
0x24: {  	[sflag:s22] =	ssyncset.done $0x0  }
0x25: {  	[sflag:s22] =	ssyncadd.s32 $0xFFFFFC00  }
0x26: {  	v3 =	vld.idx.msk [tilespmem:v2+s4+$0x0], $0xffff  }
0x27: {  	v2 =	vor.u32 $0x1, v2;
	_ =	sdelay $0x2  }
0x28: {  	s24 =	simm.s32 $0x10;
	s21 =	simm.s32 $0x420  }
0x29: {  	[tilespmem:s21+$0xFFFFFFE0] =	vst v3;
	v3 =	vmov s24  }
0x2a: {  	v2 =	vld.idx.msk [tilespmem:v2+s4+$0x0], $0xffff;
	v3 =	vshll.u32 v3, $0x1  }
0x2b: {  	v3 =	vor.u32 v0, v3;
	_ =	sdelay $0x2  }
0x2c: {  	s22 =	simm.s32 $0x620  }
0x2d: {  	[tilespmem:s22+$0xFFFFFFE0] =	vst v2  }
0x2e: {  	v2 =	vld.idx.msk [tilespmem:v3+s4+$0x0], $0xffff  }
0x2f: {  	v3 =	vor.u32 $0x1, v3;
	_ =	sdelay $0x2  }
0x30: {  	s25 =	simm.s32 $0x20  }
0x31: {  	[tilespmem:s21+$0xFFFFFFF0] =	vst v2;
	v2 =	vmov s25  }
0x32: {  	v3 =	vld.idx.msk [tilespmem:v3+s4+$0x0], $0xffff;
	v2 =	vshll.u32 v2, $0x1  }
0x33: {  	v2 =	vor.u32 v0, v2;
	_ =	sdelay $0x3  }
0x34: {  	[tilespmem:s22+$0xFFFFFFF0] =	vst v3  }
0x35: {  	v3 =	vld.idx.msk [tilespmem:v2+s4+$0x0], $0xffff  }
0x36: {  	v2 =	vor.u32 $0x1, v2;
	_ =	sdelay $0x2  }
0x37: {  	s26 =	simm.s32 $0x30  }
0x38: {  	[tilespmem:s21+$0x0] =	vst v3;
	v3 =	vmov s26  }
0x39: {  	v2 =	vld.idx.msk [tilespmem:v2+s4+$0x0], $0xffff;
	v3 =	vshll.u32 v3, $0x1  }
0x3a: {  	v3 =	vor.u32 v0, v3;
	_ =	sdelay $0x3  }
0x3b: {  	[tilespmem:s22+$0x0] =	vst v2  }
0x3c: {  	v4 =	vld.idx.msk [tilespmem:v3+s4+$0x0], $0xffff  }
0x3d: {  	v2 =	vor.u32 $0x1, v3;
	_ =	sdelay $0x3  }
0x3e: {  	s23 =	simm.s32 $0x0;
	s24 =	simm.s32 $0x40;
	[tilespmem:s21+$0x10] =	vst v4  }
.LBB2_2:
0x3f: {  	v3 =	vmov s24;
	s23 =	sadd.s32 $0x4, s23;
	v2 =	vld.idx.msk [tilespmem:v2+s4+$0x0], $0xffff  }
0x40: {  	v3 =	vshll.u32 v3, $0x1;
	p0 =	slt.u32 s23, $0x1C  }
0x41: {  	v3 =	vor.u32 v0, v3;
	_ =	sdelay $0x3  }
0x42: {  	[tilespmem:s22+$0x10] =	vst v2  }
0x43: {  	v2 =	vld.idx.msk [tilespmem:v3+s4+$0x0], $0xffff;
	_ =	sdelay $0x1  }
0x44: {  	v3 =	vor.u32 $0x1, v3;
	_ =	sdelay $0x2  }
0x45: {  	s21 =	sadd.s32 $0x40, s21  }
0x46: {  	s25 =	sadd.s32 $0x10, s24;
	[tilespmem:s21+$0xFFFFFFE0] =	vst v2  }
0x47: {  	v2 =	vld.idx.msk [tilespmem:v3+s4+$0x0], $0xffff;
	v3 =	vmov s25  }
0x48: {  	v3 =	vshll.u32 v3, $0x1  }
0x49: {  	v3 =	vor.u32 v0, v3;
	_ =	sdelay $0x2  }
0x4a: {  	s22 =	sadd.s32 $0x40, s22  }
0x4b: {  	[tilespmem:s22+$0xFFFFFFE0] =	vst v2  }
0x4c: {  	v2 =	vld.idx.msk [tilespmem:v3+s4+$0x0], $0xffff;
	_ =	sdelay $0x1  }
0x4d: {  	v3 =	vor.u32 $0x1, v3;
	_ =	sdelay $0x3  }
0x4e: {  	s25 =	sadd.s32 $0x20, s24;
	[tilespmem:s21+$0xFFFFFFF0] =	vst v2  }
0x4f: {  	v2 =	vld.idx.msk [tilespmem:v3+s4+$0x0], $0xffff;
	v3 =	vmov s25  }
0x50: {  	v3 =	vshll.u32 v3, $0x1  }
0x51: {  	v3 =	vor.u32 v0, v3;
	_ =	sdelay $0x3  }
0x52: {  	[tilespmem:s22+$0xFFFFFFF0] =	vst v2  }
0x53: {  	v2 =	vld.idx.msk [tilespmem:v3+s4+$0x0], $0xffff;
	_ =	sdelay $0x1  }
0x54: {  	v3 =	vor.u32 $0x1, v3;
	_ =	sdelay $0x3  }
0x55: {  	s25 =	sadd.s32 $0x30, s24;
	[tilespmem:s21+$0x0] =	vst v2  }
0x56: {  	v2 =	vld.idx.msk [tilespmem:v3+s4+$0x0], $0xffff;
	v3 =	vmov s25  }
0x57: {  	v3 =	vshll.u32 v3, $0x1  }
0x58: {  	v3 =	vor.u32 v0, v3;
	_ =	sdelay $0x3  }
0x59: {  	[tilespmem:s22+$0x0] =	vst v2  }
0x5a: {  	v4 =	vld.idx.msk [tilespmem:v3+s4+$0x0], $0xffff;
	_ =	sdelay $0x1  }
.Ltmp2:
0x5b: {  	v2 =	vor.u32 $0x1, v3;
	(pc) =	sbr.rel @p0 .LBB2_2-.Ltmp2, $2  }
0x5c: {  	_ =	sdelay $0x2  }
0x5d: {  	s24 =	sadd.s32 $0x40, s24;
	[tilespmem:s21+$0x10] =	vst v4  }
0x5e: {  	_ =	sdelay $0x3  }
0x5f: {  	v2 =	vld.idx.msk [tilespmem:v2+s4+$0x0], $0xffff;
	_ =	sdelay $0x4  }
0x60: {  	[tilespmem:s22+$0x10] =	vst v2  }
0x61: {  	v2 =	vld [tilespmem:$0x400];
	_ =	sdelay $0x1  }
0x62: {  	v3 =	vld [tilespmem:$0x600];
	_ =	sdelay $0x2  }
0x63: {  	(v2sf) =	vpush v2, $0x0;
	_ =	sdelay $0x1  }
0x64: {  	(v2sf) =	vpush v3, $0x0;
	_ =	sdelay $0x1  }
0x65: {  	(v2sf) =	vpush v2, $0x1;
	_ =	sdelay $0x4  }
0x66: {  	(v2sf) =	vpush v3, $0x1;
	_ =	sdelay $0x5  }
0x67: {  	s21 =	spop (v2sf);
	(v2sf) =	vpush v2, $0x2;
	_ =	sdelay $0x1  }
0x68: {  	s24 =	spop (v2sf);
	(v2sf) =	vpush v3, $0x2;
	_ =	sdelay $0x1  }
0x69: {  	s22 =	spop (v2sf);
	(v2sf) =	vpush v2, $0x3;
	_ =	sdelay $0x1  }
0x6a: {  	s21 =	sand.u32 $0xFFFFF80, s21  }
0x6b: {  	s25 =	simm.s32 $0xA00;
	s21 =	sadd.s32 s1, s21  }
0x6c: {  	[tilespmem:s25], [sflag:$0x1] =	stream.strided.gather [hbm4b:s21+s9], $0x800, s10, s9, $0x38;
	[tilespmem:$0x10A00] =	vst v63  }
0x6d: {  	s21 =	sand.u32 $0xFFFFF80, s24;
	s24 =	spop (v2sf);
	(v2sf) =	vpush v3, $0x3  }
0x6e: {  	s26 =	simm.s32 $0x8A00;
	s21 =	sadd.s32 s3, s21  }
0x6f: {  	[tilespmem:s26], [sflag:$0x2] =	stream.strided.gather [hbm4b:s21+s9], $0x800, s10, s9, $0x38;
	[tilespmem:$0x10A00] =	vst v63  }
0x70: {  	s21 =	sand.u32 $0xFFFFF80, s22  }
0x71: {  	s23 =	simm.s32 $0x1200;
	s21 =	sadd.s32 s1, s21  }
0x72: {  	[tilespmem:s23], [sflag:$0x1] =	stream.strided.gather [hbm4b:s21+s9], $0x800, s10, s9, $0x38;
	[tilespmem:$0x10A00] =	vst v63  }
0x73: {  	s22 =	spop (v2sf);
	(v2sf) =	vpush v2, $0x4  }
0x74: {  	s21 =	sand.u32 $0xFFFFF80, s24  }
0x75: {  	s26 =	simm.s32 $0x9200;
	s21 =	sadd.s32 s3, s21;
	s24 =	spop (v2sf);
	(v2sf) =	vpush v3, $0x4  }
0x76: {  	[tilespmem:s26], [sflag:$0x2] =	stream.strided.gather [hbm4b:s21+s9], $0x800, s10, s9, $0x38;
	[tilespmem:$0x10A00] =	vst v63  }
0x77: {  	s21 =	sand.u32 $0xFFFFF80, s22;
	s22 =	spop (v2sf);
	(v2sf) =	vpush v2, $0x5;
	_ =	sdelay $0x1  }
0x78: {  	s23 =	simm.s32 $0x1A00;
	s21 =	sadd.s32 s1, s21  }
0x79: {  	[tilespmem:s23], [sflag:$0x1] =	stream.strided.gather [hbm4b:s21+s9], $0x800, s10, s9, $0x38;
	[tilespmem:$0x10A00] =	vst v63  }
0x7a: {  	s21 =	sand.u32 $0xFFFFF80, s24  }
0x7b: {  	s26 =	simm.s32 $0x9A00;
	s24 =	spop (v2sf);
	s21 =	sadd.s32 s3, s21  }
0x7c: {  	(v2sf) =	vpush v3, $0x5;
	[tilespmem:s26], [sflag:$0x2] =	stream.strided.gather [hbm4b:s21+s9], $0x800, s10, s9, $0x38;
	[tilespmem:$0x10A00] =	vst v63  }
0x7d: {  	s21 =	sand.u32 $0xFFFFF80, s22  }
0x7e: {  	s23 =	simm.s32 $0x2200;
	s21 =	sadd.s32 s1, s21  }
0x7f: {  	[tilespmem:s23], [sflag:$0x1] =	stream.strided.gather [hbm4b:s21+s9], $0x800, s10, s9, $0x38;
	[tilespmem:$0x10A00] =	vst v63  }
0x80: {  	s21 =	sand.u32 $0xFFFFF80, s24  }
0x81: {  	s26 =	simm.s32 $0xA200;
	s21 =	sadd.s32 s3, s21;
	s22 =	spop (v2sf);
	(v2sf) =	vpush v2, $0x6  }
0x82: {  	[tilespmem:s26], [sflag:$0x2] =	stream.strided.gather [hbm4b:s21+s9], $0x800, s10, s9, $0x38;
	[tilespmem:$0x10A00] =	vst v63  }
0x83: {  	s24 =	spop (v2sf);
	(v2sf) =	vpush v3, $0x6  }
0x84: {  	s21 =	sand.u32 $0xFFFFF80, s22  }
0x85: {  	s23 =	simm.s32 $0x2A00;
	s21 =	sadd.s32 s1, s21;
	s22 =	spop (v2sf)  }
0x86: {  	(v2sf) =	vpush v2, $0x7;
	[tilespmem:s23], [sflag:$0x1] =	stream.strided.gather [hbm4b:s21+s9], $0x800, s10, s9, $0x38;
	[tilespmem:$0x10A00] =	vst v63  }
0x87: {  	s21 =	sand.u32 $0xFFFFF80, s24  }
0x88: {  	s26 =	simm.s32 $0xAA00;
	s21 =	sadd.s32 s3, s21  }
0x89: {  	[tilespmem:s26], [sflag:$0x2] =	stream.strided.gather [hbm4b:s21+s9], $0x800, s10, s9, $0x38;
	[tilespmem:$0x10A00] =	vst v63  }
0x8a: {  	s21 =	sand.u32 $0xFFFFF80, s22  }
0x8b: {  	s23 =	simm.s32 $0x3200;
	s24 =	spop (v2sf);
	(v2sf) =	vpush v3, $0x7;
	s21 =	sadd.s32 s1, s21  }
0x8c: {  	[tilespmem:s23], [sflag:$0x1] =	stream.strided.gather [hbm4b:s21+s9], $0x800, s10, s9, $0x38;
	[tilespmem:$0x10A00] =	vst v63  }
0x8d: {  	s21 =	sand.u32 $0xFFFFF80, s24  }
0x8e: {  	s26 =	simm.s32 $0xB200;
	s21 =	sadd.s32 s3, s21  }
0x8f: {  	[tilespmem:s26], [sflag:$0x2] =	stream.strided.gather [hbm4b:s21+s9], $0x800, s10, s9, $0x38;
	[tilespmem:$0x10A00] =	vst v63  }
0x90: {  	s22 =	spop (v2sf)  }
0x91: {  	s21 =	sand.u32 $0xFFFFF80, s22  }
0x92: {  	s23 =	simm.s32 $0x3A00;
	s24 =	spop (v2sf);
	s21 =	sadd.s32 s1, s21  }
0x93: {  	[tilespmem:s23], [sflag:$0x1] =	stream.strided.gather [hbm4b:s21+s9], $0x800, s10, s9, $0x38;
	[tilespmem:$0x10A00] =	vst v63  }
0x94: {  	s21 =	sand.u32 $0xFFFFF80, s24  }
0x95: {  	s26 =	simm.s32 $0xBA00;
	s22 =	spop (v2sf);
	s21 =	sadd.s32 s3, s21  }
0x96: {  	[tilespmem:s26], [sflag:$0x2] =	stream.strided.gather [hbm4b:s21+s9], $0x800, s10, s9, $0x38;
	[tilespmem:$0x10A00] =	vst v63  }
0x97: {  	s21 =	sand.u32 $0xFFFFF80, s22  }
0x98: {  	s23 =	simm.s32 $0x4200;
	s21 =	sadd.s32 s1, s21  }
0x99: {  	[tilespmem:s23], [sflag:$0x1] =	stream.strided.gather [hbm4b:s21+s9], $0x800, s10, s9, $0x38;
	[tilespmem:$0x10A00] =	vst v63  }
.Ltmp3:
0x9a: {  	s24 =	spop (v2sf);
	(pc) =	sbr.rel .LBB2_4-.Ltmp3, $4  }
0x9b: {  	s21 =	sand.u32 $0xFFFFF80, s24  }
0x9c: {  	s26 =	simm.s32 $0xC200;
	s21 =	sadd.s32 s3, s21  }
0x9d: {  	[tilespmem:s26], [sflag:$0x2] =	stream.strided.gather [hbm4b:s21+s9], $0x800, s10, s9, $0x38;
	[tilespmem:$0x10A00] =	vst v63  }
0x9e: {  	s21 =	simm.s32 $0x0  }
.LBB2_6:
0x9f: {  	_ =	swait.ge [sflag:s19], $0x800  }
0xa0: {  	[sflag:s19] =	ssyncset.done $0x0  }
0xa1: {  	[sflag:s19] =	ssyncadd.s32 $0xFFFFF800  }
0xa2: {  	_ =	swait.ge [sflag:s20], $0x800  }
0xa3: {  	[sflag:s20] =	ssyncset.done $0x0  }
0xa4: {  	[sflag:s20] =	ssyncadd.s32 $0xFFFFF800  }
0xa5: {  	_ =	swait.ge [sflag:s19], $0x800  }
0xa6: {  	[sflag:s19] =	ssyncset.done $0x0  }
0xa7: {  	[sflag:s19] =	ssyncadd.s32 $0xFFFFF800  }
0xa8: {  	_ =	swait.ge [sflag:s20], $0x800  }
0xa9: {  	[sflag:s20] =	ssyncset.done $0x0  }
0xaa: {  	[sflag:s20] =	ssyncadd.s32 $0xFFFFF800  }
0xab: {  	_ =	swait.ge [sflag:s19], $0x800  }
0xac: {  	[sflag:s19] =	ssyncset.done $0x0  }
0xad: {  	[sflag:s19] =	ssyncadd.s32 $0xFFFFF800  }
0xae: {  	_ =	swait.ge [sflag:s20], $0x800  }
0xaf: {  	[sflag:s20] =	ssyncset.done $0x0  }
0xb0: {  	[sflag:s20] =	ssyncadd.s32 $0xFFFFF800  }
0xb1: {  	_ =	swait.ge [sflag:s19], $0x800  }
0xb2: {  	[sflag:s19] =	ssyncset.done $0x0  }
0xb3: {  	[sflag:s19] =	ssyncadd.s32 $0xFFFFF800  }
0xb4: {  	_ =	swait.ge [sflag:s20], $0x800  }
0xb5: {  	[sflag:s20] =	ssyncset.done $0x0  }
0xb6: {  	[sflag:s20] =	ssyncadd.s32 $0xFFFFF800  }
0xb7: {  	_ =	swait.ge [sflag:s19], $0x800  }
0xb8: {  	[sflag:s19] =	ssyncset.done $0x0  }
0xb9: {  	[sflag:s19] =	ssyncadd.s32 $0xFFFFF800  }
0xba: {  	_ =	swait.ge [sflag:s20], $0x800  }
0xbb: {  	[sflag:s20] =	ssyncset.done $0x0  }
0xbc: {  	[sflag:s20] =	ssyncadd.s32 $0xFFFFF800  }
0xbd: {  	_ =	swait.ge [sflag:s19], $0x800  }
0xbe: {  	[sflag:s19] =	ssyncset.done $0x0  }
0xbf: {  	[sflag:s19] =	ssyncadd.s32 $0xFFFFF800  }
0xc0: {  	_ =	swait.ge [sflag:s20], $0x800  }
0xc1: {  	[sflag:s20] =	ssyncset.done $0x0  }
0xc2: {  	[sflag:s20] =	ssyncadd.s32 $0xFFFFF800  }
0xc3: {  	_ =	swait.ge [sflag:s19], $0x800  }
0xc4: {  	[sflag:s19] =	ssyncset.done $0x0  }
0xc5: {  	[sflag:s19] =	ssyncadd.s32 $0xFFFFF800  }
0xc6: {  	_ =	swait.ge [sflag:s20], $0x800  }
0xc7: {  	[sflag:s20] =	ssyncset.done $0x0  }
0xc8: {  	[sflag:s20] =	ssyncadd.s32 $0xFFFFF800  }
0xc9: {  	_ =	swait.ge [sflag:s19], $0x800  }
0xca: {  	[sflag:s19] =	ssyncset.done $0x0  }
0xcb: {  	[sflag:s19] =	ssyncadd.s32 $0xFFFFF800  }
0xcc: {  	_ =	swait.ge [sflag:s20], $0x800  }
0xcd: {  	[sflag:s20] =	ssyncset.done $0x0  }
0xce: {  	[sflag:s20] =	ssyncadd.s32 $0xFFFFF800  }
0xcf: {  	v10 =	vld [tilespmem:s22+$0x400]  }
0xd0: {  	v11 =	vld [tilespmem:s22+$0x600];
	_ =	sdelay $0x3  }
0xd1: {  	(v2sf) =	vpush v10, $0x8  }
0xd2: {  	(v2sf) =	vpush v11, $0x8  }
0xd3: {  	(v2sf) =	vpush v10, $0x9  }
0xd4: {  	(v2sf) =	vpush v11, $0x9  }
0xd5: {  	(v2sf) =	vpush v10, $0xA  }
0xd6: {  	(v2sf) =	vpush v11, $0xA  }
0xd7: {  	(v2sf) =	vpush v10, $0xB  }
0xd8: {  	(v2sf) =	vpush v11, $0xB  }
0xd9: {  	(v2sf) =	vpush v10, $0xC  }
0xda: {  	(v2sf) =	vpush v11, $0xC  }
0xdb: {  	(v2sf) =	vpush v10, $0xD  }
0xdc: {  	(v2sf) =	vpush v11, $0xD  }
0xdd: {  	(v2sf) =	vpush v10, $0xE  }
0xde: {  	(v2sf) =	vpush v11, $0xE;
	_ =	sdelay $0x1  }
0xdf: {  	s23 =	spop (v2sf);
	(v2sf) =	vpush v10, $0xF  }
0xe0: {  	s23 =	sand.u32 $0x7F, s23;
	s24 =	spop (v2sf);
	(v2sf) =	vpush v11, $0xF  }
0xe1: {  	s24 =	sand.u32 $0x7F, s24;
	v43 =	vor.u32 s23, v1;
	s23 =	spop (v2sf)  }
0xe2: {  	v44 =	vor.u32 s24, v1;
	s26 =	spop (v2sf);
	s23 =	sand.u32 $0x7F, s23  }
0xe3: {  	v12 =	vor.u32 s23, v1;
	s23 =	spop (v2sf);
	s24 =	sand.u32 $0x7F, s26  }
0xe4: {  	v13 =	vor.u32 s24, v1;
	s26 =	spop (v2sf);
	s23 =	sand.u32 $0x7F, s23  }
0xe5: {  	v14 =	vor.u32 s23, v1;
	s23 =	spop (v2sf);
	s24 =	sand.u32 $0x7F, s26  }
0xe6: {  	v15 =	vor.u32 s24, v1;
	s26 =	spop (v2sf);
	v10 =	vld.idx.msk [tilespmem:v43+s28+$0x0], $0xffff;
	s23 =	sand.u32 $0x7F, s23  }
0xe7: {  	v16 =	vor.u32 s23, v1;
	s23 =	spop (v2sf);
	v11 =	vld.idx.msk [tilespmem:v44+s29+$0x0], $0xffff;
	s24 =	sand.u32 $0x7F, s26  }
0xe8: {  	v17 =	vor.u32 s24, v1;
	s26 =	spop (v2sf);
	v12 =	vld.idx.msk [tilespmem:v12+s30+$0x0], $0xffff;
	s23 =	sand.u32 $0x7F, s23  }
0xe9: {  	v18 =	vor.u32 s23, v1;
	s23 =	spop (v2sf);
	v13 =	vld.idx.msk [tilespmem:v13+s31+$0x0], $0xffff;
	s24 =	sand.u32 $0x7F, s26  }
0xea: {  	v19 =	vor.u32 s24, v1;
	s26 =	spop (v2sf);
	v14 =	vld.idx.msk [tilespmem:v14+s0+$0x0], $0xffff;
	s23 =	sand.u32 $0x7F, s23  }
0xeb: {  	v20 =	vor.u32 s23, v1;
	s23 =	spop (v2sf);
	v15 =	vld.idx.msk [tilespmem:v15+s2+$0x0], $0xffff;
	s24 =	sand.u32 $0x7F, s26  }
0xec: {  	v21 =	vor.u32 s24, v1;
	s26 =	spop (v2sf);
	v16 =	vld.idx.msk [tilespmem:v16+s5+$0x0], $0xffff;
	s23 =	sand.u32 $0x7F, s23  }
0xed: {  	v17 =	vld.idx.msk [tilespmem:v17+s6+$0x0], $0xffff;
	s24 =	sand.u32 $0x7F, s26;
	v22 =	vor.u32 s23, v1  }
0xee: {  	v18 =	vld.idx.msk [tilespmem:v18+s7+$0x0], $0xffff;
	v23 =	vor.u32 s24, v1;
	s24 =	spop (v2sf)  }
0xef: {  	v19 =	vld.idx.msk [tilespmem:v19+s8+$0x0], $0xffff;
	s23 =	sand.u32 $0x7F, s24;
	s26 =	spop (v2sf)  }
0xf0: {  	v20 =	vld.idx.msk [tilespmem:v20+s11+$0x0], $0xffff;
	s24 =	sand.u32 $0x7F, s26;
	v24 =	vor.u32 s23, v1  }
0xf1: {  	v10 =	vmul.f32 v11, v10;
	v21 =	vld.idx.msk [tilespmem:v21+s12+$0x0], $0xffff;
	v25 =	vor.u32 s24, v1  }
0xf2: {  	v12 =	vmul.f32 v13, v12;
	v22 =	vld.idx.msk [tilespmem:v22+s13+$0x0], $0xffff  }
0xf3: {  	(xrf2) =	vadd.scan.msk.f32 $0xffff, v10;
	v46 =	vmul.f32 v15, v14;
	v45 =	vld.idx.msk [tilespmem:v23+s14+$0x0], $0xffff  }
0xf4: {  	(xrf2) =	vadd.scan.msk.f32 $0xffff, v12;
	v47 =	vmul.f32 v17, v16  }
0xf5: {  	(xrf2) =	vadd.scan.msk.f32 $0xffff, v46;
	v49 =	vmul.f32 v19, v18;
	v48 =	vld.idx.msk [tilespmem:v24+s15+$0x0], $0xffff  }
0xf6: {  	(xrf2) =	vadd.scan.msk.f32 $0xffff, v47;
	v50 =	vld.idx.msk [tilespmem:v25+s16+$0x0], $0xffff;
	v51 =	vmul.f32 v21, v20  }
0xf7: {  	v8 =	vbroadcast v8, $0xF;
	v9 =	vbroadcast v9, $0xF;
	(xrf2) =	vadd.scan.msk.f32 $0xffff, v49  }
0xf8: {  	v7 =	vbroadcast v7, $0xF;
	v11 =	vmul.f32 v45, v22;
	(xrf2) =	vadd.scan.msk.f32 $0xffff, v51  }
0xf9: {  	v6 =	vbroadcast v6, $0xF;
	v8 =	vsel vm0, v8, v9  }
0xfa: {  	v5 =	vbroadcast v5, $0xF;
	v7 =	vsel vm1, v8, v7;
	(xrf2) =	vadd.scan.msk.f32 $0xffff, v11  }
0xfb: {  	v4 =	vbroadcast v4, $0xF;
	v6 =	vsel vm2, v7, v6;
	v52 =	vmul.f32 v50, v48  }
0xfc: {  	v3 =	vbroadcast v3, $0xF;
	v5 =	vsel vm3, v6, v5  }
0xfd: {  	v2 =	vbroadcast v2, $0xF;
	v4 =	vsel vm4, v5, v4;
	v53, _, _ =	vpop (xrf2);
	(xrf2) =	vadd.scan.msk.f32 $0xffff, v52  }
0xfe: {  	v3 =	vsel vm5, v4, v3;
	v55 =	vbroadcast v53, $0xF;
	v54, _, _ =	vpop (xrf2)  }
0xff: {  	v2 =	vsel vm6, v3, v2;
	v3 =	vbroadcast v54, $0xF;
	v56, _, _ =	vpop (xrf2)  }
0x100: {  	v2 =	vsel vm7, v55, v2;
	v58 =	vbroadcast v56, $0xF;
	v57, _, _ =	vpop (xrf2)  }
0x101: {  	v2 =	vsel vm8, v2, v3;
	v3 =	vbroadcast v57, $0xF;
	v59, _, _ =	vpop (xrf2)  }
0x102: {  	v2 =	vsel vm9, v2, v58;
	v60, _, _ =	vpop (xrf2)  }
0x103: {  	v61 =	vbroadcast v59, $0xF;
	v2 =	vsel vm10, v2, v3;
	v3 =	vbroadcast v60, $0xF  }
0x104: {  	v62, _, _ =	vpop (xrf2)  }
0x105: {  	s21 =	sadd.s32 $0x40, s21;
	v2 =	vsel vm11, v2, v61;
	v63 =	vbroadcast v62, $0xF  }
0x106: {  	p0 =	sne.s32 s21, $0x800;
	v2 =	vsel vm12, v2, v3  }
.Ltmp4:
0x107: {  	v2 =	vsel vm13, v2, v63;
	v3, _, _ =	vpop (xrf2);
	(pc) =	sbr.rel @!p0 .LBB2_7-.Ltmp4, $3  }
0x108: {  	v2 =	vsel vm14, v2, v3  }
0x109: {  	v2 =	vmul.f32 $1.000000050e-03, v2;
	_ =	sdelay $0x1  }
0x10a: {  	[tilespmem:s22+$0x800] =	vst v2  }
.LBB2_4:
0x10b: {  	s22 =	sshra.s32 s21, $0x2  }
0x10c: {  	v2 =	vld [tilespmem:s22+$0x400];
	_ =	sdelay $0x1  }
0x10d: {  	v3 =	vld [tilespmem:s22+$0x600];
	_ =	sdelay $0x2  }
0x10e: {  	(v2sf) =	vpush v2, $0x8;
	_ =	sdelay $0x1  }
0x10f: {  	(v2sf) =	vpush v3, $0x8;
	_ =	sdelay $0x2  }
0x110: {  	(v2sf) =	vpush v2, $0x9;
	_ =	sdelay $0x2  }
0x111: {  	(v2sf) =	vpush v3, $0x9;
	_ =	sdelay $0x2  }
0x112: {  	(v2sf) =	vpush v2, $0xA;
	_ =	sdelay $0x2  }
0x113: {  	(v2sf) =	vpush v3, $0xA  }
0x114: {  	s23 =	spop (v2sf)  }
0x115: {  	s23 =	sand.u32 $0xFFFFF80, s23  }
0x116: {  	(v2sf) =	vpush v2, $0xB;
	s24 =	spop (v2sf);
	s23 =	sadd.s32 s1, s23  }
0x117: {  	[tilespmem:s28], [sflag:$0x3] =	stream.strided.gather [hbm4b:s23+s9], $0x800, s10, s9, $0x38;
	[tilespmem:$0x10A00] =	vst v63  }
0x118: {  	s23 =	sand.u32 $0xFFFFF80, s24  }
0x119: {  	(v2sf) =	vpush v3, $0xB;
	s26 =	spop (v2sf);
	s23 =	sadd.s32 s3, s23  }
0x11a: {  	[tilespmem:s29], [sflag:$0x4] =	stream.strided.gather [hbm4b:s23+s9], $0x800, s10, s9, $0x38;
	[tilespmem:$0x10A00] =	vst v63  }
0x11b: {  	s23 =	sand.u32 $0xFFFFF80, s26  }
0x11c: {  	(v2sf) =	vpush v2, $0xC;
	s24 =	spop (v2sf);
	s23 =	sadd.s32 s1, s23  }
0x11d: {  	[tilespmem:s30], [sflag:$0x3] =	stream.strided.gather [hbm4b:s23+s9], $0x800, s10, s9, $0x38;
	[tilespmem:$0x10A00] =	vst v63  }
0x11e: {  	s23 =	sand.u32 $0xFFFFF80, s24  }
0x11f: {  	(v2sf) =	vpush v3, $0xC;
	s26 =	spop (v2sf);
	s23 =	sadd.s32 s3, s23  }
0x120: {  	[tilespmem:s31], [sflag:$0x4] =	stream.strided.gather [hbm4b:s23+s9], $0x800, s10, s9, $0x38;
	[tilespmem:$0x10A00] =	vst v63  }
0x121: {  	s23 =	sand.u32 $0xFFFFF80, s26  }
0x122: {  	(v2sf) =	vpush v2, $0xD;
	s24 =	spop (v2sf);
	s23 =	sadd.s32 s1, s23  }
0x123: {  	[tilespmem:s0], [sflag:$0x3] =	stream.strided.gather [hbm4b:s23+s9], $0x800, s10, s9, $0x38;
	[tilespmem:$0x10A00] =	vst v63  }
0x124: {  	s23 =	sand.u32 $0xFFFFF80, s24  }
0x125: {  	(v2sf) =	vpush v3, $0xD;
	s26 =	spop (v2sf);
	s23 =	sadd.s32 s3, s23  }
0x126: {  	[tilespmem:s2], [sflag:$0x4] =	stream.strided.gather [hbm4b:s23+s9], $0x800, s10, s9, $0x38;
	[tilespmem:$0x10A00] =	vst v63  }
0x127: {  	s23 =	sand.u32 $0xFFFFF80, s26  }
0x128: {  	(v2sf) =	vpush v2, $0xE;
	s24 =	spop (v2sf);
	s23 =	sadd.s32 s1, s23  }
0x129: {  	[tilespmem:s5], [sflag:$0x3] =	stream.strided.gather [hbm4b:s23+s9], $0x800, s10, s9, $0x38;
	[tilespmem:$0x10A00] =	vst v63  }
0x12a: {  	s23 =	sand.u32 $0xFFFFF80, s24  }
0x12b: {  	(v2sf) =	vpush v3, $0xE;
	s26 =	spop (v2sf);
	s23 =	sadd.s32 s3, s23  }
0x12c: {  	[tilespmem:s6], [sflag:$0x4] =	stream.strided.gather [hbm4b:s23+s9], $0x800, s10, s9, $0x38;
	[tilespmem:$0x10A00] =	vst v63  }
0x12d: {  	s23 =	sand.u32 $0xFFFFF80, s26  }
0x12e: {  	(v2sf) =	vpush v2, $0xF;
	s24 =	spop (v2sf);
	s23 =	sadd.s32 s1, s23  }
0x12f: {  	[tilespmem:s7], [sflag:$0x3] =	stream.strided.gather [hbm4b:s23+s9], $0x800, s10, s9, $0x38;
	[tilespmem:$0x10A00] =	vst v63  }
0x130: {  	s23 =	sand.u32 $0xFFFFF80, s24  }
0x131: {  	(v2sf) =	vpush v3, $0xF;
	s26 =	spop (v2sf);
	s23 =	sadd.s32 s3, s23  }
0x132: {  	[tilespmem:s8], [sflag:$0x4] =	stream.strided.gather [hbm4b:s23+s9], $0x800, s10, s9, $0x38;
	[tilespmem:$0x10A00] =	vst v63  }
0x133: {  	s23 =	sand.u32 $0xFFFFF80, s26  }
0x134: {  	s24 =	spop (v2sf);
	s23 =	sadd.s32 s1, s23  }
0x135: {  	[tilespmem:s11], [sflag:$0x3] =	stream.strided.gather [hbm4b:s23+s9], $0x800, s10, s9, $0x38;
	[tilespmem:$0x10A00] =	vst v63  }
0x136: {  	s23 =	sand.u32 $0xFFFFF80, s24  }
0x137: {  	s26 =	spop (v2sf);
	s23 =	sadd.s32 s3, s23  }
0x138: {  	[tilespmem:s12], [sflag:$0x4] =	stream.strided.gather [hbm4b:s23+s9], $0x800, s10, s9, $0x38;
	[tilespmem:$0x10A00] =	vst v63  }
0x139: {  	s23 =	sand.u32 $0xFFFFF80, s26  }
0x13a: {  	s24 =	spop (v2sf);
	s23 =	sadd.s32 s1, s23  }
0x13b: {  	[tilespmem:s13], [sflag:$0x3] =	stream.strided.gather [hbm4b:s23+s9], $0x800, s10, s9, $0x38;
	[tilespmem:$0x10A00] =	vst v63  }
0x13c: {  	s23 =	sand.u32 $0xFFFFF80, s24  }
0x13d: {  	s26 =	spop (v2sf);
	s23 =	sadd.s32 s3, s23  }
0x13e: {  	[tilespmem:s14], [sflag:$0x4] =	stream.strided.gather [hbm4b:s23+s9], $0x800, s10, s9, $0x38;
	[tilespmem:$0x10A00] =	vst v63  }
0x13f: {  	s23 =	sand.u32 $0xFFFFF80, s26  }
0x140: {  	s24 =	spop (v2sf);
	s23 =	sadd.s32 s1, s23  }
0x141: {  	[tilespmem:s15], [sflag:$0x3] =	stream.strided.gather [hbm4b:s23+s9], $0x800, s10, s9, $0x38;
	[tilespmem:$0x10A00] =	vst v63  }
0x142: {  	s23 =	sand.u32 $0xFFFFF80, s24  }
0x143: {  	s23 =	sadd.s32 s3, s23  }
0x144: {  	[tilespmem:s16], [sflag:$0x4] =	stream.strided.gather [hbm4b:s23+s9], $0x800, s10, s9, $0x38;
	[tilespmem:$0x10A00] =	vst v63  }
0x145: {  	_ =	swait.ge [sflag:s17], $0x800  }
0x146: {  	[sflag:s17] =	ssyncset.done $0x0  }
0x147: {  	[sflag:s17] =	ssyncadd.s32 $0xFFFFF800  }
0x148: {  	_ =	swait.ge [sflag:s18], $0x800  }
0x149: {  	[sflag:s18] =	ssyncset.done $0x0  }
0x14a: {  	[sflag:s18] =	ssyncadd.s32 $0xFFFFF800  }
0x14b: {  	_ =	swait.ge [sflag:s17], $0x800  }
0x14c: {  	[sflag:s17] =	ssyncset.done $0x0  }
0x14d: {  	[sflag:s17] =	ssyncadd.s32 $0xFFFFF800  }
0x14e: {  	_ =	swait.ge [sflag:s18], $0x800  }
0x14f: {  	[sflag:s18] =	ssyncset.done $0x0  }
0x150: {  	[sflag:s18] =	ssyncadd.s32 $0xFFFFF800  }
0x151: {  	_ =	swait.ge [sflag:s17], $0x800  }
0x152: {  	[sflag:s17] =	ssyncset.done $0x0  }
0x153: {  	[sflag:s17] =	ssyncadd.s32 $0xFFFFF800  }
0x154: {  	_ =	swait.ge [sflag:s18], $0x800  }
0x155: {  	[sflag:s18] =	ssyncset.done $0x0  }
0x156: {  	[sflag:s18] =	ssyncadd.s32 $0xFFFFF800  }
0x157: {  	_ =	swait.ge [sflag:s17], $0x800  }
0x158: {  	[sflag:s17] =	ssyncset.done $0x0  }
0x159: {  	[sflag:s17] =	ssyncadd.s32 $0xFFFFF800  }
0x15a: {  	_ =	swait.ge [sflag:s18], $0x800  }
0x15b: {  	[sflag:s18] =	ssyncset.done $0x0  }
0x15c: {  	[sflag:s18] =	ssyncadd.s32 $0xFFFFF800  }
0x15d: {  	_ =	swait.ge [sflag:s17], $0x800  }
0x15e: {  	[sflag:s17] =	ssyncset.done $0x0  }
0x15f: {  	[sflag:s17] =	ssyncadd.s32 $0xFFFFF800  }
0x160: {  	_ =	swait.ge [sflag:s18], $0x800  }
0x161: {  	[sflag:s18] =	ssyncset.done $0x0  }
0x162: {  	[sflag:s18] =	ssyncadd.s32 $0xFFFFF800  }
0x163: {  	_ =	swait.ge [sflag:s17], $0x800  }
0x164: {  	[sflag:s17] =	ssyncset.done $0x0  }
0x165: {  	[sflag:s17] =	ssyncadd.s32 $0xFFFFF800  }
0x166: {  	_ =	swait.ge [sflag:s18], $0x800  }
0x167: {  	[sflag:s18] =	ssyncset.done $0x0  }
0x168: {  	[sflag:s18] =	ssyncadd.s32 $0xFFFFF800  }
0x169: {  	_ =	swait.ge [sflag:s17], $0x800  }
0x16a: {  	[sflag:s17] =	ssyncset.done $0x0  }
0x16b: {  	[sflag:s17] =	ssyncadd.s32 $0xFFFFF800  }
0x16c: {  	_ =	swait.ge [sflag:s18], $0x800  }
0x16d: {  	[sflag:s18] =	ssyncset.done $0x0  }
0x16e: {  	[sflag:s18] =	ssyncadd.s32 $0xFFFFF800  }
0x16f: {  	_ =	swait.ge [sflag:s17], $0x800  }
0x170: {  	[sflag:s17] =	ssyncset.done $0x0  }
0x171: {  	[sflag:s17] =	ssyncadd.s32 $0xFFFFF800  }
0x172: {  	_ =	swait.ge [sflag:s18], $0x800  }
0x173: {  	[sflag:s18] =	ssyncset.done $0x0  }
0x174: {  	[sflag:s18] =	ssyncadd.s32 $0xFFFFF800  }
0x175: {  	v2 =	vld [tilespmem:s22+$0x400]  }
0x176: {  	v3 =	vld [tilespmem:s22+$0x600];
	_ =	sdelay $0x3  }
0x177: {  	(v2sf) =	vpush v2, $0x0  }
0x178: {  	(v2sf) =	vpush v3, $0x0  }
0x179: {  	(v2sf) =	vpush v2, $0x1  }
0x17a: {  	(v2sf) =	vpush v3, $0x1  }
0x17b: {  	(v2sf) =	vpush v2, $0x2  }
0x17c: {  	(v2sf) =	vpush v3, $0x2  }
0x17d: {  	(v2sf) =	vpush v2, $0x3  }
0x17e: {  	(v2sf) =	vpush v3, $0x3  }
0x17f: {  	(v2sf) =	vpush v2, $0x4  }
0x180: {  	(v2sf) =	vpush v3, $0x4  }
0x181: {  	(v2sf) =	vpush v2, $0x5  }
0x182: {  	(v2sf) =	vpush v3, $0x5  }
0x183: {  	(v2sf) =	vpush v2, $0x6  }
0x184: {  	(v2sf) =	vpush v3, $0x6  }
0x185: {  	(v2sf) =	vpush v2, $0x7  }
0x186: {  	s26 =	spop (v2sf);
	(v2sf) =	vpush v3, $0x7  }
0x187: {  	s24 =	spop (v2sf);
	s23 =	sand.u32 $0x7F, s26  }
0x188: {  	v2 =	vor.u32 s23, v1;
	s26 =	spop (v2sf);
	s24 =	sand.u32 $0x7F, s24  }
0x189: {  	v3 =	vor.u32 s24, v1;
	s24 =	spop (v2sf);
	s23 =	sand.u32 $0x7F, s26  }
0x18a: {  	v4 =	vor.u32 s23, v1;
	s26 =	spop (v2sf);
	s24 =	sand.u32 $0x7F, s24  }
0x18b: {  	v5 =	vor.u32 s24, v1;
	s24 =	spop (v2sf);
	s23 =	sand.u32 $0x7F, s26  }
0x18c: {  	v6 =	vor.u32 s23, v1;
	s26 =	spop (v2sf);
	s24 =	sand.u32 $0x7F, s24  }
0x18d: {  	v7 =	vor.u32 s24, v1;
	s24 =	spop (v2sf);
	v2 =	vld.idx.msk [tilespmem:v2+s25+$0x0], $0xffff;
	s23 =	sand.u32 $0x7F, s26;
	s26 =	simm.s32 $0x8A00  }
0x18e: {  	v8 =	vor.u32 s23, v1;
	s23 =	spop (v2sf);
	v3 =	vld.idx.msk [tilespmem:v3+s26+$0x0], $0xffff;
	s24 =	sand.u32 $0x7F, s24;
	s26 =	simm.s32 $0x1200  }
0x18f: {  	v9 =	vor.u32 s24, v1;
	s24 =	spop (v2sf);
	v4 =	vld.idx.msk [tilespmem:v4+s26+$0x0], $0xffff;
	s23 =	sand.u32 $0x7F, s23;
	s26 =	simm.s32 $0x9200  }
0x190: {  	v10 =	vor.u32 s23, v1;
	s23 =	spop (v2sf);
	v5 =	vld.idx.msk [tilespmem:v5+s26+$0x0], $0xffff;
	s24 =	sand.u32 $0x7F, s24;
	s26 =	simm.s32 $0x1A00  }
0x191: {  	v11 =	vor.u32 s24, v1;
	s24 =	spop (v2sf);
	v6 =	vld.idx.msk [tilespmem:v6+s26+$0x0], $0xffff;
	s23 =	sand.u32 $0x7F, s23;
	s26 =	simm.s32 $0x9A00  }
0x192: {  	v12 =	vor.u32 s23, v1;
	s23 =	spop (v2sf);
	v7 =	vld.idx.msk [tilespmem:v7+s26+$0x0], $0xffff;
	s24 =	sand.u32 $0x7F, s24;
	s26 =	simm.s32 $0x2200  }
0x193: {  	v13 =	vor.u32 s24, v1;
	s24 =	spop (v2sf);
	v8 =	vld.idx.msk [tilespmem:v8+s26+$0x0], $0xffff;
	s23 =	sand.u32 $0x7F, s23;
	s26 =	simm.s32 $0xA200  }
0x194: {  	v14 =	vor.u32 s23, v1;
	s23 =	spop (v2sf);
	v9 =	vld.idx.msk [tilespmem:v9+s26+$0x0], $0xffff;
	s24 =	sand.u32 $0x7F, s24;
	s26 =	simm.s32 $0x2A00  }
0x195: {  	v10 =	vld.idx.msk [tilespmem:v10+s26+$0x0], $0xffff;
	v15 =	vor.u32 s24, v1;
	s23 =	sand.u32 $0x7F, s23;
	s24 =	spop (v2sf);
	s26 =	simm.s32 $0xAA00  }
0x196: {  	v16 =	vor.u32 s23, v1;
	v11 =	vld.idx.msk [tilespmem:v11+s26+$0x0], $0xffff;
	s26 =	sand.u32 $0x7F, s24;
	s24 =	simm.s32 $0x3200  }
0x197: {  	v17 =	vor.u32 s26, v1;
	v12 =	vld.idx.msk [tilespmem:v12+s24+$0x0], $0xffff;
	s26 =	simm.s32 $0xB200  }
0x198: {  	s24 =	simm.s32 $0x3A00;
	v13 =	vld.idx.msk [tilespmem:v13+s26+$0x0], $0xffff  }
0x199: {  	s26 =	simm.s32 $0xBA00;
	v14 =	vld.idx.msk [tilespmem:v14+s24+$0x0], $0xffff  }
0x19a: {  	v2 =	vmul.f32 v3, v2;
	s24 =	simm.s32 $0x4200;
	v3 =	vld.idx.msk [tilespmem:v15+s26+$0x0], $0xffff  }
0x19b: {  	v4 =	vmul.f32 v5, v4;
	s26 =	simm.s32 $0xC200;
	v5 =	vld.idx.msk [tilespmem:v16+s24+$0x0], $0xffff  }
0x19c: {  	(xrf2) =	vadd.scan.msk.f32 $0xffff, v2;
	v2 =	vmul.f32 v7, v6;
	v6 =	vld.idx.msk [tilespmem:v17+s26+$0x0], $0xffff  }
0x19d: {  	(xrf2) =	vadd.scan.msk.f32 $0xffff, v4;
	v4 =	vmul.f32 v9, v8  }
0x19e: {  	(xrf2) =	vadd.scan.msk.f32 $0xffff, v2;
	v2 =	vmul.f32 v11, v10  }
0x19f: {  	(xrf2) =	vadd.scan.msk.f32 $0xffff, v4;
	v4 =	vmul.f32 v13, v12  }
0x1a0: {  	(xrf2) =	vadd.scan.msk.f32 $0xffff, v2;
	v2 =	vmul.f32 v3, v14  }
0x1a1: {  	(xrf2) =	vadd.scan.msk.f32 $0xffff, v4;
	v3 =	vmul.f32 v6, v5  }
0x1a2: {  	(xrf2) =	vadd.scan.msk.f32 $0xffff, v2  }
0x1a3: {  	(xrf2) =	vadd.scan.msk.f32 $0xffff, v3;
	_ =	sdelay $0x2  }
0x1a4: {  	v8, _, _ =	vpop (xrf2)  }
0x1a5: {  	v9, _, _ =	vpop (xrf2)  }
0x1a6: {  	p0 =	seq.s32 s21, $0x7C0;
	v7, _, _ =	vpop (xrf2)  }
.Ltmp5:
0x1a7: {  	v6, _, _ =	vpop (xrf2);
	(pc) =	sbr.rel @p0 .LBB2_6-.Ltmp5, $4  }
0x1a8: {  	v5, _, _ =	vpop (xrf2)  }
0x1a9: {  	v4, _, _ =	vpop (xrf2)  }
0x1aa: {  	v3, _, _ =	vpop (xrf2)  }
0x1ab: {  	v2, _, _ =	vpop (xrf2)  }
0x1ac: {  	v10 =	vld [tilespmem:s22+$0x410];
	_ =	sdelay $0x1  }
0x1ad: {  	v11 =	vld [tilespmem:s22+$0x610];
	_ =	sdelay $0x2  }
0x1ae: {  	(v2sf) =	vpush v10, $0x0;
	_ =	sdelay $0x1  }
0x1af: {  	(v2sf) =	vpush v11, $0x0;
	_ =	sdelay $0x4  }
0x1b0: {  	(v2sf) =	vpush v10, $0x1;
	_ =	sdelay $0x1  }
0x1b1: {  	(v2sf) =	vpush v11, $0x1;
	_ =	sdelay $0x5  }
0x1b2: {  	s23 =	spop (v2sf);
	(v2sf) =	vpush v10, $0x2  }
0x1b3: {  	s23 =	sand.u32 $0xFFFFF80, s23  }
0x1b4: {  	s26 =	spop (v2sf);
	(v2sf) =	vpush v11, $0x2;
	s23 =	sadd.s32 s1, s23  }
0x1b5: {  	[tilespmem:s25], [sflag:$0x1] =	stream.strided.gather [hbm4b:s23+s9], $0x800, s10, s9, $0x38;
	[tilespmem:$0x10A00] =	vst v63  }
0x1b6: {  	s23 =	sand.u32 $0xFFFFF80, s26  }
0x1b7: {  	s24 =	simm.s32 $0x8A00;
	s23 =	sadd.s32 s3, s23  }
0x1b8: {  	[tilespmem:s24], [sflag:$0x2] =	stream.strided.gather [hbm4b:s23+s9], $0x800, s10, s9, $0x38;
	[tilespmem:$0x10A00] =	vst v63  }
0x1b9: {  	s24 =	spop (v2sf);
	(v2sf) =	vpush v10, $0x3;
	_ =	sdelay $0x1  }
0x1ba: {  	s23 =	sand.u32 $0xFFFFF80, s24;
	s24 =	spop (v2sf);
	(v2sf) =	vpush v11, $0x3;
	_ =	sdelay $0x2  }
0x1bb: {  	s26 =	simm.s32 $0x1200;
	s23 =	sadd.s32 s1, s23  }
0x1bc: {  	[tilespmem:s26], [sflag:$0x1] =	stream.strided.gather [hbm4b:s23+s9], $0x800, s10, s9, $0x38;
	[tilespmem:$0x10A00] =	vst v63  }
0x1bd: {  	s23 =	sand.u32 $0xFFFFF80, s24  }
0x1be: {  	s26 =	simm.s32 $0x9200;
	s23 =	sadd.s32 s3, s23;
	s24 =	spop (v2sf);
	(v2sf) =	vpush v10, $0x4  }
0x1bf: {  	[tilespmem:s26], [sflag:$0x2] =	stream.strided.gather [hbm4b:s23+s9], $0x800, s10, s9, $0x38;
	[tilespmem:$0x10A00] =	vst v63  }
0x1c0: {  	s23 =	sand.u32 $0xFFFFF80, s24;
	s24 =	spop (v2sf);
	(v2sf) =	vpush v11, $0x4;
	_ =	sdelay $0x1  }
0x1c1: {  	s26 =	simm.s32 $0x1A00;
	s23 =	sadd.s32 s1, s23  }
0x1c2: {  	[tilespmem:s26], [sflag:$0x1] =	stream.strided.gather [hbm4b:s23+s9], $0x800, s10, s9, $0x38;
	[tilespmem:$0x10A00] =	vst v63  }
0x1c3: {  	s23 =	sand.u32 $0xFFFFF80, s24  }
0x1c4: {  	s26 =	simm.s32 $0x9A00;
	s23 =	sadd.s32 s3, s23;
	s24 =	spop (v2sf);
	(v2sf) =	vpush v10, $0x5  }
0x1c5: {  	[tilespmem:s26], [sflag:$0x2] =	stream.strided.gather [hbm4b:s23+s9], $0x800, s10, s9, $0x38;
	[tilespmem:$0x10A00] =	vst v63  }
0x1c6: {  	s23 =	sand.u32 $0xFFFFF80, s24;
	s24 =	spop (v2sf);
	(v2sf) =	vpush v11, $0x5;
	_ =	sdelay $0x2  }
0x1c7: {  	s26 =	simm.s32 $0x2200;
	s23 =	sadd.s32 s1, s23  }
0x1c8: {  	[tilespmem:s26], [sflag:$0x1] =	stream.strided.gather [hbm4b:s23+s9], $0x800, s10, s9, $0x38;
	[tilespmem:$0x10A00] =	vst v63  }
0x1c9: {  	s23 =	sand.u32 $0xFFFFF80, s24  }
0x1ca: {  	s26 =	simm.s32 $0xA200;
	s23 =	sadd.s32 s3, s23;
	s24 =	spop (v2sf);
	(v2sf) =	vpush v10, $0x6  }
0x1cb: {  	[tilespmem:s26], [sflag:$0x2] =	stream.strided.gather [hbm4b:s23+s9], $0x800, s10, s9, $0x38;
	[tilespmem:$0x10A00] =	vst v63  }
0x1cc: {  	s23 =	sand.u32 $0xFFFFF80, s24;
	s24 =	spop (v2sf);
	(v2sf) =	vpush v11, $0x6;
	_ =	sdelay $0x1  }
0x1cd: {  	s26 =	simm.s32 $0x2A00;
	s23 =	sadd.s32 s1, s23  }
0x1ce: {  	[tilespmem:s26], [sflag:$0x1] =	stream.strided.gather [hbm4b:s23+s9], $0x800, s10, s9, $0x38;
	[tilespmem:$0x10A00] =	vst v63  }
0x1cf: {  	s23 =	sand.u32 $0xFFFFF80, s24  }
0x1d0: {  	s26 =	simm.s32 $0xAA00;
	s23 =	sadd.s32 s3, s23;
	s24 =	spop (v2sf);
	(v2sf) =	vpush v10, $0x7  }
0x1d1: {  	[tilespmem:s26], [sflag:$0x2] =	stream.strided.gather [hbm4b:s23+s9], $0x800, s10, s9, $0x38;
	[tilespmem:$0x10A00] =	vst v63  }
0x1d2: {  	s23 =	sand.u32 $0xFFFFF80, s24;
	s24 =	spop (v2sf);
	(v2sf) =	vpush v11, $0x7  }
0x1d3: {  	s26 =	simm.s32 $0x3200;
	s23 =	sadd.s32 s1, s23  }
0x1d4: {  	[tilespmem:s26], [sflag:$0x1] =	stream.strided.gather [hbm4b:s23+s9], $0x800, s10, s9, $0x38;
	[tilespmem:$0x10A00] =	vst v63  }
0x1d5: {  	s23 =	sand.u32 $0xFFFFF80, s24  }
0x1d6: {  	s26 =	simm.s32 $0xB200;
	s23 =	sadd.s32 s3, s23  }
0x1d7: {  	[tilespmem:s26], [sflag:$0x2] =	stream.strided.gather [hbm4b:s23+s9], $0x800, s10, s9, $0x38;
	[tilespmem:$0x10A00] =	vst v63  }
0x1d8: {  	s24 =	spop (v2sf)  }
0x1d9: {  	s23 =	sand.u32 $0xFFFFF80, s24  }
0x1da: {  	s26 =	simm.s32 $0x3A00;
	s24 =	spop (v2sf);
	s23 =	sadd.s32 s1, s23  }
0x1db: {  	[tilespmem:s26], [sflag:$0x1] =	stream.strided.gather [hbm4b:s23+s9], $0x800, s10, s9, $0x38;
	[tilespmem:$0x10A00] =	vst v63  }
0x1dc: {  	s23 =	sand.u32 $0xFFFFF80, s24  }
0x1dd: {  	s26 =	simm.s32 $0xBA00;
	s23 =	sadd.s32 s3, s23  }
0x1de: {  	[tilespmem:s26], [sflag:$0x2] =	stream.strided.gather [hbm4b:s23+s9], $0x800, s10, s9, $0x38;
	[tilespmem:$0x10A00] =	vst v63  }
0x1df: {  	s24 =	spop (v2sf)  }
0x1e0: {  	s26 =	simm.s32 $0x4200;
	s23 =	sand.u32 $0xFFFFF80, s24  }
.Ltmp6:
0x1e1: {  	s24 =	spop (v2sf);
	s23 =	sadd.s32 s1, s23;
	(pc) =	sbr.rel .LBB2_6-.Ltmp6, $4  }
0x1e2: {  	[tilespmem:s26], [sflag:$0x1] =	stream.strided.gather [hbm4b:s23+s9], $0x800, s10, s9, $0x38;
	[tilespmem:$0x10A00] =	vst v63  }
0x1e3: {  	s23 =	sand.u32 $0xFFFFF80, s24  }
0x1e4: {  	s26 =	simm.s32 $0xC200;
	s23 =	sadd.s32 s3, s23  }
0x1e5: {  	[tilespmem:s26], [sflag:$0x2] =	stream.strided.gather [hbm4b:s23+s9], $0x800, s10, s9, $0x38;
	[tilespmem:$0x10A00] =	vst v63  }
.LBB2_8:
0x1e6: {  	_ =	sfence.sel $0x180000  }
0x1e7: {  	[bflag:$0x0] =	sbarrier.arrive $0xFFFF  }
0x1e8: {  	_ =	strace $0x90000047  }
0x1e9: {  	s0 =	stileid.u32;
	[bflag:$0x2] =	sbarrier.arrive $0xFFFF  }
0x1ea: {  	p0 =	sne.s32 s0, $0x0;
	s0 =	rddreg [dreg:$0x4]  }
0x1eb: {  	s0 =	sadd.s32 @!p0 $0x100000, s0  }
0x1ec: {  	[sflag:s0] =	ssyncadd.tile.s32 @!p0 $0x1;
	_ =	shalt  }
.Lfunc_end2:
_tile_overlayer_lowered:
.L_overlay_start_2:
0x1ed: {  	(tag) =	ssettag $0x2  }
0x1ee: {  	s0 =	rddreg [dreg:$0x0];
	s2 =	stileid.u32  }
0x1ef: {  	s1 =	rddreg [dreg:$0x1];
	p0 =	sne.s32 s2, $0x0  }
0x1f0: {  	s3 =	rddreg [dreg:$0x2];
	[bflag:$0x3] =	sbarrier.arrive $0xFFFF;
	s2 =	simm.s32 @!p0 $0x1C05  }
0x1f1: {  	[timem:s3], [sflag:s2] =	dma.local @!p0 [hbm:s0], s1  }
0x1f2: {  	s0 =	simm.s32 @!p0 $0x5  }
0x1f3: {  	_ =	swait.ge @!p0 [sflag:s0], s1  }
0x1f4: {  	s1 =	ssub.s32 @!p0 $0x0, s1;
	[sflag:s0] =	ssyncset.done @!p0 $0x0  }
0x1f5: {  	[sflag:s0] =	ssyncadd.s32 @!p0 s1  }
0x1f6: {  	[bflag:$0x3] =	sbarrier.arrive $0xFFFF  }
0x1f7: {  	_ =	shalt  }

</sc_bundles>
